<compile_context>
chip_gen: v7x
topology: tpu7x:2x2x1
jax: 0.10.2.dev20260603
libtpu: 0.0.44.dev20260713+nightly
codegen_flags: <defaults>
</compile_context>

<pallas_src>
import functools

import jax
import jax.numpy as jnp
from jax import lax
from jax.experimental import pallas as pl
from jax.experimental.pallas import tpu as pltpu
from jax.experimental.pallas import tpu_sc as plsc

N = 10000
E = 320000
D = 128
G = 64
OUT = 10

NC = 2
NS = 16
CH = 80

E_PER_SC = E // NC
NCH = E // (NC * NS * CH)
RPT = 624
RPT_LAST = N - RPT * (NS - 1)
ZR = 208


def _segment_sum_sc(x, src, dst3, zrows):
    mesh = plsc.VectorSubcoreMesh(core_axis_name="c", subcore_axis_name="s")

    @functools.partial(
        pl.kernel,
        mesh=mesh,
        out_type=jax.ShapeDtypeStruct((NC, N, D), jnp.float32),
        scratch_types=[
            pltpu.VMEM((NCH * CH,), jnp.int32),
            [pltpu.VMEM((CH,), jnp.int32) for _ in range(3)],
            [pltpu.VMEM((CH, D), jnp.float32) for _ in range(3)],
            pltpu.VMEM_SHARED((N, D), jnp.float32),
            [pltpu.SemaphoreType.DMA for _ in range(3)],
            [pltpu.SemaphoreType.DMA for _ in range(3)],
            pltpu.SemaphoreType.DMA,
        ],
    )
    def k(x_hbm, src_hbm, dst3_hbm, z_hbm, out_hbm, src_all, dv, buf,
          acc, sg, ss, sz):
        cid = lax.axis_index("c")
        sid = lax.axis_index("s")

        base_e = cid * E_PER_SC + sid * (NCH * CH)
        base_c = base_e // CH

        def start_chunk(i, slot):
            pltpu.async_copy(dst3_hbm.at[base_c + i, 0], dv[slot], sg[slot])
            pltpu.async_copy(x_hbm.at[src_all.at[pl.ds(i * CH, CH)]],
                             buf[slot], sg[slot])

        def wait_chunk(slot):
            pltpu.make_async_copy(dst3_hbm.at[0, 0], dv[slot], sg[slot]).wait()
            pltpu.make_async_copy(x_hbm.at[pl.ds(0, CH)], buf[slot],
                                  sg[slot]).wait()

        def start_scatter(i, slot):
            pltpu.async_copy(buf[slot], acc.at[dv[slot]], ss[slot],
                             add=True)

        def wait_scatter(slot):
            pltpu.make_async_copy(buf[slot], acc.at[dv[slot]],
                                  ss[slot]).wait()

        pltpu.sync_copy(src_hbm.at[pl.ds(base_e, NCH * CH)], src_all)
        start_chunk(0, 0)
        start_chunk(1, 1)

        rbase = sid * RPT
        for j in range(RPT // ZR):
            pltpu.async_copy(z_hbm, acc.at[pl.ds(rbase + j * ZR, ZR)], sz)

        @pl.when(sid == NS - 1)
        def _():
            pltpu.async_copy(z_hbm.at[pl.ds(0, RPT_LAST - RPT)],
                             acc.at[pl.ds(rbase + RPT, RPT_LAST - RPT)], sz)

        for j in range(RPT // ZR):
            pltpu.make_async_copy(z_hbm, acc.at[pl.ds(rbase, ZR)], sz).wait()

        @pl.when(sid == NS - 1)
        def _():
            pltpu.make_async_copy(z_hbm.at[pl.ds(0, RPT_LAST - RPT)],
                                  acc.at[pl.ds(rbase, RPT_LAST - RPT)],
                                  sz).wait()

        plsc.subcore_barrier()

        wait_chunk(0)
        start_chunk(2, 2)
        start_scatter(0, 0)
        wait_chunk(1)
        wait_scatter(0)
        start_chunk(3, 0)
        start_scatter(1, 1)

        def tri(g, carry):
            for h in (0, 1, 2):
                i = 2 + g * 3 + h
                sl = (2 + h) % 3
                wait_chunk(sl)
                wait_scatter((sl + 2) % 3)
                start_chunk(i + 2, (sl + 2) % 3)
                start_scatter(i, sl)
            return carry

        lax.fori_loop(0, (NCH - 5) // 3, tri, 0)
        wait_chunk(2)
        wait_scatter(1)
        start_chunk(NCH - 1, 1)
        start_scatter(NCH - 3, 2)
        wait_chunk(0)
        wait_scatter(2)
        start_scatter(NCH - 2, 0)
        wait_chunk(1)
        wait_scatter(0)
        start_scatter(NCH - 1, 1)
        wait_scatter(1)

        plsc.subcore_barrier()

        @pl.when(sid < NS - 1)
        def _():
            pltpu.sync_copy(
                acc.at[pl.ds(rbase, RPT)],
                out_hbm.at[cid, pl.ds(rbase, RPT)],
            )

        @pl.when(sid == NS - 1)
        def _():
            pltpu.sync_copy(
                acc.at[pl.ds(rbase, RPT_LAST)],
                out_hbm.at[cid, pl.ds(rbase, RPT_LAST)],
            )

    return k(x, src, dst3, zrows)


def _gconv_dense_tc(partials, x, Wrel, Wroot, brel):
    RB = 1000

    def body(p_ref, x_ref, wr_ref, wo_ref, b_ref, o_ref):
        agg = p_ref[0] + p_ref[1]
        h = jnp.dot(agg, wr_ref[...], preferred_element_type=jnp.float32)
        h = h + jnp.dot(x_ref[...], wo_ref[...],
                        preferred_element_type=jnp.float32)
        o_ref[...] = jnp.maximum(h + b_ref[...], 0.0)

    return pl.pallas_call(
        body,
        grid=(N // RB,),
        in_specs=[
            pl.BlockSpec((NC, RB, D), lambda i: (0, i, 0)),
            pl.BlockSpec((RB, D), lambda i: (i, 0)),
            pl.BlockSpec((D, D), lambda i: (0, 0)),
            pl.BlockSpec((D, D), lambda i: (0, 0)),
            pl.BlockSpec((1, D), lambda i: (0, 0)),
        ],
        out_specs=pl.BlockSpec((RB, D), lambda i: (i, 0)),
        out_shape=jax.ShapeDtypeStruct((N, D), jnp.float32),
    )(partials, x, Wrel, Wroot, brel.reshape(1, D))


def _gconv3_classifier_tc(partials, x, Wrel, Wroot, brel,
                          Wlin1, blin1, batch3, Wfin):
    RB = 1000
    GRID = N // RB

    def body(p_ref, x_ref, wr_ref, wo_ref, b_ref, b3_ref, w1_ref, b1_ref,
             wf_ref, o_ref, acc_ref):
        i = pl.program_id(0)

        @pl.when(i == 0)
        def _():
            acc_ref[...] = jnp.zeros_like(acc_ref)

        agg = p_ref[0] + p_ref[1]
        h = jnp.dot(agg, wr_ref[...], preferred_element_type=jnp.float32)
        h = h + jnp.dot(x_ref[...], wo_ref[...],
                        preferred_element_type=jnp.float32)
        h = jnp.maximum(h + b_ref[...], 0.0)
        z = jnp.dot(h, w1_ref[...], preferred_element_type=jnp.float32)
        z = jnp.maximum(z + b1_ref[...], 0.0)
        segs = lax.broadcasted_iota(jnp.int32, (G, RB), 0)
        oh = (segs == b3_ref[0]).astype(jnp.float32)
        acc_ref[:, :D] += jnp.dot(oh, z, preferred_element_type=jnp.float32)
        cnt = jnp.sum(oh, axis=1)
        col = lax.broadcasted_iota(jnp.int32, (G, 16), 1)
        acc_ref[:, D:] += jnp.where(col == 0, cnt[:, None], 0.0)

        @pl.when(i == GRID - 1)
        def _():
            o_ref[...] = jnp.dot(
                acc_ref[...], wf_ref[...], preferred_element_type=jnp.float32
            )

    return pl.pallas_call(
        body,
        grid=(GRID,),
        in_specs=[
            pl.BlockSpec((NC, RB, D), lambda i: (0, i, 0)),
            pl.BlockSpec((RB, D), lambda i: (i, 0)),
            pl.BlockSpec((D, D), lambda i: (0, 0)),
            pl.BlockSpec((D, D), lambda i: (0, 0)),
            pl.BlockSpec((1, D), lambda i: (0, 0)),
            pl.BlockSpec((1, 1, RB), lambda i: (i, 0, 0)),
            pl.BlockSpec((D, D), lambda i: (0, 0)),
            pl.BlockSpec((1, D), lambda i: (0, 0)),
            pl.BlockSpec((D + 16, D), lambda i: (0, 0)),
        ],
        out_specs=pl.BlockSpec((G, D), lambda i: (0, 0)),
        out_shape=jax.ShapeDtypeStruct((G, D), jnp.float32),
        scratch_shapes=[pltpu.VMEM((G, D + 16), jnp.float32)],
    )(partials, x, Wrel, Wroot, brel.reshape(1, D), batch3,
      Wlin1, blin1.reshape(1, D), Wfin)


def kernel(x, edge_index, batch,
           Wrel0, brel0, Wroot0,
           Wrel1, brel1, Wroot1,
           Wrel2, brel2, Wroot2,
           Wlin1, blin1, Wlin2, blin2):
    src = edge_index[0]
    dst3 = edge_index[1].reshape(E // CH, 1, CH)
    zrows = jnp.zeros((ZR, D), jnp.float32)

    h = x
    for Wrel, brel, Wroot in (
        (Wrel0, brel0, Wroot0),
        (Wrel1, brel1, Wroot1),
    ):
        partials = _segment_sum_sc(h, src, dst3, zrows)
        h = _gconv_dense_tc(partials, h, Wrel, Wroot, brel)

    Wfin = jnp.zeros((D + 16, D), jnp.float32)
    Wfin = Wfin.at[:D, :OUT].set(Wlin2)
    Wfin = Wfin.at[D, :OUT].set(blin2)
    batch3 = batch.reshape(N // 1000, 1, 1000)

    partials = _segment_sum_sc(h, src, dst3, zrows)
    out = _gconv3_classifier_tc(partials, h, Wrel2, Wroot2, brel2,
                                Wlin1, blin1, batch3, Wfin)
    return out[:, :OUT]

# --- scband reference (transcript-rebuilt; emitter-appended) ---
"""Pipeline reference for scband-gcn-13151189860867 (READ-ONLY COPY).

The authoritative reference and input builder live on the scoring server;
editing this copy changes nothing except your own understanding.
"""

import jax, jax.numpy as jnp
import numpy as np

N = 10000
E = 320000
D = 128
G = 64
OUT = 10


def setup_inputs(seed: int = 0) -> dict:
    key = jax.random.key(seed)
    ks = jax.random.split(key, 16)

    def mk(k, shape):
        return jax.random.normal(k, shape, dtype=jnp.float32) * 0.05

    x = jax.random.normal(ks[0], (N, D), dtype=jnp.float32)
    edge_index = jax.random.randint(ks[1], (2, E), 0, N, dtype=jnp.int32)
    batch = jnp.sort(jax.random.randint(ks[2], (N,), 0, G, dtype=jnp.int32))

    inp = {"x": x, "edge_index": edge_index, "batch": batch}
    # 3 GraphConv layers (128->128, 128->128, 128->128): lin_rel (W,b) + lin_root (W, no bias)
    inp["Wrel0"] = mk(ks[3], (D, D)); inp["brel0"] = jnp.zeros((D,), jnp.float32); inp["Wroot0"] = mk(ks[4], (D, D))
    inp["Wrel1"] = mk(ks[5], (D, D)); inp["brel1"] = jnp.zeros((D,), jnp.float32); inp["Wroot1"] = mk(ks[6], (D, D))
    inp["Wrel2"] = mk(ks[7], (D, D)); inp["brel2"] = jnp.zeros((D,), jnp.float32); inp["Wroot2"] = mk(ks[8], (D, D))
    # classifier MLP: Linear(128,128) then Linear(128,10)
    inp["Wlin1"] = mk(ks[9], (D, D)); inp["blin1"] = jnp.zeros((D,), jnp.float32)
    inp["Wlin2"] = mk(ks[10], (D, OUT)); inp["blin2"] = jnp.zeros((OUT,), jnp.float32)
    return inp


def _graph_conv(x, edge_index, Wrel, brel, Wroot):
    # PyG GraphConv with aggr='add':
    # out[i] = lin_rel(sum_{j in N(i)} x[j]) + lin_root(x[i])
    src = edge_index[0]
    dst = edge_index[1]
    agg = jax.ops.segment_sum(x[src], dst, num_segments=x.shape[0])
    return agg @ Wrel + brel + x @ Wroot


def reference(x, edge_index, batch,
              Wrel0, brel0, Wroot0,
              Wrel1, brel1, Wroot1,
              Wrel2, brel2, Wroot2,
              Wlin1, blin1, Wlin2, blin2):
    h = jax.nn.relu(_graph_conv(x, edge_index, Wrel0, brel0, Wroot0))
    h = jax.nn.relu(_graph_conv(h, edge_index, Wrel1, brel1, Wroot1))
    h = jax.nn.relu(_graph_conv(h, edge_index, Wrel2, brel2, Wroot2))
    h = jax.nn.relu(h @ Wlin1 + blin1)
    h = h @ Wlin2 + blin2
    # global_add_pool
    out = jax.ops.segment_sum(h, batch, num_segments=G)
    return out

if __name__ == "__main__":
    import jax
    _d = setup_inputs()
    print(jax.jit(kernel)(*tuple(_d.values())))

</pallas_src>

<mosaic_0001>
#map = affine_map<(d0, d1) -> (0, 0)>
#map1 = affine_map<(d0, d1) -> (0)>
#map2 = affine_map<(d0, d1) -> (0, 0, 0)>
module attributes {stable_mosaic.version = 14 : i64} {
  func.func @k(%arg0: i32, %arg1: i32, %arg2: memref<10000x128xf32, #tpu.memory_space<hbm>>, %arg3: memref<320000xi32, #tpu.memory_space<hbm>>, %arg4: memref<4000x1x80xi32, #tpu.memory_space<hbm>>, %arg5: memref<208x128xf32, #tpu.memory_space<hbm>>, %arg6: memref<2x10000x128xf32, #tpu.memory_space<hbm>>, %arg7: memref<10000xi32, #tpu.memory_space<vmem>>, %arg8: memref<80xi32, #tpu.memory_space<vmem>>, %arg9: memref<80xi32, #tpu.memory_space<vmem>>, %arg10: memref<80xi32, #tpu.memory_space<vmem>>, %arg11: memref<80x128xf32, #tpu.memory_space<vmem>>, %arg12: memref<80x128xf32, #tpu.memory_space<vmem>>, %arg13: memref<80x128xf32, #tpu.memory_space<vmem>>, %arg14: memref<10000x128xf32, #tpu.memory_space<vmem_shared>>, %arg15: memref<!tpu.dma_semaphore, #tpu.memory_space<semaphore_mem>>, %arg16: memref<!tpu.dma_semaphore, #tpu.memory_space<semaphore_mem>>, %arg17: memref<!tpu.dma_semaphore, #tpu.memory_space<semaphore_mem>>, %arg18: memref<!tpu.dma_semaphore, #tpu.memory_space<semaphore_mem>>, %arg19: memref<!tpu.dma_semaphore, #tpu.memory_space<semaphore_mem>>, %arg20: memref<!tpu.dma_semaphore, #tpu.memory_space<semaphore_mem>>, %arg21: memref<!tpu.dma_semaphore, #tpu.memory_space<semaphore_mem>>) attributes {dimension_semantics = [#tpu.dimension_semantics<core_parallel>, #tpu.dimension_semantics<subcore_parallel>], iteration_bounds = array<i64: 2, 16>, scalar_prefetch = 0 : i64, scratch_operands = 15 : i64, tpu.core_type = #tpu.core_type<sc_vector_subcore>, window_params = [{transform_indices = #map}, {transform_indices = #map1}, {transform_indices = #map2}, {transform_indices = #map}, {transform_indices = #map2}]} {
    %mul3A = arith.constant 160000 : i32
    %mul3A_0 = arith.muli %arg0, %mul3A : i32
    %mul3A_1 = arith.constant 10000 : i32
    %mul3A_2 = arith.muli %arg1, %mul3A_1 : i32
    %add3A = arith.addi %mul3A_0, %mul3A_2 : i32
    %jit3A = arith.constant 80 : i32
    %div3A = arith.divsi %add3A, %jit3A : i32
    %sign3A = arith.constant 0 : i32
    %sign3A_3 = arith.cmpi sgt, %add3A, %sign3A : i32
    %sign3A_4 = arith.extui %sign3A_3 : i1 to i32
    %sign3A_5 = arith.constant 0 : i32
    %sign3A_6 = arith.cmpi slt, %add3A, %sign3A_5 : i32
    %sign3A_7 = arith.extui %sign3A_6 : i1 to i32
    %sign3A_8 = arith.subi %sign3A_4, %sign3A_7 : i32
    %sign3A_9 = arith.constant 0 : i32
    %sign3A_10 = arith.cmpi sgt, %jit3A, %sign3A_9 : i32
    %sign3A_11 = arith.extui %sign3A_10 : i1 to i32
    %sign3A_12 = arith.constant 0 : i32
    %sign3A_13 = arith.cmpi slt, %jit3A, %sign3A_12 : i32
    %sign3A_14 = arith.extui %sign3A_13 : i1 to i32
    %sign3A_15 = arith.subi %sign3A_11, %sign3A_14 : i32
    %ne3A = arith.cmpi ne, %sign3A_8, %sign3A_15 : i32
    %rem3A = arith.remsi %add3A, %jit3A : i32
    %ne3A_16 = arith.constant 0 : i32
    %ne3A_17 = arith.cmpi ne, %rem3A, %ne3A_16 : i32
    %and3A = arith.andi %ne3A, %ne3A_17 : i1
    %sub3A = arith.constant 1 : i32
    %sub3A_18 = arith.subi %div3A, %sub3A : i32
    %select_n3A = arith.select %and3A, %sub3A_18, %div3A : i32
    "tpu.region"() ({
      %run_scoped3A = tpu.sem_alloc : memref<!tpu.dma_semaphore, #tpu.memory_space<semaphore_mem>>
      %dma_start3A_229 = tpu.memref_slice %arg3[%add3A] : memref<320000xi32, #tpu.memory_space<hbm>> -> memref<10000xi32, #tpu.memory_space<hbm>>
      %dma_start3A_230 = tpu.memref_slice %arg3[%add3A] : memref<320000xi32, #tpu.memory_space<hbm>> -> memref<10000xi32, #tpu.memory_space<hbm>>
      tpu.enqueue_dma source(%dma_start3A_230 : memref<10000xi32, #tpu.memory_space<hbm>>) target(%arg7 : memref<10000xi32, #tpu.memory_space<vmem>>) target_semaphore(%run_scoped3A : memref<!tpu.dma_semaphore, #tpu.memory_space<semaphore_mem>>)
      %dma_wait3A_231 = tpu.memref_slice %arg3[%add3A] : memref<320000xi32, #tpu.memory_space<hbm>> -> memref<10000xi32, #tpu.memory_space<hbm>>
      %dma_wait3A_232 = tpu.memref_slice %arg3[%add3A] : memref<320000xi32, #tpu.memory_space<hbm>> -> memref<10000xi32, #tpu.memory_space<hbm>>
      tpu.wait_dma2 semaphore(%run_scoped3A : memref<!tpu.dma_semaphore, #tpu.memory_space<semaphore_mem>>) src(%dma_wait3A_232 : memref<10000xi32, #tpu.memory_space<hbm>>) dst(%arg7 : memref<10000xi32, #tpu.memory_space<vmem>>)
      tpu.yield
    }) : () -> ()
    %add3A_19 = arith.constant 0 : i32
    %add3A_20 = arith.addi %select_n3A, %add3A_19 : i32
    %dma_start3A = arith.constant 0 : i32
    %dma_start3A_21 = arith.constant 0 : i32
    %dma_start3A_22 = tpu.memref_slice %arg4[%add3A_20, %dma_start3A, %dma_start3A_21] : memref<4000x1x80xi32, #tpu.memory_space<hbm>> -> memref<1x1x80xi32, #tpu.memory_space<hbm>>
    %dma_start3A_23 = tpu.memref_squeeze %dma_start3A_22 : memref<1x1x80xi32, #tpu.memory_space<hbm>> -> memref<80xi32, #tpu.memory_space<hbm>>
    %dma_start3A_24 = arith.constant 0 : i32
    %dma_start3A_25 = tpu.memref_slice %arg4[%add3A_20, %dma_start3A, %dma_start3A_24] : memref<4000x1x80xi32, #tpu.memory_space<hbm>> -> memref<1x1x80xi32, #tpu.memory_space<hbm>>
    %dma_start3A_26 = tpu.memref_squeeze %dma_start3A_25 : memref<1x1x80xi32, #tpu.memory_space<hbm>> -> memref<80xi32, #tpu.memory_space<hbm>>
    tpu.enqueue_dma source(%dma_start3A_26 : memref<80xi32, #tpu.memory_space<hbm>>) target(%arg8 : memref<80xi32, #tpu.memory_space<vmem>>) target_semaphore(%arg15 : memref<!tpu.dma_semaphore, #tpu.memory_space<semaphore_mem>>)
    %dma_start3A_27 = arith.constant 0 : i32
    %dma_start3A_28 = tpu.memref_slice %arg7[%dma_start3A_27] : memref<10000xi32, #tpu.memory_space<vmem>> -> memref<80xi32, #tpu.memory_space<vmem>>
    %dma_start3A_29 = arith.constant 0 : i32
    %dma_start3A_30 = arith.constant 0 : i32
    %dma_start3A_31 = tpu.memref_slice %arg2[%dma_start3A_29, %dma_start3A_30] : memref<10000x128xf32, #tpu.memory_space<hbm>> -> memref<10000x128xf32, #tpu.memory_space<hbm>>
    tpu.enqueue_indirect_dma source(%dma_start3A_31 : memref<10000x128xf32, #tpu.memory_space<hbm>>) target(%arg11 : memref<80x128xf32, #tpu.memory_space<vmem>>) offsets(%dma_start3A_28 : memref<80xi32, #tpu.memory_space<vmem>>) semaphore(%arg15 : memref<!tpu.dma_semaphore, #tpu.memory_space<semaphore_mem>>)
    %add3A_32 = arith.constant 1 : i32
    %add3A_33 = arith.addi %select_n3A, %add3A_32 : i32
    %dma_start3A_34 = arith.constant 0 : i32
    %dma_start3A_35 = arith.constant 0 : i32
    %dma_start3A_36 = tpu.memref_slice %arg4[%add3A_33, %dma_start3A_34, %dma_start3A_35] : memref<4000x1x80xi32, #tpu.memory_space<hbm>> -> memref<1x1x80xi32, #tpu.memory_space<hbm>>
    %dma_start3A_37 = tpu.memref_squeeze %dma_start3A_36 : memref<1x1x80xi32, #tpu.memory_space<hbm>> -> memref<80xi32, #tpu.memory_space<hbm>>
    %dma_start3A_38 = arith.constant 0 : i32
    %dma_start3A_39 = tpu.memref_slice %arg4[%add3A_33, %dma_start3A_34, %dma_start3A_38] : memref<4000x1x80xi32, #tpu.memory_space<hbm>> -> memref<1x1x80xi32, #tpu.memory_space<hbm>>
    %dma_start3A_40 = tpu.memref_squeeze %dma_start3A_39 : memref<1x1x80xi32, #tpu.memory_space<hbm>> -> memref<80xi32, #tpu.memory_space<hbm>>
    tpu.enqueue_dma source(%dma_start3A_40 : memref<80xi32, #tpu.memory_space<hbm>>) target(%arg9 : memref<80xi32, #tpu.memory_space<vmem>>) target_semaphore(%arg16 : memref<!tpu.dma_semaphore, #tpu.memory_space<semaphore_mem>>)
    %dma_start3A_41 = arith.constant 80 : i32
    %dma_start3A_42 = tpu.memref_slice %arg7[%dma_start3A_41] : memref<10000xi32, #tpu.memory_space<vmem>> -> memref<80xi32, #tpu.memory_space<vmem>>
    %dma_start3A_43 = arith.constant 0 : i32
    %dma_start3A_44 = arith.constant 0 : i32
    %dma_start3A_45 = tpu.memref_slice %arg2[%dma_start3A_43, %dma_start3A_44] : memref<10000x128xf32, #tpu.memory_space<hbm>> -> memref<10000x128xf32, #tpu.memory_space<hbm>>
    tpu.enqueue_indirect_dma source(%dma_start3A_45 : memref<10000x128xf32, #tpu.memory_space<hbm>>) target(%arg12 : memref<80x128xf32, #tpu.memory_space<vmem>>) offsets(%dma_start3A_42 : memref<80xi32, #tpu.memory_space<vmem>>) semaphore(%arg16 : memref<!tpu.dma_semaphore, #tpu.memory_space<semaphore_mem>>)
    %mul3A_46 = arith.constant 624 : i32
    %mul3A_47 = arith.muli %arg1, %mul3A_46 : i32
    %add3A_48 = arith.constant 0 : i32
    %add3A_49 = arith.addi %mul3A_47, %add3A_48 : i32
    %dma_start3A_50 = arith.constant 0 : i32
    %dma_start3A_51 = tpu.memref_slice %arg14[%add3A_49, %dma_start3A_50] : memref<10000x128xf32, #tpu.memory_space<vmem_shared>> -> memref<208x128xf32, #tpu.memory_space<vmem_shared>>
    tpu.enqueue_dma source(%arg5 : memref<208x128xf32, #tpu.memory_space<hbm>>) target(%dma_start3A_51 : memref<208x128xf32, #tpu.memory_space<vmem_shared>>) target_semaphore(%arg21 : memref<!tpu.dma_semaphore, #tpu.memory_space<semaphore_mem>>)
    %add3A_52 = arith.constant 208 : i32
    %add3A_53 = arith.addi %mul3A_47, %add3A_52 : i32
    %dma_start3A_54 = arith.constant 0 : i32
    %dma_start3A_55 = tpu.memref_slice %arg14[%add3A_53, %dma_start3A_54] : memref<10000x128xf32, #tpu.memory_space<vmem_shared>> -> memref<208x128xf32, #tpu.memory_space<vmem_shared>>
    tpu.enqueue_dma source(%arg5 : memref<208x128xf32, #tpu.memory_space<hbm>>) target(%dma_start3A_55 : memref<208x128xf32, #tpu.memory_space<vmem_shared>>) target_semaphore(%arg21 : memref<!tpu.dma_semaphore, #tpu.memory_space<semaphore_mem>>)
    %add3A_56 = arith.constant 416 : i32
    %add3A_57 = arith.addi %mul3A_47, %add3A_56 : i32
    %dma_start3A_58 = arith.constant 0 : i32
    %dma_start3A_59 = tpu.memref_slice %arg14[%add3A_57, %dma_start3A_58] : memref<10000x128xf32, #tpu.memory_space<vmem_shared>> -> memref<208x128xf32, #tpu.memory_space<vmem_shared>>
    tpu.enqueue_dma source(%arg5 : memref<208x128xf32, #tpu.memory_space<hbm>>) target(%dma_start3A_59 : memref<208x128xf32, #tpu.memory_space<vmem_shared>>) target_semaphore(%arg21 : memref<!tpu.dma_semaphore, #tpu.memory_space<semaphore_mem>>)
    %eq3A = arith.constant 15 : i32
    %eq3A_60 = arith.cmpi eq, %arg1, %eq3A : i32
    %convert_element_type3A = arith.extui %eq3A_60 : i1 to i32
    %cond3A = arith.constant 0 : i32
    %cond3A_61 = arith.cmpi ne, %convert_element_type3A, %cond3A : i32
    scf.if %cond3A_61 {
      %add3A_229 = arith.constant 624 : i32
      %add3A_230 = arith.addi %mul3A_47, %add3A_229 : i32
      %dma_start3A_231 = arith.constant 0 : i32
      %dma_start3A_232 = tpu.memref_slice %arg14[%add3A_230, %dma_start3A_231] : memref<10000x128xf32, #tpu.memory_space<vmem_shared>> -> memref<16x128xf32, #tpu.memory_space<vmem_shared>>
      %dma_start3A_233 = arith.constant 0 : i32
      %dma_start3A_234 = arith.constant 0 : i32
      %dma_start3A_235 = tpu.memref_slice %arg5[%dma_start3A_233, %dma_start3A_234] : memref<208x128xf32, #tpu.memory_space<hbm>> -> memref<16x128xf32, #tpu.memory_space<hbm>>
      tpu.enqueue_dma source(%dma_start3A_235 : memref<16x128xf32, #tpu.memory_space<hbm>>) target(%dma_start3A_232 : memref<16x128xf32, #tpu.memory_space<vmem_shared>>) target_semaphore(%arg21 : memref<!tpu.dma_semaphore, #tpu.memory_space<semaphore_mem>>)
    } else {
    }
    %dma_wait3A = arith.constant 0 : i32
    %dma_wait3A_62 = tpu.memref_slice %arg14[%mul3A_47, %dma_wait3A] : memref<10000x128xf32, #tpu.memory_space<vmem_shared>> -> memref<208x128xf32, #tpu.memory_space<vmem_shared>>
    tpu.wait_dma2 semaphore(%arg21 : memref<!tpu.dma_semaphore, #tpu.memory_space<semaphore_mem>>) src(%arg5 : memref<208x128xf32, #tpu.memory_space<hbm>>) dst(%dma_wait3A_62 : memref<208x128xf32, #tpu.memory_space<vmem_shared>>)
    %dma_wait3A_63 = arith.constant 0 : i32
    %dma_wait3A_64 = tpu.memref_slice %arg14[%mul3A_47, %dma_wait3A_63] : memref<10000x128xf32, #tpu.memory_space<vmem_shared>> -> memref<208x128xf32, #tpu.memory_space<vmem_shared>>
    tpu.wait_dma2 semaphore(%arg21 : memref<!tpu.dma_semaphore, #tpu.memory_space<semaphore_mem>>) src(%arg5 : memref<208x128xf32, #tpu.memory_space<hbm>>) dst(%dma_wait3A_64 : memref<208x128xf32, #tpu.memory_space<vmem_shared>>)
    %dma_wait3A_65 = arith.constant 0 : i32
    %dma_wait3A_66 = tpu.memref_slice %arg14[%mul3A_47, %dma_wait3A_65] : memref<10000x128xf32, #tpu.memory_space<vmem_shared>> -> memref<208x128xf32, #tpu.memory_space<vmem_shared>>
    tpu.wait_dma2 semaphore(%arg21 : memref<!tpu.dma_semaphore, #tpu.memory_space<semaphore_mem>>) src(%arg5 : memref<208x128xf32, #tpu.memory_space<hbm>>) dst(%dma_wait3A_66 : memref<208x128xf32, #tpu.memory_space<vmem_shared>>)
    %eq3A_67 = arith.constant 15 : i32
    %eq3A_68 = arith.cmpi eq, %arg1, %eq3A_67 : i32
    %convert_element_type3A_69 = arith.extui %eq3A_68 : i1 to i32
    %cond3A_70 = arith.constant 0 : i32
    %cond3A_71 = arith.cmpi ne, %convert_element_type3A_69, %cond3A_70 : i32
    scf.if %cond3A_71 {
      %dma_wait3A_229 = arith.constant 0 : i32
      %dma_wait3A_230 = tpu.memref_slice %arg14[%mul3A_47, %dma_wait3A_229] : memref<10000x128xf32, #tpu.memory_space<vmem_shared>> -> memref<16x128xf32, #tpu.memory_space<vmem_shared>>
      %dma_wait3A_231 = arith.constant 0 : i32
      %dma_wait3A_232 = arith.constant 0 : i32
      %dma_wait3A_233 = tpu.memref_slice %arg5[%dma_wait3A_231, %dma_wait3A_232] : memref<208x128xf32, #tpu.memory_space<hbm>> -> memref<16x128xf32, #tpu.memory_space<hbm>>
      tpu.wait_dma2 semaphore(%arg21 : memref<!tpu.dma_semaphore, #tpu.memory_space<semaphore_mem>>) src(%dma_wait3A_233 : memref<16x128xf32, #tpu.memory_space<hbm>>) dst(%dma_wait3A_230 : memref<16x128xf32, #tpu.memory_space<vmem_shared>>)
    } else {
    }
    %barrier3A = arith.constant 0 : index
    tpu.barrier barrier_id(%barrier3A)
    %dma_wait3A_72 = arith.constant 0 : i32
    %dma_wait3A_73 = arith.constant 0 : i32
    %dma_wait3A_74 = arith.constant 0 : i32
    %dma_wait3A_75 = tpu.memref_slice %arg4[%dma_wait3A_72, %dma_wait3A_73, %dma_wait3A_74] : memref<4000x1x80xi32, #tpu.memory_space<hbm>> -> memref<1x1x80xi32, #tpu.memory_space<hbm>>
    %dma_wait3A_76 = tpu.memref_squeeze %dma_wait3A_75 : memref<1x1x80xi32, #tpu.memory_space<hbm>> -> memref<80xi32, #tpu.memory_space<hbm>>
    %dma_wait3A_77 = arith.constant 0 : i32
    %dma_wait3A_78 = tpu.memref_slice %arg4[%dma_wait3A_72, %dma_wait3A_73, %dma_wait3A_77] : memref<4000x1x80xi32, #tpu.memory_space<hbm>> -> memref<1x1x80xi32, #tpu.memory_space<hbm>>
    %dma_wait3A_79 = tpu.memref_squeeze %dma_wait3A_78 : memref<1x1x80xi32, #tpu.memory_space<hbm>> -> memref<80xi32, #tpu.memory_space<hbm>>
    tpu.wait_dma2 semaphore(%arg15 : memref<!tpu.dma_semaphore, #tpu.memory_space<semaphore_mem>>) src(%dma_wait3A_79 : memref<80xi32, #tpu.memory_space<hbm>>) dst(%arg8 : memref<80xi32, #tpu.memory_space<vmem>>)
    %dma_wait3A_80 = arith.constant 0 : i32
    %dma_wait3A_81 = arith.constant 0 : i32
    %dma_wait3A_82 = tpu.memref_slice %arg2[%dma_wait3A_80, %dma_wait3A_81] : memref<10000x128xf32, #tpu.memory_space<hbm>> -> memref<80x128xf32, #tpu.memory_space<hbm>>
    %dma_wait3A_83 = arith.constant 0 : i32
    %dma_wait3A_84 = arith.constant 0 : i32
    %dma_wait3A_85 = tpu.memref_slice %arg2[%dma_wait3A_83, %dma_wait3A_84] : memref<10000x128xf32, #tpu.memory_space<hbm>> -> memref<80x128xf32, #tpu.memory_space<hbm>>
    tpu.wait_dma2 semaphore(%arg15 : memref<!tpu.dma_semaphore, #tpu.memory_space<semaphore_mem>>) src(%dma_wait3A_85 : memref<80x128xf32, #tpu.memory_space<hbm>>) dst(%arg11 : memref<80x128xf32, #tpu.memory_space<vmem>>)
    %add3A_86 = arith.constant 2 : i32
    %add3A_87 = arith.addi %select_n3A, %add3A_86 : i32
    %dma_start3A_88 = arith.constant 0 : i32
    %dma_start3A_89 = arith.constant 0 : i32
    %dma_start3A_90 = tpu.memref_slice %arg4[%add3A_87, %dma_start3A_88, %dma_start3A_89] : memref<4000x1x80xi32, #tpu.memory_space<hbm>> -> memref<1x1x80xi32, #tpu.memory_space<hbm>>
    %dma_start3A_91 = tpu.memref_squeeze %dma_start3A_90 : memref<1x1x80xi32, #tpu.memory_space<hbm>> -> memref<80xi32, #tpu.memory_space<hbm>>
    %dma_start3A_92 = arith.constant 0 : i32
    %dma_start3A_93 = tpu.memref_slice %arg4[%add3A_87, %dma_start3A_88, %dma_start3A_92] : memref<4000x1x80xi32, #tpu.memory_space<hbm>> -> memref<1x1x80xi32, #tpu.memory_space<hbm>>
    %dma_start3A_94 = tpu.memref_squeeze %dma_start3A_93 : memref<1x1x80xi32, #tpu.memory_space<hbm>> -> memref<80xi32, #tpu.memory_space<hbm>>
    tpu.enqueue_dma source(%dma_start3A_94 : memref<80xi32, #tpu.memory_space<hbm>>) target(%arg10 : memref<80xi32, #tpu.memory_space<vmem>>) target_semaphore(%arg17 : memref<!tpu.dma_semaphore, #tpu.memory_space<semaphore_mem>>)
    %dma_start3A_95 = arith.constant 160 : i32
    %dma_start3A_96 = tpu.memref_slice %arg7[%dma_start3A_95] : memref<10000xi32, #tpu.memory_space<vmem>> -> memref<80xi32, #tpu.memory_space<vmem>>
    %dma_start3A_97 = arith.constant 0 : i32
    %dma_start3A_98 = arith.constant 0 : i32
    %dma_start3A_99 = tpu.memref_slice %arg2[%dma_start3A_97, %dma_start3A_98] : memref<10000x128xf32, #tpu.memory_space<hbm>> -> memref<10000x128xf32, #tpu.memory_space<hbm>>
    tpu.enqueue_indirect_dma source(%dma_start3A_99 : memref<10000x128xf32, #tpu.memory_space<hbm>>) target(%arg13 : memref<80x128xf32, #tpu.memory_space<vmem>>) offsets(%dma_start3A_96 : memref<80xi32, #tpu.memory_space<vmem>>) semaphore(%arg17 : memref<!tpu.dma_semaphore, #tpu.memory_space<semaphore_mem>>)
    %dma_start3A_100 = arith.constant 0 : i32
    %dma_start3A_101 = arith.constant 0 : i32
    %dma_start3A_102 = tpu.memref_slice %arg14[%dma_start3A_100, %dma_start3A_101] : memref<10000x128xf32, #tpu.memory_space<vmem_shared>> -> memref<10000x128xf32, #tpu.memory_space<vmem_shared>>
    tpu.enqueue_indirect_dma source(%arg11 : memref<80x128xf32, #tpu.memory_space<vmem>>) target(%dma_start3A_102 : memref<10000x128xf32, #tpu.memory_space<vmem_shared>>) offsets(%arg8 : memref<80xi32, #tpu.memory_space<vmem>>) semaphore(%arg18 : memref<!tpu.dma_semaphore, #tpu.memory_space<semaphore_mem>>) {add = true}
    %dma_wait3A_103 = arith.constant 0 : i32
    %dma_wait3A_104 = arith.constant 0 : i32
    %dma_wait3A_105 = arith.constant 0 : i32
    %dma_wait3A_106 = tpu.memref_slice %arg4[%dma_wait3A_103, %dma_wait3A_104, %dma_wait3A_105] : memref<4000x1x80xi32, #tpu.memory_space<hbm>> -> memref<1x1x80xi32, #tpu.memory_space<hbm>>
    %dma_wait3A_107 = tpu.memref_squeeze %dma_wait3A_106 : memref<1x1x80xi32, #tpu.memory_space<hbm>> -> memref<80xi32, #tpu.memory_space<hbm>>
    %dma_wait3A_108 = arith.constant 0 : i32
    %dma_wait3A_109 = tpu.memref_slice %arg4[%dma_wait3A_103, %dma_wait3A_104, %dma_wait3A_108] : memref<4000x1x80xi32, #tpu.memory_space<hbm>> -> memref<1x1x80xi32, #tpu.memory_space<hbm>>
    %dma_wait3A_110 = tpu.memref_squeeze %dma_wait3A_109 : memref<1x1x80xi32, #tpu.memory_space<hbm>> -> memref<80xi32, #tpu.memory_space<hbm>>
    tpu.wait_dma2 semaphore(%arg16 : memref<!tpu.dma_semaphore, #tpu.memory_space<semaphore_mem>>) src(%dma_wait3A_110 : memref<80xi32, #tpu.memory_space<hbm>>) dst(%arg9 : memref<80xi32, #tpu.memory_space<vmem>>)
    %dma_wait3A_111 = arith.constant 0 : i32
    %dma_wait3A_112 = arith.constant 0 : i32
    %dma_wait3A_113 = tpu.memref_slice %arg2[%dma_wait3A_111, %dma_wait3A_112] : memref<10000x128xf32, #tpu.memory_space<hbm>> -> memref<80x128xf32, #tpu.memory_space<hbm>>
    %dma_wait3A_114 = arith.constant 0 : i32
    %dma_wait3A_115 = arith.constant 0 : i32
    %dma_wait3A_116 = tpu.memref_slice %arg2[%dma_wait3A_114, %dma_wait3A_115] : memref<10000x128xf32, #tpu.memory_space<hbm>> -> memref<80x128xf32, #tpu.memory_space<hbm>>
    tpu.wait_dma2 semaphore(%arg16 : memref<!tpu.dma_semaphore, #tpu.memory_space<semaphore_mem>>) src(%dma_wait3A_116 : memref<80x128xf32, #tpu.memory_space<hbm>>) dst(%arg12 : memref<80x128xf32, #tpu.memory_space<vmem>>)
    %dma_wait3A_117 = arith.constant 0 : i32
    %dma_wait3A_118 = arith.constant 0 : i32
    %dma_wait3A_119 = tpu.memref_slice %arg14[%dma_wait3A_117, %dma_wait3A_118] : memref<10000x128xf32, #tpu.memory_space<vmem_shared>> -> memref<10000x128xf32, #tpu.memory_space<vmem_shared>>
    tpu.wait_indirect_dma semaphore(%arg18 : memref<!tpu.dma_semaphore, #tpu.memory_space<semaphore_mem>>) src(%arg11 : memref<80x128xf32, #tpu.memory_space<vmem>>) dst(%dma_wait3A_119 : memref<10000x128xf32, #tpu.memory_space<vmem_shared>>)
    %add3A_120 = arith.constant 3 : i32
    %add3A_121 = arith.addi %select_n3A, %add3A_120 : i32
    %dma_start3A_122 = arith.constant 0 : i32
    %dma_start3A_123 = arith.constant 0 : i32
    %dma_start3A_124 = tpu.memref_slice %arg4[%add3A_121, %dma_start3A_122, %dma_start3A_123] : memref<4000x1x80xi32, #tpu.memory_space<hbm>> -> memref<1x1x80xi32, #tpu.memory_space<hbm>>
    %dma_start3A_125 = tpu.memref_squeeze %dma_start3A_124 : memref<1x1x80xi32, #tpu.memory_space<hbm>> -> memref<80xi32, #tpu.memory_space<hbm>>
    %dma_start3A_126 = arith.constant 0 : i32
    %dma_start3A_127 = tpu.memref_slice %arg4[%add3A_121, %dma_start3A_122, %dma_start3A_126] : memref<4000x1x80xi32, #tpu.memory_space<hbm>> -> memref<1x1x80xi32, #tpu.memory_space<hbm>>
    %dma_start3A_128 = tpu.memref_squeeze %dma_start3A_127 : memref<1x1x80xi32, #tpu.memory_space<hbm>> -> memref<80xi32, #tpu.memory_space<hbm>>
    tpu.enqueue_dma source(%dma_start3A_128 : memref<80xi32, #tpu.memory_space<hbm>>) target(%arg8 : memref<80xi32, #tpu.memory_space<vmem>>) target_semaphore(%arg15 : memref<!tpu.dma_semaphore, #tpu.memory_space<semaphore_mem>>)
    %dma_start3A_129 = arith.constant 240 : i32
    %dma_start3A_130 = tpu.memref_slice %arg7[%dma_start3A_129] : memref<10000xi32, #tpu.memory_space<vmem>> -> memref<80xi32, #tpu.memory_space<vmem>>
    %dma_start3A_131 = arith.constant 0 : i32
    %dma_start3A_132 = arith.constant 0 : i32
    %dma_start3A_133 = tpu.memref_slice %arg2[%dma_start3A_131, %dma_start3A_132] : memref<10000x128xf32, #tpu.memory_space<hbm>> -> memref<10000x128xf32, #tpu.memory_space<hbm>>
    tpu.enqueue_indirect_dma source(%dma_start3A_133 : memref<10000x128xf32, #tpu.memory_space<hbm>>) target(%arg11 : memref<80x128xf32, #tpu.memory_space<vmem>>) offsets(%dma_start3A_130 : memref<80xi32, #tpu.memory_space<vmem>>) semaphore(%arg15 : memref<!tpu.dma_semaphore, #tpu.memory_space<semaphore_mem>>)
    %dma_start3A_134 = arith.constant 0 : i32
    %dma_start3A_135 = arith.constant 0 : i32
    %dma_start3A_136 = tpu.memref_slice %arg14[%dma_start3A_134, %dma_start3A_135] : memref<10000x128xf32, #tpu.memory_space<vmem_shared>> -> memref<10000x128xf32, #tpu.memory_space<vmem_shared>>
    tpu.enqueue_indirect_dma source(%arg12 : memref<80x128xf32, #tpu.memory_space<vmem>>) target(%dma_start3A_136 : memref<10000x128xf32, #tpu.memory_space<vmem_shared>>) offsets(%arg9 : memref<80xi32, #tpu.memory_space<vmem>>) semaphore(%arg19 : memref<!tpu.dma_semaphore, #tpu.memory_space<semaphore_mem>>) {add = true}
    %scan3A = arith.constant 0 : i32
    %scan3A_137 = arith.constant 0 : i32
    %scan3A_138 = arith.constant 40 : i32
    %scan3A_139 = arith.addi %scan3A_137, %scan3A_138 : i32
    %scan3A_140 = arith.constant 1 : i32
    scf.for %scan3A_229 = %scan3A_137 to %scan3A_139 step %scan3A_140  : i32 {
      %mul3A_230 = arith.constant 3 : i32
      %mul3A_231 = arith.muli %scan3A_229, %mul3A_230 : i32
      %add3A_232 = arith.constant 2 : i32
      %add3A_233 = arith.addi %add3A_232, %mul3A_231 : i32
      %add3A_234 = arith.constant 0 : i32
      %add3A_235 = arith.addi %add3A_233, %add3A_234 : i32
      %dma_wait3A_236 = arith.constant 0 : i32
      %dma_wait3A_237 = arith.constant 0 : i32
      %dma_wait3A_238 = arith.constant 0 : i32
      %dma_wait3A_239 = tpu.memref_slice %arg4[%dma_wait3A_236, %dma_wait3A_237, %dma_wait3A_238] : memref<4000x1x80xi32, #tpu.memory_space<hbm>> -> memref<1x1x80xi32, #tpu.memory_space<hbm>>
      %dma_wait3A_240 = tpu.memref_squeeze %dma_wait3A_239 : memref<1x1x80xi32, #tpu.memory_space<hbm>> -> memref<80xi32, #tpu.memory_space<hbm>>
      %dma_wait3A_241 = arith.constant 0 : i32
      %dma_wait3A_242 = tpu.memref_slice %arg4[%dma_wait3A_236, %dma_wait3A_237, %dma_wait3A_241] : memref<4000x1x80xi32, #tpu.memory_space<hbm>> -> memref<1x1x80xi32, #tpu.memory_space<hbm>>
      %dma_wait3A_243 = tpu.memref_squeeze %dma_wait3A_242 : memref<1x1x80xi32, #tpu.memory_space<hbm>> -> memref<80xi32, #tpu.memory_space<hbm>>
      tpu.wait_dma2 semaphore(%arg17 : memref<!tpu.dma_semaphore, #tpu.memory_space<semaphore_mem>>) src(%dma_wait3A_243 : memref<80xi32, #tpu.memory_space<hbm>>) dst(%arg10 : memref<80xi32, #tpu.memory_space<vmem>>)
      %dma_wait3A_244 = arith.constant 0 : i32
      %dma_wait3A_245 = arith.constant 0 : i32
      %dma_wait3A_246 = tpu.memref_slice %arg2[%dma_wait3A_244, %dma_wait3A_245] : memref<10000x128xf32, #tpu.memory_space<hbm>> -> memref<80x128xf32, #tpu.memory_space<hbm>>
      %dma_wait3A_247 = arith.constant 0 : i32
      %dma_wait3A_248 = arith.constant 0 : i32
      %dma_wait3A_249 = tpu.memref_slice %arg2[%dma_wait3A_247, %dma_wait3A_248] : memref<10000x128xf32, #tpu.memory_space<hbm>> -> memref<80x128xf32, #tpu.memory_space<hbm>>
      tpu.wait_dma2 semaphore(%arg17 : memref<!tpu.dma_semaphore, #tpu.memory_space<semaphore_mem>>) src(%dma_wait3A_249 : memref<80x128xf32, #tpu.memory_space<hbm>>) dst(%arg13 : memref<80x128xf32, #tpu.memory_space<vmem>>)
      %dma_wait3A_250 = arith.constant 0 : i32
      %dma_wait3A_251 = arith.constant 0 : i32
      %dma_wait3A_252 = tpu.memref_slice %arg14[%dma_wait3A_250, %dma_wait3A_251] : memref<10000x128xf32, #tpu.memory_space<vmem_shared>> -> memref<10000x128xf32, #tpu.memory_space<vmem_shared>>
      tpu.wait_indirect_dma semaphore(%arg19 : memref<!tpu.dma_semaphore, #tpu.memory_space<semaphore_mem>>) src(%arg12 : memref<80x128xf32, #tpu.memory_space<vmem>>) dst(%dma_wait3A_252 : memref<10000x128xf32, #tpu.memory_space<vmem_shared>>)
      %add3A_253 = arith.constant 2 : i32
      %add3A_254 = arith.addi %add3A_235, %add3A_253 : i32
      %add3A_255 = arith.addi %select_n3A, %add3A_254 : i32
      %dma_start3A_256 = arith.constant 0 : i32
      %dma_start3A_257 = arith.constant 0 : i32
      %dma_start3A_258 = tpu.memref_slice %arg4[%add3A_255, %dma_start3A_256, %dma_start3A_257] : memref<4000x1x80xi32, #tpu.memory_space<hbm>> -> memref<1x1x80xi32, #tpu.memory_space<hbm>>
      %dma_start3A_259 = tpu.memref_squeeze %dma_start3A_258 : memref<1x1x80xi32, #tpu.memory_space<hbm>> -> memref<80xi32, #tpu.memory_space<hbm>>
      %dma_start3A_260 = arith.constant 0 : i32
      %dma_start3A_261 = tpu.memref_slice %arg4[%add3A_255, %dma_start3A_256, %dma_start3A_260] : memref<4000x1x80xi32, #tpu.memory_space<hbm>> -> memref<1x1x80xi32, #tpu.memory_space<hbm>>
      %dma_start3A_262 = tpu.memref_squeeze %dma_start3A_261 : memref<1x1x80xi32, #tpu.memory_space<hbm>> -> memref<80xi32, #tpu.memory_space<hbm>>
      tpu.enqueue_dma source(%dma_start3A_262 : memref<80xi32, #tpu.memory_space<hbm>>) target(%arg9 : memref<80xi32, #tpu.memory_space<vmem>>) target_semaphore(%arg16 : memref<!tpu.dma_semaphore, #tpu.memory_space<semaphore_mem>>)
      %mul3A_263 = arith.constant 80 : i32
      %mul3A_264 = arith.muli %add3A_254, %mul3A_263 : i32
      %dma_start3A_265 = tpu.memref_slice %arg7[%mul3A_264] : memref<10000xi32, #tpu.memory_space<vmem>> -> memref<80xi32, #tpu.memory_space<vmem>>
      %dma_start3A_266 = arith.constant 0 : i32
      %dma_start3A_267 = arith.constant 0 : i32
      %dma_start3A_268 = tpu.memref_slice %arg2[%dma_start3A_266, %dma_start3A_267] : memref<10000x128xf32, #tpu.memory_space<hbm>> -> memref<10000x128xf32, #tpu.memory_space<hbm>>
      tpu.enqueue_indirect_dma source(%dma_start3A_268 : memref<10000x128xf32, #tpu.memory_space<hbm>>) target(%arg12 : memref<80x128xf32, #tpu.memory_space<vmem>>) offsets(%dma_start3A_265 : memref<80xi32, #tpu.memory_space<vmem>>) semaphore(%arg16 : memref<!tpu.dma_semaphore, #tpu.memory_space<semaphore_mem>>)
      %dma_start3A_269 = arith.constant 0 : i32
      %dma_start3A_270 = arith.constant 0 : i32
      %dma_start3A_271 = tpu.memref_slice %arg14[%dma_start3A_269, %dma_start3A_270] : memref<10000x128xf32, #tpu.memory_space<vmem_shared>> -> memref<10000x128xf32, #tpu.memory_space<vmem_shared>>
      tpu.enqueue_indirect_dma source(%arg13 : memref<80x128xf32, #tpu.memory_space<vmem>>) target(%dma_start3A_271 : memref<10000x128xf32, #tpu.memory_space<vmem_shared>>) offsets(%arg10 : memref<80xi32, #tpu.memory_space<vmem>>) semaphore(%arg20 : memref<!tpu.dma_semaphore, #tpu.memory_space<semaphore_mem>>) {add = true}
      %mul3A_272 = arith.constant 3 : i32
      %mul3A_273 = arith.muli %scan3A_229, %mul3A_272 : i32
      %add3A_274 = arith.constant 2 : i32
      %add3A_275 = arith.addi %add3A_274, %mul3A_273 : i32
      %add3A_276 = arith.constant 1 : i32
      %add3A_277 = arith.addi %add3A_275, %add3A_276 : i32
      %dma_wait3A_278 = arith.constant 0 : i32
      %dma_wait3A_279 = arith.constant 0 : i32
      %dma_wait3A_280 = arith.constant 0 : i32
      %dma_wait3A_281 = tpu.memref_slice %arg4[%dma_wait3A_278, %dma_wait3A_279, %dma_wait3A_280] : memref<4000x1x80xi32, #tpu.memory_space<hbm>> -> memref<1x1x80xi32, #tpu.memory_space<hbm>>
      %dma_wait3A_282 = tpu.memref_squeeze %dma_wait3A_281 : memref<1x1x80xi32, #tpu.memory_space<hbm>> -> memref<80xi32, #tpu.memory_space<hbm>>
      %dma_wait3A_283 = arith.constant 0 : i32
      %dma_wait3A_284 = tpu.memref_slice %arg4[%dma_wait3A_278, %dma_wait3A_279, %dma_wait3A_283] : memref<4000x1x80xi32, #tpu.memory_space<hbm>> -> memref<1x1x80xi32, #tpu.memory_space<hbm>>
      %dma_wait3A_285 = tpu.memref_squeeze %dma_wait3A_284 : memref<1x1x80xi32, #tpu.memory_space<hbm>> -> memref<80xi32, #tpu.memory_space<hbm>>
      tpu.wait_dma2 semaphore(%arg15 : memref<!tpu.dma_semaphore, #tpu.memory_space<semaphore_mem>>) src(%dma_wait3A_285 : memref<80xi32, #tpu.memory_space<hbm>>) dst(%arg8 : memref<80xi32, #tpu.memory_space<vmem>>)
      %dma_wait3A_286 = arith.constant 0 : i32
      %dma_wait3A_287 = arith.constant 0 : i32
      %dma_wait3A_288 = tpu.memref_slice %arg2[%dma_wait3A_286, %dma_wait3A_287] : memref<10000x128xf32, #tpu.memory_space<hbm>> -> memref<80x128xf32, #tpu.memory_space<hbm>>
      %dma_wait3A_289 = arith.constant 0 : i32
      %dma_wait3A_290 = arith.constant 0 : i32
      %dma_wait3A_291 = tpu.memref_slice %arg2[%dma_wait3A_289, %dma_wait3A_290] : memref<10000x128xf32, #tpu.memory_space<hbm>> -> memref<80x128xf32, #tpu.memory_space<hbm>>
      tpu.wait_dma2 semaphore(%arg15 : memref<!tpu.dma_semaphore, #tpu.memory_space<semaphore_mem>>) src(%dma_wait3A_291 : memref<80x128xf32, #tpu.memory_space<hbm>>) dst(%arg11 : memref<80x128xf32, #tpu.memory_space<vmem>>)
      %dma_wait3A_292 = arith.constant 0 : i32
      %dma_wait3A_293 = arith.constant 0 : i32
      %dma_wait3A_294 = tpu.memref_slice %arg14[%dma_wait3A_292, %dma_wait3A_293] : memref<10000x128xf32, #tpu.memory_space<vmem_shared>> -> memref<10000x128xf32, #tpu.memory_space<vmem_shared>>
      tpu.wait_indirect_dma semaphore(%arg20 : memref<!tpu.dma_semaphore, #tpu.memory_space<semaphore_mem>>) src(%arg13 : memref<80x128xf32, #tpu.memory_space<vmem>>) dst(%dma_wait3A_294 : memref<10000x128xf32, #tpu.memory_space<vmem_shared>>)
      %add3A_295 = arith.constant 2 : i32
      %add3A_296 = arith.addi %add3A_277, %add3A_295 : i32
      %add3A_297 = arith.addi %select_n3A, %add3A_296 : i32
      %dma_start3A_298 = arith.constant 0 : i32
      %dma_start3A_299 = arith.constant 0 : i32
      %dma_start3A_300 = tpu.memref_slice %arg4[%add3A_297, %dma_start3A_298, %dma_start3A_299] : memref<4000x1x80xi32, #tpu.memory_space<hbm>> -> memref<1x1x80xi32, #tpu.memory_space<hbm>>
      %dma_start3A_301 = tpu.memref_squeeze %dma_start3A_300 : memref<1x1x80xi32, #tpu.memory_space<hbm>> -> memref<80xi32, #tpu.memory_space<hbm>>
      %dma_start3A_302 = arith.constant 0 : i32
      %dma_start3A_303 = tpu.memref_slice %arg4[%add3A_297, %dma_start3A_298, %dma_start3A_302] : memref<4000x1x80xi32, #tpu.memory_space<hbm>> -> memref<1x1x80xi32, #tpu.memory_space<hbm>>
      %dma_start3A_304 = tpu.memref_squeeze %dma_start3A_303 : memref<1x1x80xi32, #tpu.memory_space<hbm>> -> memref<80xi32, #tpu.memory_space<hbm>>
      tpu.enqueue_dma source(%dma_start3A_304 : memref<80xi32, #tpu.memory_space<hbm>>) target(%arg10 : memref<80xi32, #tpu.memory_space<vmem>>) target_semaphore(%arg17 : memref<!tpu.dma_semaphore, #tpu.memory_space<semaphore_mem>>)
      %mul3A_305 = arith.constant 80 : i32
      %mul3A_306 = arith.muli %add3A_296, %mul3A_305 : i32
      %dma_start3A_307 = tpu.memref_slice %arg7[%mul3A_306] : memref<10000xi32, #tpu.memory_space<vmem>> -> memref<80xi32, #tpu.memory_space<vmem>>
      %dma_start3A_308 = arith.constant 0 : i32
      %dma_start3A_309 = arith.constant 0 : i32
      %dma_start3A_310 = tpu.memref_slice %arg2[%dma_start3A_308, %dma_start3A_309] : memref<10000x128xf32, #tpu.memory_space<hbm>> -> memref<10000x128xf32, #tpu.memory_space<hbm>>
      tpu.enqueue_indirect_dma source(%dma_start3A_310 : memref<10000x128xf32, #tpu.memory_space<hbm>>) target(%arg13 : memref<80x128xf32, #tpu.memory_space<vmem>>) offsets(%dma_start3A_307 : memref<80xi32, #tpu.memory_space<vmem>>) semaphore(%arg17 : memref<!tpu.dma_semaphore, #tpu.memory_space<semaphore_mem>>)
      %dma_start3A_311 = arith.constant 0 : i32
      %dma_start3A_312 = arith.constant 0 : i32
      %dma_start3A_313 = tpu.memref_slice %arg14[%dma_start3A_311, %dma_start3A_312] : memref<10000x128xf32, #tpu.memory_space<vmem_shared>> -> memref<10000x128xf32, #tpu.memory_space<vmem_shared>>
      tpu.enqueue_indirect_dma source(%arg11 : memref<80x128xf32, #tpu.memory_space<vmem>>) target(%dma_start3A_313 : memref<10000x128xf32, #tpu.memory_space<vmem_shared>>) offsets(%arg8 : memref<80xi32, #tpu.memory_space<vmem>>) semaphore(%arg18 : memref<!tpu.dma_semaphore, #tpu.memory_space<semaphore_mem>>) {add = true}
      %mul3A_314 = arith.constant 3 : i32
      %mul3A_315 = arith.muli %scan3A_229, %mul3A_314 : i32
      %add3A_316 = arith.constant 2 : i32
      %add3A_317 = arith.addi %add3A_316, %mul3A_315 : i32
      %add3A_318 = arith.constant 2 : i32
      %add3A_319 = arith.addi %add3A_317, %add3A_318 : i32
      %dma_wait3A_320 = arith.constant 0 : i32
      %dma_wait3A_321 = arith.constant 0 : i32
      %dma_wait3A_322 = arith.constant 0 : i32
      %dma_wait3A_323 = tpu.memref_slice %arg4[%dma_wait3A_320, %dma_wait3A_321, %dma_wait3A_322] : memref<4000x1x80xi32, #tpu.memory_space<hbm>> -> memref<1x1x80xi32, #tpu.memory_space<hbm>>
      %dma_wait3A_324 = tpu.memref_squeeze %dma_wait3A_323 : memref<1x1x80xi32, #tpu.memory_space<hbm>> -> memref<80xi32, #tpu.memory_space<hbm>>
      %dma_wait3A_325 = arith.constant 0 : i32
      %dma_wait3A_326 = tpu.memref_slice %arg4[%dma_wait3A_320, %dma_wait3A_321, %dma_wait3A_325] : memref<4000x1x80xi32, #tpu.memory_space<hbm>> -> memref<1x1x80xi32, #tpu.memory_space<hbm>>
      %dma_wait3A_327 = tpu.memref_squeeze %dma_wait3A_326 : memref<1x1x80xi32, #tpu.memory_space<hbm>> -> memref<80xi32, #tpu.memory_space<hbm>>
      tpu.wait_dma2 semaphore(%arg16 : memref<!tpu.dma_semaphore, #tpu.memory_space<semaphore_mem>>) src(%dma_wait3A_327 : memref<80xi32, #tpu.memory_space<hbm>>) dst(%arg9 : memref<80xi32, #tpu.memory_space<vmem>>)
      %dma_wait3A_328 = arith.constant 0 : i32
      %dma_wait3A_329 = arith.constant 0 : i32
      %dma_wait3A_330 = tpu.memref_slice %arg2[%dma_wait3A_328, %dma_wait3A_329] : memref<10000x128xf32, #tpu.memory_space<hbm>> -> memref<80x128xf32, #tpu.memory_space<hbm>>
      %dma_wait3A_331 = arith.constant 0 : i32
      %dma_wait3A_332 = arith.constant 0 : i32
      %dma_wait3A_333 = tpu.memref_slice %arg2[%dma_wait3A_331, %dma_wait3A_332] : memref<10000x128xf32, #tpu.memory_space<hbm>> -> memref<80x128xf32, #tpu.memory_space<hbm>>
      tpu.wait_dma2 semaphore(%arg16 : memref<!tpu.dma_semaphore, #tpu.memory_space<semaphore_mem>>) src(%dma_wait3A_333 : memref<80x128xf32, #tpu.memory_space<hbm>>) dst(%arg12 : memref<80x128xf32, #tpu.memory_space<vmem>>)
      %dma_wait3A_334 = arith.constant 0 : i32
      %dma_wait3A_335 = arith.constant 0 : i32
      %dma_wait3A_336 = tpu.memref_slice %arg14[%dma_wait3A_334, %dma_wait3A_335] : memref<10000x128xf32, #tpu.memory_space<vmem_shared>> -> memref<10000x128xf32, #tpu.memory_space<vmem_shared>>
      tpu.wait_indirect_dma semaphore(%arg18 : memref<!tpu.dma_semaphore, #tpu.memory_space<semaphore_mem>>) src(%arg11 : memref<80x128xf32, #tpu.memory_space<vmem>>) dst(%dma_wait3A_336 : memref<10000x128xf32, #tpu.memory_space<vmem_shared>>)
      %add3A_337 = arith.constant 2 : i32
      %add3A_338 = arith.addi %add3A_319, %add3A_337 : i32
      %add3A_339 = arith.addi %select_n3A, %add3A_338 : i32
      %dma_start3A_340 = arith.constant 0 : i32
      %dma_start3A_341 = arith.constant 0 : i32
      %dma_start3A_342 = tpu.memref_slice %arg4[%add3A_339, %dma_start3A_340, %dma_start3A_341] : memref<4000x1x80xi32, #tpu.memory_space<hbm>> -> memref<1x1x80xi32, #tpu.memory_space<hbm>>
      %dma_start3A_343 = tpu.memref_squeeze %dma_start3A_342 : memref<1x1x80xi32, #tpu.memory_space<hbm>> -> memref<80xi32, #tpu.memory_space<hbm>>
      %dma_start3A_344 = arith.constant 0 : i32
      %dma_start3A_345 = tpu.memref_slice %arg4[%add3A_339, %dma_start3A_340, %dma_start3A_344] : memref<4000x1x80xi32, #tpu.memory_space<hbm>> -> memref<1x1x80xi32, #tpu.memory_space<hbm>>
      %dma_start3A_346 = tpu.memref_squeeze %dma_start3A_345 : memref<1x1x80xi32, #tpu.memory_space<hbm>> -> memref<80xi32, #tpu.memory_space<hbm>>
      tpu.enqueue_dma source(%dma_start3A_346 : memref<80xi32, #tpu.memory_space<hbm>>) target(%arg8 : memref<80xi32, #tpu.memory_space<vmem>>) target_semaphore(%arg15 : memref<!tpu.dma_semaphore, #tpu.memory_space<semaphore_mem>>)
      %mul3A_347 = arith.constant 80 : i32
      %mul3A_348 = arith.muli %add3A_338, %mul3A_347 : i32
      %dma_start3A_349 = tpu.memref_slice %arg7[%mul3A_348] : memref<10000xi32, #tpu.memory_space<vmem>> -> memref<80xi32, #tpu.memory_space<vmem>>
      %dma_start3A_350 = arith.constant 0 : i32
      %dma_start3A_351 = arith.constant 0 : i32
      %dma_start3A_352 = tpu.memref_slice %arg2[%dma_start3A_350, %dma_start3A_351] : memref<10000x128xf32, #tpu.memory_space<hbm>> -> memref<10000x128xf32, #tpu.memory_space<hbm>>
      tpu.enqueue_indirect_dma source(%dma_start3A_352 : memref<10000x128xf32, #tpu.memory_space<hbm>>) target(%arg11 : memref<80x128xf32, #tpu.memory_space<vmem>>) offsets(%dma_start3A_349 : memref<80xi32, #tpu.memory_space<vmem>>) semaphore(%arg15 : memref<!tpu.dma_semaphore, #tpu.memory_space<semaphore_mem>>)
      %dma_start3A_353 = arith.constant 0 : i32
      %dma_start3A_354 = arith.constant 0 : i32
      %dma_start3A_355 = tpu.memref_slice %arg14[%dma_start3A_353, %dma_start3A_354] : memref<10000x128xf32, #tpu.memory_space<vmem_shared>> -> memref<10000x128xf32, #tpu.memory_space<vmem_shared>>
      tpu.enqueue_indirect_dma source(%arg12 : memref<80x128xf32, #tpu.memory_space<vmem>>) target(%dma_start3A_355 : memref<10000x128xf32, #tpu.memory_space<vmem_shared>>) offsets(%arg9 : memref<80xi32, #tpu.memory_space<vmem>>) semaphore(%arg19 : memref<!tpu.dma_semaphore, #tpu.memory_space<semaphore_mem>>) {add = true}
    }
    %scan3A_141 = arith.constant 40 : i32
    %dma_wait3A_142 = arith.constant 0 : i32
    %dma_wait3A_143 = arith.constant 0 : i32
    %dma_wait3A_144 = arith.constant 0 : i32
    %dma_wait3A_145 = tpu.memref_slice %arg4[%dma_wait3A_142, %dma_wait3A_143, %dma_wait3A_144] : memref<4000x1x80xi32, #tpu.memory_space<hbm>> -> memref<1x1x80xi32, #tpu.memory_space<hbm>>
    %dma_wait3A_146 = tpu.memref_squeeze %dma_wait3A_145 : memref<1x1x80xi32, #tpu.memory_space<hbm>> -> memref<80xi32, #tpu.memory_space<hbm>>
    %dma_wait3A_147 = arith.constant 0 : i32
    %dma_wait3A_148 = tpu.memref_slice %arg4[%dma_wait3A_142, %dma_wait3A_143, %dma_wait3A_147] : memref<4000x1x80xi32, #tpu.memory_space<hbm>> -> memref<1x1x80xi32, #tpu.memory_space<hbm>>
    %dma_wait3A_149 = tpu.memref_squeeze %dma_wait3A_148 : memref<1x1x80xi32, #tpu.memory_space<hbm>> -> memref<80xi32, #tpu.memory_space<hbm>>
    tpu.wait_dma2 semaphore(%arg17 : memref<!tpu.dma_semaphore, #tpu.memory_space<semaphore_mem>>) src(%dma_wait3A_149 : memref<80xi32, #tpu.memory_space<hbm>>) dst(%arg10 : memref<80xi32, #tpu.memory_space<vmem>>)
    %dma_wait3A_150 = arith.constant 0 : i32
    %dma_wait3A_151 = arith.constant 0 : i32
    %dma_wait3A_152 = tpu.memref_slice %arg2[%dma_wait3A_150, %dma_wait3A_151] : memref<10000x128xf32, #tpu.memory_space<hbm>> -> memref<80x128xf32, #tpu.memory_space<hbm>>
    %dma_wait3A_153 = arith.constant 0 : i32
    %dma_wait3A_154 = arith.constant 0 : i32
    %dma_wait3A_155 = tpu.memref_slice %arg2[%dma_wait3A_153, %dma_wait3A_154] : memref<10000x128xf32, #tpu.memory_space<hbm>> -> memref<80x128xf32, #tpu.memory_space<hbm>>
    tpu.wait_dma2 semaphore(%arg17 : memref<!tpu.dma_semaphore, #tpu.memory_space<semaphore_mem>>) src(%dma_wait3A_155 : memref<80x128xf32, #tpu.memory_space<hbm>>) dst(%arg13 : memref<80x128xf32, #tpu.memory_space<vmem>>)
    %dma_wait3A_156 = arith.constant 0 : i32
    %dma_wait3A_157 = arith.constant 0 : i32
    %dma_wait3A_158 = tpu.memref_slice %arg14[%dma_wait3A_156, %dma_wait3A_157] : memref<10000x128xf32, #tpu.memory_space<vmem_shared>> -> memref<10000x128xf32, #tpu.memory_space<vmem_shared>>
    tpu.wait_indirect_dma semaphore(%arg19 : memref<!tpu.dma_semaphore, #tpu.memory_space<semaphore_mem>>) src(%arg12 : memref<80x128xf32, #tpu.memory_space<vmem>>) dst(%dma_wait3A_158 : memref<10000x128xf32, #tpu.memory_space<vmem_shared>>)
    %add3A_159 = arith.constant 124 : i32
    %add3A_160 = arith.addi %select_n3A, %add3A_159 : i32
    %dma_start3A_161 = arith.constant 0 : i32
    %dma_start3A_162 = arith.constant 0 : i32
    %dma_start3A_163 = tpu.memref_slice %arg4[%add3A_160, %dma_start3A_161, %dma_start3A_162] : memref<4000x1x80xi32, #tpu.memory_space<hbm>> -> memref<1x1x80xi32, #tpu.memory_space<hbm>>
    %dma_start3A_164 = tpu.memref_squeeze %dma_start3A_163 : memref<1x1x80xi32, #tpu.memory_space<hbm>> -> memref<80xi32, #tpu.memory_space<hbm>>
    %dma_start3A_165 = arith.constant 0 : i32
    %dma_start3A_166 = tpu.memref_slice %arg4[%add3A_160, %dma_start3A_161, %dma_start3A_165] : memref<4000x1x80xi32, #tpu.memory_space<hbm>> -> memref<1x1x80xi32, #tpu.memory_space<hbm>>
    %dma_start3A_167 = tpu.memref_squeeze %dma_start3A_166 : memref<1x1x80xi32, #tpu.memory_space<hbm>> -> memref<80xi32, #tpu.memory_space<hbm>>
    tpu.enqueue_dma source(%dma_start3A_167 : memref<80xi32, #tpu.memory_space<hbm>>) target(%arg9 : memref<80xi32, #tpu.memory_space<vmem>>) target_semaphore(%arg16 : memref<!tpu.dma_semaphore, #tpu.memory_space<semaphore_mem>>)
    %dma_start3A_168 = arith.constant 9920 : i32
    %dma_start3A_169 = tpu.memref_slice %arg7[%dma_start3A_168] : memref<10000xi32, #tpu.memory_space<vmem>> -> memref<80xi32, #tpu.memory_space<vmem>>
    %dma_start3A_170 = arith.constant 0 : i32
    %dma_start3A_171 = arith.constant 0 : i32
    %dma_start3A_172 = tpu.memref_slice %arg2[%dma_start3A_170, %dma_start3A_171] : memref<10000x128xf32, #tpu.memory_space<hbm>> -> memref<10000x128xf32, #tpu.memory_space<hbm>>
    tpu.enqueue_indirect_dma source(%dma_start3A_172 : memref<10000x128xf32, #tpu.memory_space<hbm>>) target(%arg12 : memref<80x128xf32, #tpu.memory_space<vmem>>) offsets(%dma_start3A_169 : memref<80xi32, #tpu.memory_space<vmem>>) semaphore(%arg16 : memref<!tpu.dma_semaphore, #tpu.memory_space<semaphore_mem>>)
    %dma_start3A_173 = arith.constant 0 : i32
    %dma_start3A_174 = arith.constant 0 : i32
    %dma_start3A_175 = tpu.memref_slice %arg14[%dma_start3A_173, %dma_start3A_174] : memref<10000x128xf32, #tpu.memory_space<vmem_shared>> -> memref<10000x128xf32, #tpu.memory_space<vmem_shared>>
    tpu.enqueue_indirect_dma source(%arg13 : memref<80x128xf32, #tpu.memory_space<vmem>>) target(%dma_start3A_175 : memref<10000x128xf32, #tpu.memory_space<vmem_shared>>) offsets(%arg10 : memref<80xi32, #tpu.memory_space<vmem>>) semaphore(%arg20 : memref<!tpu.dma_semaphore, #tpu.memory_space<semaphore_mem>>) {add = true}
    %dma_wait3A_176 = arith.constant 0 : i32
    %dma_wait3A_177 = arith.constant 0 : i32
    %dma_wait3A_178 = arith.constant 0 : i32
    %dma_wait3A_179 = tpu.memref_slice %arg4[%dma_wait3A_176, %dma_wait3A_177, %dma_wait3A_178] : memref<4000x1x80xi32, #tpu.memory_space<hbm>> -> memref<1x1x80xi32, #tpu.memory_space<hbm>>
    %dma_wait3A_180 = tpu.memref_squeeze %dma_wait3A_179 : memref<1x1x80xi32, #tpu.memory_space<hbm>> -> memref<80xi32, #tpu.memory_space<hbm>>
    %dma_wait3A_181 = arith.constant 0 : i32
    %dma_wait3A_182 = tpu.memref_slice %arg4[%dma_wait3A_176, %dma_wait3A_177, %dma_wait3A_181] : memref<4000x1x80xi32, #tpu.memory_space<hbm>> -> memref<1x1x80xi32, #tpu.memory_space<hbm>>
    %dma_wait3A_183 = tpu.memref_squeeze %dma_wait3A_182 : memref<1x1x80xi32, #tpu.memory_space<hbm>> -> memref<80xi32, #tpu.memory_space<hbm>>
    tpu.wait_dma2 semaphore(%arg15 : memref<!tpu.dma_semaphore, #tpu.memory_space<semaphore_mem>>) src(%dma_wait3A_183 : memref<80xi32, #tpu.memory_space<hbm>>) dst(%arg8 : memref<80xi32, #tpu.memory_space<vmem>>)
    %dma_wait3A_184 = arith.constant 0 : i32
    %dma_wait3A_185 = arith.constant 0 : i32
    %dma_wait3A_186 = tpu.memref_slice %arg2[%dma_wait3A_184, %dma_wait3A_185] : memref<10000x128xf32, #tpu.memory_space<hbm>> -> memref<80x128xf32, #tpu.memory_space<hbm>>
    %dma_wait3A_187 = arith.constant 0 : i32
    %dma_wait3A_188 = arith.constant 0 : i32
    %dma_wait3A_189 = tpu.memref_slice %arg2[%dma_wait3A_187, %dma_wait3A_188] : memref<10000x128xf32, #tpu.memory_space<hbm>> -> memref<80x128xf32, #tpu.memory_space<hbm>>
    tpu.wait_dma2 semaphore(%arg15 : memref<!tpu.dma_semaphore, #tpu.memory_space<semaphore_mem>>) src(%dma_wait3A_189 : memref<80x128xf32, #tpu.memory_space<hbm>>) dst(%arg11 : memref<80x128xf32, #tpu.memory_space<vmem>>)
    %dma_wait3A_190 = arith.constant 0 : i32
    %dma_wait3A_191 = arith.constant 0 : i32
    %dma_wait3A_192 = tpu.memref_slice %arg14[%dma_wait3A_190, %dma_wait3A_191] : memref<10000x128xf32, #tpu.memory_space<vmem_shared>> -> memref<10000x128xf32, #tpu.memory_space<vmem_shared>>
    tpu.wait_indirect_dma semaphore(%arg20 : memref<!tpu.dma_semaphore, #tpu.memory_space<semaphore_mem>>) src(%arg13 : memref<80x128xf32, #tpu.memory_space<vmem>>) dst(%dma_wait3A_192 : memref<10000x128xf32, #tpu.memory_space<vmem_shared>>)
    %dma_start3A_193 = arith.constant 0 : i32
    %dma_start3A_194 = arith.constant 0 : i32
    %dma_start3A_195 = tpu.memref_slice %arg14[%dma_start3A_193, %dma_start3A_194] : memref<10000x128xf32, #tpu.memory_space<vmem_shared>> -> memref<10000x128xf32, #tpu.memory_space<vmem_shared>>
    tpu.enqueue_indirect_dma source(%arg11 : memref<80x128xf32, #tpu.memory_space<vmem>>) target(%dma_start3A_195 : memref<10000x128xf32, #tpu.memory_space<vmem_shared>>) offsets(%arg8 : memref<80xi32, #tpu.memory_space<vmem>>) semaphore(%arg18 : memref<!tpu.dma_semaphore, #tpu.memory_space<semaphore_mem>>) {add = true}
    %dma_wait3A_196 = arith.constant 0 : i32
    %dma_wait3A_197 = arith.constant 0 : i32
    %dma_wait3A_198 = arith.constant 0 : i32
    %dma_wait3A_199 = tpu.memref_slice %arg4[%dma_wait3A_196, %dma_wait3A_197, %dma_wait3A_198] : memref<4000x1x80xi32, #tpu.memory_space<hbm>> -> memref<1x1x80xi32, #tpu.memory_space<hbm>>
    %dma_wait3A_200 = tpu.memref_squeeze %dma_wait3A_199 : memref<1x1x80xi32, #tpu.memory_space<hbm>> -> memref<80xi32, #tpu.memory_space<hbm>>
    %dma_wait3A_201 = arith.constant 0 : i32
    %dma_wait3A_202 = tpu.memref_slice %arg4[%dma_wait3A_196, %dma_wait3A_197, %dma_wait3A_201] : memref<4000x1x80xi32, #tpu.memory_space<hbm>> -> memref<1x1x80xi32, #tpu.memory_space<hbm>>
    %dma_wait3A_203 = tpu.memref_squeeze %dma_wait3A_202 : memref<1x1x80xi32, #tpu.memory_space<hbm>> -> memref<80xi32, #tpu.memory_space<hbm>>
    tpu.wait_dma2 semaphore(%arg16 : memref<!tpu.dma_semaphore, #tpu.memory_space<semaphore_mem>>) src(%dma_wait3A_203 : memref<80xi32, #tpu.memory_space<hbm>>) dst(%arg9 : memref<80xi32, #tpu.memory_space<vmem>>)
    %dma_wait3A_204 = arith.constant 0 : i32
    %dma_wait3A_205 = arith.constant 0 : i32
    %dma_wait3A_206 = tpu.memref_slice %arg2[%dma_wait3A_204, %dma_wait3A_205] : memref<10000x128xf32, #tpu.memory_space<hbm>> -> memref<80x128xf32, #tpu.memory_space<hbm>>
    %dma_wait3A_207 = arith.constant 0 : i32
    %dma_wait3A_208 = arith.constant 0 : i32
    %dma_wait3A_209 = tpu.memref_slice %arg2[%dma_wait3A_207, %dma_wait3A_208] : memref<10000x128xf32, #tpu.memory_space<hbm>> -> memref<80x128xf32, #tpu.memory_space<hbm>>
    tpu.wait_dma2 semaphore(%arg16 : memref<!tpu.dma_semaphore, #tpu.memory_space<semaphore_mem>>) src(%dma_wait3A_209 : memref<80x128xf32, #tpu.memory_space<hbm>>) dst(%arg12 : memref<80x128xf32, #tpu.memory_space<vmem>>)
    %dma_wait3A_210 = arith.constant 0 : i32
    %dma_wait3A_211 = arith.constant 0 : i32
    %dma_wait3A_212 = tpu.memref_slice %arg14[%dma_wait3A_210, %dma_wait3A_211] : memref<10000x128xf32, #tpu.memory_space<vmem_shared>> -> memref<10000x128xf32, #tpu.memory_space<vmem_shared>>
    tpu.wait_indirect_dma semaphore(%arg18 : memref<!tpu.dma_semaphore, #tpu.memory_space<semaphore_mem>>) src(%arg11 : memref<80x128xf32, #tpu.memory_space<vmem>>) dst(%dma_wait3A_212 : memref<10000x128xf32, #tpu.memory_space<vmem_shared>>)
    %dma_start3A_213 = arith.constant 0 : i32
    %dma_start3A_214 = arith.constant 0 : i32
    %dma_start3A_215 = tpu.memref_slice %arg14[%dma_start3A_213, %dma_start3A_214] : memref<10000x128xf32, #tpu.memory_space<vmem_shared>> -> memref<10000x128xf32, #tpu.memory_space<vmem_shared>>
    tpu.enqueue_indirect_dma source(%arg12 : memref<80x128xf32, #tpu.memory_space<vmem>>) target(%dma_start3A_215 : memref<10000x128xf32, #tpu.memory_space<vmem_shared>>) offsets(%arg9 : memref<80xi32, #tpu.memory_space<vmem>>) semaphore(%arg19 : memref<!tpu.dma_semaphore, #tpu.memory_space<semaphore_mem>>) {add = true}
    %dma_wait3A_216 = arith.constant 0 : i32
    %dma_wait3A_217 = arith.constant 0 : i32
    %dma_wait3A_218 = tpu.memref_slice %arg14[%dma_wait3A_216, %dma_wait3A_217] : memref<10000x128xf32, #tpu.memory_space<vmem_shared>> -> memref<10000x128xf32, #tpu.memory_space<vmem_shared>>
    tpu.wait_indirect_dma semaphore(%arg19 : memref<!tpu.dma_semaphore, #tpu.memory_space<semaphore_mem>>) src(%arg12 : memref<80x128xf32, #tpu.memory_space<vmem>>) dst(%dma_wait3A_218 : memref<10000x128xf32, #tpu.memory_space<vmem_shared>>)
    %barrier3A_219 = arith.constant 0 : index
    tpu.barrier barrier_id(%barrier3A_219)
    %lt3A = arith.constant 15 : i32
    %lt3A_220 = arith.cmpi slt, %arg1, %lt3A : i32
    %convert_element_type3A_221 = arith.extui %lt3A_220 : i1 to i32
    %cond3A_222 = arith.constant 0 : i32
    %cond3A_223 = arith.cmpi ne, %convert_element_type3A_221, %cond3A_222 : i32
    scf.if %cond3A_223 {
      "tpu.region"() ({
        %run_scoped3A = tpu.sem_alloc : memref<!tpu.dma_semaphore, #tpu.memory_space<semaphore_mem>>
        %dma_start3A_229 = arith.constant 0 : i32
        %dma_start3A_230 = tpu.memref_slice %arg6[%arg0, %mul3A_47, %dma_start3A_229] : memref<2x10000x128xf32, #tpu.memory_space<hbm>> -> memref<1x624x128xf32, #tpu.memory_space<hbm>>
        %dma_start3A_231 = tpu.memref_squeeze %dma_start3A_230 : memref<1x624x128xf32, #tpu.memory_space<hbm>> -> memref<624x128xf32, #tpu.memory_space<hbm>>
        %dma_start3A_232 = arith.constant 0 : i32
        %dma_start3A_233 = tpu.memref_slice %arg14[%mul3A_47, %dma_start3A_232] : memref<10000x128xf32, #tpu.memory_space<vmem_shared>> -> memref<624x128xf32, #tpu.memory_space<vmem_shared>>
        tpu.enqueue_dma source(%dma_start3A_233 : memref<624x128xf32, #tpu.memory_space<vmem_shared>>) target(%dma_start3A_231 : memref<624x128xf32, #tpu.memory_space<hbm>>) target_semaphore(%run_scoped3A : memref<!tpu.dma_semaphore, #tpu.memory_space<semaphore_mem>>)
        %dma_wait3A_234 = arith.constant 0 : i32
        %dma_wait3A_235 = tpu.memref_slice %arg6[%arg0, %mul3A_47, %dma_wait3A_234] : memref<2x10000x128xf32, #tpu.memory_space<hbm>> -> memref<1x624x128xf32, #tpu.memory_space<hbm>>
        %dma_wait3A_236 = tpu.memref_squeeze %dma_wait3A_235 : memref<1x624x128xf32, #tpu.memory_space<hbm>> -> memref<624x128xf32, #tpu.memory_space<hbm>>
        %dma_wait3A_237 = arith.constant 0 : i32
        %dma_wait3A_238 = tpu.memref_slice %arg14[%mul3A_47, %dma_wait3A_237] : memref<10000x128xf32, #tpu.memory_space<vmem_shared>> -> memref<624x128xf32, #tpu.memory_space<vmem_shared>>
        tpu.wait_dma2 semaphore(%run_scoped3A : memref<!tpu.dma_semaphore, #tpu.memory_space<semaphore_mem>>) src(%dma_wait3A_238 : memref<624x128xf32, #tpu.memory_space<vmem_shared>>) dst(%dma_wait3A_236 : memref<624x128xf32, #tpu.memory_space<hbm>>)
        tpu.yield
      }) : () -> ()
    } else {
    }
    %eq3A_224 = arith.constant 15 : i32
    %eq3A_225 = arith.cmpi eq, %arg1, %eq3A_224 : i32
    %convert_element_type3A_226 = arith.extui %eq3A_225 : i1 to i32
    %cond3A_227 = arith.constant 0 : i32
    %cond3A_228 = arith.cmpi ne, %convert_element_type3A_226, %cond3A_227 : i32
    scf.if %cond3A_228 {
      "tpu.region"() ({
        %run_scoped3A = tpu.sem_alloc : memref<!tpu.dma_semaphore, #tpu.memory_space<semaphore_mem>>
        %dma_start3A_229 = arith.constant 0 : i32
        %dma_start3A_230 = tpu.memref_slice %arg6[%arg0, %mul3A_47, %dma_start3A_229] : memref<2x10000x128xf32, #tpu.memory_space<hbm>> -> memref<1x640x128xf32, #tpu.memory_space<hbm>>
        %dma_start3A_231 = tpu.memref_squeeze %dma_start3A_230 : memref<1x640x128xf32, #tpu.memory_space<hbm>> -> memref<640x128xf32, #tpu.memory_space<hbm>>
        %dma_start3A_232 = arith.constant 0 : i32
        %dma_start3A_233 = tpu.memref_slice %arg14[%mul3A_47, %dma_start3A_232] : memref<10000x128xf32, #tpu.memory_space<vmem_shared>> -> memref<640x128xf32, #tpu.memory_space<vmem_shared>>
        tpu.enqueue_dma source(%dma_start3A_233 : memref<640x128xf32, #tpu.memory_space<vmem_shared>>) target(%dma_start3A_231 : memref<640x128xf32, #tpu.memory_space<hbm>>) target_semaphore(%run_scoped3A : memref<!tpu.dma_semaphore, #tpu.memory_space<semaphore_mem>>)
        %dma_wait3A_234 = arith.constant 0 : i32
        %dma_wait3A_235 = tpu.memref_slice %arg6[%arg0, %mul3A_47, %dma_wait3A_234] : memref<2x10000x128xf32, #tpu.memory_space<hbm>> -> memref<1x640x128xf32, #tpu.memory_space<hbm>>
        %dma_wait3A_236 = tpu.memref_squeeze %dma_wait3A_235 : memref<1x640x128xf32, #tpu.memory_space<hbm>> -> memref<640x128xf32, #tpu.memory_space<hbm>>
        %dma_wait3A_237 = arith.constant 0 : i32
        %dma_wait3A_238 = tpu.memref_slice %arg14[%mul3A_47, %dma_wait3A_237] : memref<10000x128xf32, #tpu.memory_space<vmem_shared>> -> memref<640x128xf32, #tpu.memory_space<vmem_shared>>
        tpu.wait_dma2 semaphore(%run_scoped3A : memref<!tpu.dma_semaphore, #tpu.memory_space<semaphore_mem>>) src(%dma_wait3A_238 : memref<640x128xf32, #tpu.memory_space<vmem_shared>>) dst(%dma_wait3A_236 : memref<640x128xf32, #tpu.memory_space<hbm>>)
        tpu.yield
      }) : () -> ()
    } else {
    }
    return
  }
}

#map = affine_map<(d0, d1) -> (0, 0)>
#map1 = affine_map<(d0, d1) -> (0)>
#map2 = affine_map<(d0, d1) -> (0, 0, 0)>
module attributes {stable_mosaic.version = 14 : i64} {
  func.func @k(%arg0: i32, %arg1: i32, %arg2: memref<10000x128xf32, #tpu.memory_space<hbm>>, %arg3: memref<320000xi32, #tpu.memory_space<hbm>>, %arg4: memref<4000x1x80xi32, #tpu.memory_space<hbm>>, %arg5: memref<208x128xf32, #tpu.memory_space<hbm>>, %arg6: memref<2x10000x128xf32, #tpu.memory_space<hbm>>, %arg7: memref<10000xi32, #tpu.memory_space<vmem>>, %arg8: memref<80xi32, #tpu.memory_space<vmem>>, %arg9: memref<80xi32, #tpu.memory_space<vmem>>, %arg10: memref<80xi32, #tpu.memory_space<vmem>>, %arg11: memref<80x128xf32, #tpu.memory_space<vmem>>, %arg12: memref<80x128xf32, #tpu.memory_space<vmem>>, %arg13: memref<80x128xf32, #tpu.memory_space<vmem>>, %arg14: memref<10000x128xf32, #tpu.memory_space<vmem_shared>>, %arg15: memref<!tpu.dma_semaphore, #tpu.memory_space<semaphore_mem>>, %arg16: memref<!tpu.dma_semaphore, #tpu.memory_space<semaphore_mem>>, %arg17: memref<!tpu.dma_semaphore, #tpu.memory_space<semaphore_mem>>, %arg18: memref<!tpu.dma_semaphore, #tpu.memory_space<semaphore_mem>>, %arg19: memref<!tpu.dma_semaphore, #tpu.memory_space<semaphore_mem>>, %arg20: memref<!tpu.dma_semaphore, #tpu.memory_space<semaphore_mem>>, %arg21: memref<!tpu.dma_semaphore, #tpu.memory_space<semaphore_mem>>) attributes {dimension_semantics = [#tpu.dimension_semantics<core_parallel>, #tpu.dimension_semantics<subcore_parallel>], iteration_bounds = array<i64: 2, 16>, scalar_prefetch = 0 : i64, scratch_operands = 15 : i64, tpu.core_type = #tpu.core_type<sc_vector_subcore>, window_params = [{transform_indices = #map}, {transform_indices = #map1}, {transform_indices = #map2}, {transform_indices = #map}, {transform_indices = #map2}]} {
    %mul3A = arith.constant 160000 : i32
    %mul3A_0 = arith.muli %arg0, %mul3A : i32
    %mul3A_1 = arith.constant 10000 : i32
    %mul3A_2 = arith.muli %arg1, %mul3A_1 : i32
    %add3A = arith.addi %mul3A_0, %mul3A_2 : i32
    %jit3A = arith.constant 80 : i32
    %div3A = arith.divsi %add3A, %jit3A : i32
    %sign3A = arith.constant 0 : i32
    %sign3A_3 = arith.cmpi sgt, %add3A, %sign3A : i32
    %sign3A_4 = arith.extui %sign3A_3 : i1 to i32
    %sign3A_5 = arith.constant 0 : i32
    %sign3A_6 = arith.cmpi slt, %add3A, %sign3A_5 : i32
    %sign3A_7 = arith.extui %sign3A_6 : i1 to i32
    %sign3A_8 = arith.subi %sign3A_4, %sign3A_7 : i32
    %sign3A_9 = arith.constant 0 : i32
    %sign3A_10 = arith.cmpi sgt, %jit3A, %sign3A_9 : i32
    %sign3A_11 = arith.extui %sign3A_10 : i1 to i32
    %sign3A_12 = arith.constant 0 : i32
    %sign3A_13 = arith.cmpi slt, %jit3A, %sign3A_12 : i32
    %sign3A_14 = arith.extui %sign3A_13 : i1 to i32
    %sign3A_15 = arith.subi %sign3A_11, %sign3A_14 : i32
    %ne3A = arith.cmpi ne, %sign3A_8, %sign3A_15 : i32
    %rem3A = arith.remsi %add3A, %jit3A : i32
    %ne3A_16 = arith.constant 0 : i32
    %ne3A_17 = arith.cmpi ne, %rem3A, %ne3A_16 : i32
    %and3A = arith.andi %ne3A, %ne3A_17 : i1
    %sub3A = arith.constant 1 : i32
    %sub3A_18 = arith.subi %div3A, %sub3A : i32
    %select_n3A = arith.select %and3A, %sub3A_18, %div3A : i32
    "tpu.region"() ({
      %run_scoped3A = tpu.sem_alloc : memref<!tpu.dma_semaphore, #tpu.memory_space<semaphore_mem>>
      %dma_start3A_229 = tpu.memref_slice %arg3[%add3A] : memref<320000xi32, #tpu.memory_space<hbm>> -> memref<10000xi32, #tpu.memory_space<hbm>>
      %dma_start3A_230 = tpu.memref_slice %arg3[%add3A] : memref<320000xi32, #tpu.memory_space<hbm>> -> memref<10000xi32, #tpu.memory_space<hbm>>
      tpu.enqueue_dma source(%dma_start3A_230 : memref<10000xi32, #tpu.memory_space<hbm>>) target(%arg7 : memref<10000xi32, #tpu.memory_space<vmem>>) target_semaphore(%run_scoped3A : memref<!tpu.dma_semaphore, #tpu.memory_space<semaphore_mem>>)
      %dma_wait3A_231 = tpu.memref_slice %arg3[%add3A] : memref<320000xi32, #tpu.memory_space<hbm>> -> memref<10000xi32, #tpu.memory_space<hbm>>
      %dma_wait3A_232 = tpu.memref_slice %arg3[%add3A] : memref<320000xi32, #tpu.memory_space<hbm>> -> memref<10000xi32, #tpu.memory_space<hbm>>
      tpu.wait_dma2 semaphore(%run_scoped3A : memref<!tpu.dma_semaphore, #tpu.memory_space<semaphore_mem>>) src(%dma_wait3A_232 : memref<10000xi32, #tpu.memory_space<hbm>>) dst(%arg7 : memref<10000xi32, #tpu.memory_space<vmem>>)
      tpu.yield
    }) : () -> ()
    %add3A_19 = arith.constant 0 : i32
    %add3A_20 = arith.addi %select_n3A, %add3A_19 : i32
    %dma_start3A = arith.constant 0 : i32
    %dma_start3A_21 = arith.constant 0 : i32
    %dma_start3A_22 = tpu.memref_slice %arg4[%add3A_20, %dma_start3A, %dma_start3A_21] : memref<4000x1x80xi32, #tpu.memory_space<hbm>> -> memref<1x1x80xi32, #tpu.memory_space<hbm>>
    %dma_start3A_23 = tpu.memref_squeeze %dma_start3A_22 : memref<1x1x80xi32, #tpu.memory_space<hbm>> -> memref<80xi32, #tpu.memory_space<hbm>>
    %dma_start3A_24 = arith.constant 0 : i32
    %dma_start3A_25 = tpu.memref_slice %arg4[%add3A_20, %dma_start3A, %dma_start3A_24] : memref<4000x1x80xi32, #tpu.memory_space<hbm>> -> memref<1x1x80xi32, #tpu.memory_space<hbm>>
    %dma_start3A_26 = tpu.memref_squeeze %dma_start3A_25 : memref<1x1x80xi32, #tpu.memory_space<hbm>> -> memref<80xi32, #tpu.memory_space<hbm>>
    tpu.enqueue_dma source(%dma_start3A_26 : memref<80xi32, #tpu.memory_space<hbm>>) target(%arg8 : memref<80xi32, #tpu.memory_space<vmem>>) target_semaphore(%arg15 : memref<!tpu.dma_semaphore, #tpu.memory_space<semaphore_mem>>)
    %dma_start3A_27 = arith.constant 0 : i32
    %dma_start3A_28 = tpu.memref_slice %arg7[%dma_start3A_27] : memref<10000xi32, #tpu.memory_space<vmem>> -> memref<80xi32, #tpu.memory_space<vmem>>
    %dma_start3A_29 = arith.constant 0 : i32
    %dma_start3A_30 = arith.constant 0 : i32
    %dma_start3A_31 = tpu.memref_slice %arg2[%dma_start3A_29, %dma_start3A_30] : memref<10000x128xf32, #tpu.memory_space<hbm>> -> memref<10000x128xf32, #tpu.memory_space<hbm>>
    tpu.enqueue_indirect_dma source(%dma_start3A_31 : memref<10000x128xf32, #tpu.memory_space<hbm>>) target(%arg11 : memref<80x128xf32, #tpu.memory_space<vmem>>) offsets(%dma_start3A_28 : memref<80xi32, #tpu.memory_space<vmem>>) semaphore(%arg15 : memref<!tpu.dma_semaphore, #tpu.memory_space<semaphore_mem>>)
    %add3A_32 = arith.constant 1 : i32
    %add3A_33 = arith.addi %select_n3A, %add3A_32 : i32
    %dma_start3A_34 = arith.constant 0 : i32
    %dma_start3A_35 = arith.constant 0 : i32
    %dma_start3A_36 = tpu.memref_slice %arg4[%add3A_33, %dma_start3A_34, %dma_start3A_35] : memref<4000x1x80xi32, #tpu.memory_space<hbm>> -> memref<1x1x80xi32, #tpu.memory_space<hbm>>
    %dma_start3A_37 = tpu.memref_squeeze %dma_start3A_36 : memref<1x1x80xi32, #tpu.memory_space<hbm>> -> memref<80xi32, #tpu.memory_space<hbm>>
    %dma_start3A_38 = arith.constant 0 : i32
    %dma_start3A_39 = tpu.memref_slice %arg4[%add3A_33, %dma_start3A_34, %dma_start3A_38] : memref<4000x1x80xi32, #tpu.memory_space<hbm>> -> memref<1x1x80xi32, #tpu.memory_space<hbm>>
    %dma_start3A_40 = tpu.memref_squeeze %dma_start3A_39 : memref<1x1x80xi32, #tpu.memory_space<hbm>> -> memref<80xi32, #tpu.memory_space<hbm>>
    tpu.enqueue_dma source(%dma_start3A_40 : memref<80xi32, #tpu.memory_space<hbm>>) target(%arg9 : memref<80xi32, #tpu.memory_space<vmem>>) target_semaphore(%arg16 : memref<!tpu.dma_semaphore, #tpu.memory_space<semaphore_mem>>)
    %dma_start3A_41 = arith.constant 80 : i32
    %dma_start3A_42 = tpu.memref_slice %arg7[%dma_start3A_41] : memref<10000xi32, #tpu.memory_space<vmem>> -> memref<80xi32, #tpu.memory_space<vmem>>
    %dma_start3A_43 = arith.constant 0 : i32
    %dma_start3A_44 = arith.constant 0 : i32
    %dma_start3A_45 = tpu.memref_slice %arg2[%dma_start3A_43, %dma_start3A_44] : memref<10000x128xf32, #tpu.memory_space<hbm>> -> memref<10000x128xf32, #tpu.memory_space<hbm>>
    tpu.enqueue_indirect_dma source(%dma_start3A_45 : memref<10000x128xf32, #tpu.memory_space<hbm>>) target(%arg12 : memref<80x128xf32, #tpu.memory_space<vmem>>) offsets(%dma_start3A_42 : memref<80xi32, #tpu.memory_space<vmem>>) semaphore(%arg16 : memref<!tpu.dma_semaphore, #tpu.memory_space<semaphore_mem>>)
    %mul3A_46 = arith.constant 624 : i32
    %mul3A_47 = arith.muli %arg1, %mul3A_46 : i32
    %add3A_48 = arith.constant 0 : i32
    %add3A_49 = arith.addi %mul3A_47, %add3A_48 : i32
    %dma_start3A_50 = arith.constant 0 : i32
    %dma_start3A_51 = tpu.memref_slice %arg14[%add3A_49, %dma_start3A_50] : memref<10000x128xf32, #tpu.memory_space<vmem_shared>> -> memref<208x128xf32, #tpu.memory_space<vmem_shared>>
    tpu.enqueue_dma source(%arg5 : memref<208x128xf32, #tpu.memory_space<hbm>>) target(%dma_start3A_51 : memref<208x128xf32, #tpu.memory_space<vmem_shared>>) target_semaphore(%arg21 : memref<!tpu.dma_semaphore, #tpu.memory_space<semaphore_mem>>)
    %add3A_52 = arith.constant 208 : i32
    %add3A_53 = arith.addi %mul3A_47, %add3A_52 : i32
    %dma_start3A_54 = arith.constant 0 : i32
    %dma_start3A_55 = tpu.memref_slice %arg14[%add3A_53, %dma_start3A_54] : memref<10000x128xf32, #tpu.memory_space<vmem_shared>> -> memref<208x128xf32, #tpu.memory_space<vmem_shared>>
    tpu.enqueue_dma source(%arg5 : memref<208x128xf32, #tpu.memory_space<hbm>>) target(%dma_start3A_55 : memref<208x128xf32, #tpu.memory_space<vmem_shared>>) target_semaphore(%arg21 : memref<!tpu.dma_semaphore, #tpu.memory_space<semaphore_mem>>)
    %add3A_56 = arith.constant 416 : i32
    %add3A_57 = arith.addi %mul3A_47, %add3A_56 : i32
    %dma_start3A_58 = arith.constant 0 : i32
    %dma_start3A_59 = tpu.memref_slice %arg14[%add3A_57, %dma_start3A_58] : memref<10000x128xf32, #tpu.memory_space<vmem_shared>> -> memref<208x128xf32, #tpu.memory_space<vmem_shared>>
    tpu.enqueue_dma source(%arg5 : memref<208x128xf32, #tpu.memory_space<hbm>>) target(%dma_start3A_59 : memref<208x128xf32, #tpu.memory_space<vmem_shared>>) target_semaphore(%arg21 : memref<!tpu.dma_semaphore, #tpu.memory_space<semaphore_mem>>)
    %eq3A = arith.constant 15 : i32
    %eq3A_60 = arith.cmpi eq, %arg1, %eq3A : i32
    %convert_element_type3A = arith.extui %eq3A_60 : i1 to i32
    %cond3A = arith.constant 0 : i32
    %cond3A_61 = arith.cmpi ne, %convert_element_type3A, %cond3A : i32
    scf.if %cond3A_61 {
      %add3A_229 = arith.constant 624 : i32
      %add3A_230 = arith.addi %mul3A_47, %add3A_229 : i32
      %dma_start3A_231 = arith.constant 0 : i32
      %dma_start3A_232 = tpu.memref_slice %arg14[%add3A_230, %dma_start3A_231] : memref<10000x128xf32, #tpu.memory_space<vmem_shared>> -> memref<16x128xf32, #tpu.memory_space<vmem_shared>>
      %dma_start3A_233 = arith.constant 0 : i32
      %dma_start3A_234 = arith.constant 0 : i32
      %dma_start3A_235 = tpu.memref_slice %arg5[%dma_start3A_233, %dma_start3A_234] : memref<208x128xf32, #tpu.memory_space<hbm>> -> memref<16x128xf32, #tpu.memory_space<hbm>>
      tpu.enqueue_dma source(%dma_start3A_235 : memref<16x128xf32, #tpu.memory_space<hbm>>) target(%dma_start3A_232 : memref<16x128xf32, #tpu.memory_space<vmem_shared>>) target_semaphore(%arg21 : memref<!tpu.dma_semaphore, #tpu.memory_space<semaphore_mem>>)
    } else {
    }
    %dma_wait3A = arith.constant 0 : i32
    %dma_wait3A_62 = tpu.memref_slice %arg14[%mul3A_47, %dma_wait3A] : memref<10000x128xf32, #tpu.memory_space<vmem_shared>> -> memref<208x128xf32, #tpu.memory_space<vmem_shared>>
    tpu.wait_dma2 semaphore(%arg21 : memref<!tpu.dma_semaphore, #tpu.memory_space<semaphore_mem>>) src(%arg5 : memref<208x128xf32, #tpu.memory_space<hbm>>) dst(%dma_wait3A_62 : memref<208x128xf32, #tpu.memory_space<vmem_shared>>)
    %dma_wait3A_63 = arith.constant 0 : i32
    %dma_wait3A_64 = tpu.memref_slice %arg14[%mul3A_47, %dma_wait3A_63] : memref<10000x128xf32, #tpu.memory_space<vmem_shared>> -> memref<208x128xf32, #tpu.memory_space<vmem_shared>>
    tpu.wait_dma2 semaphore(%arg21 : memref<!tpu.dma_semaphore, #tpu.memory_space<semaphore_mem>>) src(%arg5 : memref<208x128xf32, #tpu.memory_space<hbm>>) dst(%dma_wait3A_64 : memref<208x128xf32, #tpu.memory_space<vmem_shared>>)
    %dma_wait3A_65 = arith.constant 0 : i32
    %dma_wait3A_66 = tpu.memref_slice %arg14[%mul3A_47, %dma_wait3A_65] : memref<10000x128xf32, #tpu.memory_space<vmem_shared>> -> memref<208x128xf32, #tpu.memory_space<vmem_shared>>
    tpu.wait_dma2 semaphore(%arg21 : memref<!tpu.dma_semaphore, #tpu.memory_space<semaphore_mem>>) src(%arg5 : memref<208x128xf32, #tpu.memory_space<hbm>>) dst(%dma_wait3A_66 : memref<208x128xf32, #tpu.memory_space<vmem_shared>>)
    %eq3A_67 = arith.constant 15 : i32
    %eq3A_68 = arith.cmpi eq, %arg1, %eq3A_67 : i32
    %convert_element_type3A_69 = arith.extui %eq3A_68 : i1 to i32
    %cond3A_70 = arith.constant 0 : i32
    %cond3A_71 = arith.cmpi ne, %convert_element_type3A_69, %cond3A_70 : i32
    scf.if %cond3A_71 {
      %dma_wait3A_229 = arith.constant 0 : i32
      %dma_wait3A_230 = tpu.memref_slice %arg14[%mul3A_47, %dma_wait3A_229] : memref<10000x128xf32, #tpu.memory_space<vmem_shared>> -> memref<16x128xf32, #tpu.memory_space<vmem_shared>>
      %dma_wait3A_231 = arith.constant 0 : i32
      %dma_wait3A_232 = arith.constant 0 : i32
      %dma_wait3A_233 = tpu.memref_slice %arg5[%dma_wait3A_231, %dma_wait3A_232] : memref<208x128xf32, #tpu.memory_space<hbm>> -> memref<16x128xf32, #tpu.memory_space<hbm>>
      tpu.wait_dma2 semaphore(%arg21 : memref<!tpu.dma_semaphore, #tpu.memory_space<semaphore_mem>>) src(%dma_wait3A_233 : memref<16x128xf32, #tpu.memory_space<hbm>>) dst(%dma_wait3A_230 : memref<16x128xf32, #tpu.memory_space<vmem_shared>>)
    } else {
    }
    %barrier3A = arith.constant 0 : index
    tpu.barrier barrier_id(%barrier3A)
    %dma_wait3A_72 = arith.constant 0 : i32
    %dma_wait3A_73 = arith.constant 0 : i32
    %dma_wait3A_74 = arith.constant 0 : i32
    %dma_wait3A_75 = tpu.memref_slice %arg4[%dma_wait3A_72, %dma_wait3A_73, %dma_wait3A_74] : memref<4000x1x80xi32, #tpu.memory_space<hbm>> -> memref<1x1x80xi32, #tpu.memory_space<hbm>>
    %dma_wait3A_76 = tpu.memref_squeeze %dma_wait3A_75 : memref<1x1x80xi32, #tpu.memory_space<hbm>> -> memref<80xi32, #tpu.memory_space<hbm>>
    %dma_wait3A_77 = arith.constant 0 : i32
    %dma_wait3A_78 = tpu.memref_slice %arg4[%dma_wait3A_72, %dma_wait3A_73, %dma_wait3A_77] : memref<4000x1x80xi32, #tpu.memory_space<hbm>> -> memref<1x1x80xi32, #tpu.memory_space<hbm>>
    %dma_wait3A_79 = tpu.memref_squeeze %dma_wait3A_78 : memref<1x1x80xi32, #tpu.memory_space<hbm>> -> memref<80xi32, #tpu.memory_space<hbm>>
    tpu.wait_dma2 semaphore(%arg15 : memref<!tpu.dma_semaphore, #tpu.memory_space<semaphore_mem>>) src(%dma_wait3A_79 : memref<80xi32, #tpu.memory_space<hbm>>) dst(%arg8 : memref<80xi32, #tpu.memory_space<vmem>>)
    %dma_wait3A_80 = arith.constant 0 : i32
    %dma_wait3A_81 = arith.constant 0 : i32
    %dma_wait3A_82 = tpu.memref_slice %arg2[%dma_wait3A_80, %dma_wait3A_81] : memref<10000x128xf32, #tpu.memory_space<hbm>> -> memref<80x128xf32, #tpu.memory_space<hbm>>
    %dma_wait3A_83 = arith.constant 0 : i32
    %dma_wait3A_84 = arith.constant 0 : i32
    %dma_wait3A_85 = tpu.memref_slice %arg2[%dma_wait3A_83, %dma_wait3A_84] : memref<10000x128xf32, #tpu.memory_space<hbm>> -> memref<80x128xf32, #tpu.memory_space<hbm>>
    tpu.wait_dma2 semaphore(%arg15 : memref<!tpu.dma_semaphore, #tpu.memory_space<semaphore_mem>>) src(%dma_wait3A_85 : memref<80x128xf32, #tpu.memory_space<hbm>>) dst(%arg11 : memref<80x128xf32, #tpu.memory_space<vmem>>)
    %add3A_86 = arith.constant 2 : i32
    %add3A_87 = arith.addi %select_n3A, %add3A_86 : i32
    %dma_start3A_88 = arith.constant 0 : i32
    %dma_start3A_89 = arith.constant 0 : i32
    %dma_start3A_90 = tpu.memref_slice %arg4[%add3A_87, %dma_start3A_88, %dma_start3A_89] : memref<4000x1x80xi32, #tpu.memory_space<hbm>> -> memref<1x1x80xi32, #tpu.memory_space<hbm>>
    %dma_start3A_91 = tpu.memref_squeeze %dma_start3A_90 : memref<1x1x80xi32, #tpu.memory_space<hbm>> -> memref<80xi32, #tpu.memory_space<hbm>>
    %dma_start3A_92 = arith.constant 0 : i32
    %dma_start3A_93 = tpu.memref_slice %arg4[%add3A_87, %dma_start3A_88, %dma_start3A_92] : memref<4000x1x80xi32, #tpu.memory_space<hbm>> -> memref<1x1x80xi32, #tpu.memory_space<hbm>>
    %dma_start3A_94 = tpu.memref_squeeze %dma_start3A_93 : memref<1x1x80xi32, #tpu.memory_space<hbm>> -> memref<80xi32, #tpu.memory_space<hbm>>
    tpu.enqueue_dma source(%dma_start3A_94 : memref<80xi32, #tpu.memory_space<hbm>>) target(%arg10 : memref<80xi32, #tpu.memory_space<vmem>>) target_semaphore(%arg17 : memref<!tpu.dma_semaphore, #tpu.memory_space<semaphore_mem>>)
    %dma_start3A_95 = arith.constant 160 : i32
    %dma_start3A_96 = tpu.memref_slice %arg7[%dma_start3A_95] : memref<10000xi32, #tpu.memory_space<vmem>> -> memref<80xi32, #tpu.memory_space<vmem>>
    %dma_start3A_97 = arith.constant 0 : i32
    %dma_start3A_98 = arith.constant 0 : i32
    %dma_start3A_99 = tpu.memref_slice %arg2[%dma_start3A_97, %dma_start3A_98] : memref<10000x128xf32, #tpu.memory_space<hbm>> -> memref<10000x128xf32, #tpu.memory_space<hbm>>
    tpu.enqueue_indirect_dma source(%dma_start3A_99 : memref<10000x128xf32, #tpu.memory_space<hbm>>) target(%arg13 : memref<80x128xf32, #tpu.memory_space<vmem>>) offsets(%dma_start3A_96 : memref<80xi32, #tpu.memory_space<vmem>>) semaphore(%arg17 : memref<!tpu.dma_semaphore, #tpu.memory_space<semaphore_mem>>)
    %dma_start3A_100 = arith.constant 0 : i32
    %dma_start3A_101 = arith.constant 0 : i32
    %dma_start3A_102 = tpu.memref_slice %arg14[%dma_start3A_100, %dma_start3A_101] : memref<10000x128xf32, #tpu.memory_space<vmem_shared>> -> memref<10000x128xf32, #tpu.memory_space<vmem_shared>>
    tpu.enqueue_indirect_dma source(%arg11 : memref<80x128xf32, #tpu.memory_space<vmem>>) target(%dma_start3A_102 : memref<10000x128xf32, #tpu.memory_space<vmem_shared>>) offsets(%arg8 : memref<80xi32, #tpu.memory_space<vmem>>) semaphore(%arg18 : memref<!tpu.dma_semaphore, #tpu.memory_space<semaphore_mem>>) {add = true}
    %dma_wait3A_103 = arith.constant 0 : i32
    %dma_wait3A_104 = arith.constant 0 : i32
    %dma_wait3A_105 = arith.constant 0 : i32
    %dma_wait3A_106 = tpu.memref_slice %arg4[%dma_wait3A_103, %dma_wait3A_104, %dma_wait3A_105] : memref<4000x1x80xi32, #tpu.memory_space<hbm>> -> memref<1x1x80xi32, #tpu.memory_space<hbm>>
    %dma_wait3A_107 = tpu.memref_squeeze %dma_wait3A_106 : memref<1x1x80xi32, #tpu.memory_space<hbm>> -> memref<80xi32, #tpu.memory_space<hbm>>
    %dma_wait3A_108 = arith.constant 0 : i32
    %dma_wait3A_109 = tpu.memref_slice %arg4[%dma_wait3A_103, %dma_wait3A_104, %dma_wait3A_108] : memref<4000x1x80xi32, #tpu.memory_space<hbm>> -> memref<1x1x80xi32, #tpu.memory_space<hbm>>
    %dma_wait3A_110 = tpu.memref_squeeze %dma_wait3A_109 : memref<1x1x80xi32, #tpu.memory_space<hbm>> -> memref<80xi32, #tpu.memory_space<hbm>>
    tpu.wait_dma2 semaphore(%arg16 : memref<!tpu.dma_semaphore, #tpu.memory_space<semaphore_mem>>) src(%dma_wait3A_110 : memref<80xi32, #tpu.memory_space<hbm>>) dst(%arg9 : memref<80xi32, #tpu.memory_space<vmem>>)
    %dma_wait3A_111 = arith.constant 0 : i32
    %dma_wait3A_112 = arith.constant 0 : i32
    %dma_wait3A_113 = tpu.memref_slice %arg2[%dma_wait3A_111, %dma_wait3A_112] : memref<10000x128xf32, #tpu.memory_space<hbm>> -> memref<80x128xf32, #tpu.memory_space<hbm>>
    %dma_wait3A_114 = arith.constant 0 : i32
    %dma_wait3A_115 = arith.constant 0 : i32
    %dma_wait3A_116 = tpu.memref_slice %arg2[%dma_wait3A_114, %dma_wait3A_115] : memref<10000x128xf32, #tpu.memory_space<hbm>> -> memref<80x128xf32, #tpu.memory_space<hbm>>
    tpu.wait_dma2 semaphore(%arg16 : memref<!tpu.dma_semaphore, #tpu.memory_space<semaphore_mem>>) src(%dma_wait3A_116 : memref<80x128xf32, #tpu.memory_space<hbm>>) dst(%arg12 : memref<80x128xf32, #tpu.memory_space<vmem>>)
    %dma_wait3A_117 = arith.constant 0 : i32
    %dma_wait3A_118 = arith.constant 0 : i32
    %dma_wait3A_119 = tpu.memref_slice %arg14[%dma_wait3A_117, %dma_wait3A_118] : memref<10000x128xf32, #tpu.memory_space<vmem_shared>> -> memref<10000x128xf32, #tpu.memory_space<vmem_shared>>
    tpu.wait_indirect_dma semaphore(%arg18 : memref<!tpu.dma_semaphore, #tpu.memory_space<semaphore_mem>>) src(%arg11 : memref<80x128xf32, #tpu.memory_space<vmem>>) dst(%dma_wait3A_119 : memref<10000x128xf32, #tpu.memory_space<vmem_shared>>)
    %add3A_120 = arith.constant 3 : i32
    %add3A_121 = arith.addi %select_n3A, %add3A_120 : i32
    %dma_start3A_122 = arith.constant 0 : i32
    %dma_start3A_123 = arith.constant 0 : i32
    %dma_start3A_124 = tpu.memref_slice %arg4[%add3A_121, %dma_start3A_122, %dma_start3A_123] : memref<4000x1x80xi32, #tpu.memory_space<hbm>> -> memref<1x1x80xi32, #tpu.memory_space<hbm>>
    %dma_start3A_125 = tpu.memref_squeeze %dma_start3A_124 : memref<1x1x80xi32, #tpu.memory_space<hbm>> -> memref<80xi32, #tpu.memory_space<hbm>>
    %dma_start3A_126 = arith.constant 0 : i32
    %dma_start3A_127 = tpu.memref_slice %arg4[%add3A_121, %dma_start3A_122, %dma_start3A_126] : memref<4000x1x80xi32, #tpu.memory_space<hbm>> -> memref<1x1x80xi32, #tpu.memory_space<hbm>>
    %dma_start3A_128 = tpu.memref_squeeze %dma_start3A_127 : memref<1x1x80xi32, #tpu.memory_space<hbm>> -> memref<80xi32, #tpu.memory_space<hbm>>
    tpu.enqueue_dma source(%dma_start3A_128 : memref<80xi32, #tpu.memory_space<hbm>>) target(%arg8 : memref<80xi32, #tpu.memory_space<vmem>>) target_semaphore(%arg15 : memref<!tpu.dma_semaphore, #tpu.memory_space<semaphore_mem>>)
    %dma_start3A_129 = arith.constant 240 : i32
    %dma_start3A_130 = tpu.memref_slice %arg7[%dma_start3A_129] : memref<10000xi32, #tpu.memory_space<vmem>> -> memref<80xi32, #tpu.memory_space<vmem>>
    %dma_start3A_131 = arith.constant 0 : i32
    %dma_start3A_132 = arith.constant 0 : i32
    %dma_start3A_133 = tpu.memref_slice %arg2[%dma_start3A_131, %dma_start3A_132] : memref<10000x128xf32, #tpu.memory_space<hbm>> -> memref<10000x128xf32, #tpu.memory_space<hbm>>
    tpu.enqueue_indirect_dma source(%dma_start3A_133 : memref<10000x128xf32, #tpu.memory_space<hbm>>) target(%arg11 : memref<80x128xf32, #tpu.memory_space<vmem>>) offsets(%dma_start3A_130 : memref<80xi32, #tpu.memory_space<vmem>>) semaphore(%arg15 : memref<!tpu.dma_semaphore, #tpu.memory_space<semaphore_mem>>)
    %dma_start3A_134 = arith.constant 0 : i32
    %dma_start3A_135 = arith.constant 0 : i32
    %dma_start3A_136 = tpu.memref_slice %arg14[%dma_start3A_134, %dma_start3A_135] : memref<10000x128xf32, #tpu.memory_space<vmem_shared>> -> memref<10000x128xf32, #tpu.memory_space<vmem_shared>>
    tpu.enqueue_indirect_dma source(%arg12 : memref<80x128xf32, #tpu.memory_space<vmem>>) target(%dma_start3A_136 : memref<10000x128xf32, #tpu.memory_space<vmem_shared>>) offsets(%arg9 : memref<80xi32, #tpu.memory_space<vmem>>) semaphore(%arg19 : memref<!tpu.dma_semaphore, #tpu.memory_space<semaphore_mem>>) {add = true}
    %scan3A = arith.constant 0 : i32
    %scan3A_137 = arith.constant 0 : i32
    %scan3A_138 = arith.constant 40 : i32
    %scan3A_139 = arith.addi %scan3A_137, %scan3A_138 : i32
    %scan3A_140 = arith.constant 1 : i32
    scf.for %scan3A_229 = %scan3A_137 to %scan3A_139 step %scan3A_140  : i32 {
      %mul3A_230 = arith.constant 3 : i32
      %mul3A_231 = arith.muli %scan3A_229, %mul3A_230 : i32
      %add3A_232 = arith.constant 2 : i32
      %add3A_233 = arith.addi %add3A_232, %mul3A_231 : i32
      %add3A_234 = arith.constant 0 : i32
      %add3A_235 = arith.addi %add3A_233, %add3A_234 : i32
      %dma_wait3A_236 = arith.constant 0 : i32
      %dma_wait3A_237 = arith.constant 0 : i32
      %dma_wait3A_238 = arith.constant 0 : i32
      %dma_wait3A_239 = tpu.memref_slice %arg4[%dma_wait3A_236, %dma_wait3A_237, %dma_wait3A_238] : memref<4000x1x80xi32, #tpu.memory_space<hbm>> -> memref<1x1x80xi32, #tpu.memory_space<hbm>>
      %dma_wait3A_240 = tpu.memref_squeeze %dma_wait3A_239 : memref<1x1x80xi32, #tpu.memory_space<hbm>> -> memref<80xi32, #tpu.memory_space<hbm>>
      %dma_wait3A_241 = arith.constant 0 : i32
      %dma_wait3A_242 = tpu.memref_slice %arg4[%dma_wait3A_236, %dma_wait3A_237, %dma_wait3A_241] : memref<4000x1x80xi32, #tpu.memory_space<hbm>> -> memref<1x1x80xi32, #tpu.memory_space<hbm>>
      %dma_wait3A_243 = tpu.memref_squeeze %dma_wait3A_242 : memref<1x1x80xi32, #tpu.memory_space<hbm>> -> memref<80xi32, #tpu.memory_space<hbm>>
      tpu.wait_dma2 semaphore(%arg17 : memref<!tpu.dma_semaphore, #tpu.memory_space<semaphore_mem>>) src(%dma_wait3A_243 : memref<80xi32, #tpu.memory_space<hbm>>) dst(%arg10 : memref<80xi32, #tpu.memory_space<vmem>>)
      %dma_wait3A_244 = arith.constant 0 : i32
      %dma_wait3A_245 = arith.constant 0 : i32
      %dma_wait3A_246 = tpu.memref_slice %arg2[%dma_wait3A_244, %dma_wait3A_245] : memref<10000x128xf32, #tpu.memory_space<hbm>> -> memref<80x128xf32, #tpu.memory_space<hbm>>
      %dma_wait3A_247 = arith.constant 0 : i32
      %dma_wait3A_248 = arith.constant 0 : i32
      %dma_wait3A_249 = tpu.memref_slice %arg2[%dma_wait3A_247, %dma_wait3A_248] : memref<10000x128xf32, #tpu.memory_space<hbm>> -> memref<80x128xf32, #tpu.memory_space<hbm>>
      tpu.wait_dma2 semaphore(%arg17 : memref<!tpu.dma_semaphore, #tpu.memory_space<semaphore_mem>>) src(%dma_wait3A_249 : memref<80x128xf32, #tpu.memory_space<hbm>>) dst(%arg13 : memref<80x128xf32, #tpu.memory_space<vmem>>)
      %dma_wait3A_250 = arith.constant 0 : i32
      %dma_wait3A_251 = arith.constant 0 : i32
      %dma_wait3A_252 = tpu.memref_slice %arg14[%dma_wait3A_250, %dma_wait3A_251] : memref<10000x128xf32, #tpu.memory_space<vmem_shared>> -> memref<10000x128xf32, #tpu.memory_space<vmem_shared>>
      tpu.wait_indirect_dma semaphore(%arg19 : memref<!tpu.dma_semaphore, #tpu.memory_space<semaphore_mem>>) src(%arg12 : memref<80x128xf32, #tpu.memory_space<vmem>>) dst(%dma_wait3A_252 : memref<10000x128xf32, #tpu.memory_space<vmem_shared>>)
      %add3A_253 = arith.constant 2 : i32
      %add3A_254 = arith.addi %add3A_235, %add3A_253 : i32
      %add3A_255 = arith.addi %select_n3A, %add3A_254 : i32
      %dma_start3A_256 = arith.constant 0 : i32
      %dma_start3A_257 = arith.constant 0 : i32
      %dma_start3A_258 = tpu.memref_slice %arg4[%add3A_255, %dma_start3A_256, %dma_start3A_257] : memref<4000x1x80xi32, #tpu.memory_space<hbm>> -> memref<1x1x80xi32, #tpu.memory_space<hbm>>
      %dma_start3A_259 = tpu.memref_squeeze %dma_start3A_258 : memref<1x1x80xi32, #tpu.memory_space<hbm>> -> memref<80xi32, #tpu.memory_space<hbm>>
      %dma_start3A_260 = arith.constant 0 : i32
      %dma_start3A_261 = tpu.memref_slice %arg4[%add3A_255, %dma_start3A_256, %dma_start3A_260] : memref<4000x1x80xi32, #tpu.memory_space<hbm>> -> memref<1x1x80xi32, #tpu.memory_space<hbm>>
      %dma_start3A_262 = tpu.memref_squeeze %dma_start3A_261 : memref<1x1x80xi32, #tpu.memory_space<hbm>> -> memref<80xi32, #tpu.memory_space<hbm>>
      tpu.enqueue_dma source(%dma_start3A_262 : memref<80xi32, #tpu.memory_space<hbm>>) target(%arg9 : memref<80xi32, #tpu.memory_space<vmem>>) target_semaphore(%arg16 : memref<!tpu.dma_semaphore, #tpu.memory_space<semaphore_mem>>)
      %mul3A_263 = arith.constant 80 : i32
      %mul3A_264 = arith.muli %add3A_254, %mul3A_263 : i32
      %dma_start3A_265 = tpu.memref_slice %arg7[%mul3A_264] : memref<10000xi32, #tpu.memory_space<vmem>> -> memref<80xi32, #tpu.memory_space<vmem>>
      %dma_start3A_266 = arith.constant 0 : i32
      %dma_start3A_267 = arith.constant 0 : i32
      %dma_start3A_268 = tpu.memref_slice %arg2[%dma_start3A_266, %dma_start3A_267] : memref<10000x128xf32, #tpu.memory_space<hbm>> -> memref<10000x128xf32, #tpu.memory_space<hbm>>
      tpu.enqueue_indirect_dma source(%dma_start3A_268 : memref<10000x128xf32, #tpu.memory_space<hbm>>) target(%arg12 : memref<80x128xf32, #tpu.memory_space<vmem>>) offsets(%dma_start3A_265 : memref<80xi32, #tpu.memory_space<vmem>>) semaphore(%arg16 : memref<!tpu.dma_semaphore, #tpu.memory_space<semaphore_mem>>)
      %dma_start3A_269 = arith.constant 0 : i32
      %dma_start3A_270 = arith.constant 0 : i32
      %dma_start3A_271 = tpu.memref_slice %arg14[%dma_start3A_269, %dma_start3A_270] : memref<10000x128xf32, #tpu.memory_space<vmem_shared>> -> memref<10000x128xf32, #tpu.memory_space<vmem_shared>>
      tpu.enqueue_indirect_dma source(%arg13 : memref<80x128xf32, #tpu.memory_space<vmem>>) target(%dma_start3A_271 : memref<10000x128xf32, #tpu.memory_space<vmem_shared>>) offsets(%arg10 : memref<80xi32, #tpu.memory_space<vmem>>) semaphore(%arg20 : memref<!tpu.dma_semaphore, #tpu.memory_space<semaphore_mem>>) {add = true}
      %mul3A_272 = arith.constant 3 : i32
      %mul3A_273 = arith.muli %scan3A_229, %mul3A_272 : i32
      %add3A_274 = arith.constant 2 : i32
      %add3A_275 = arith.addi %add3A_274, %mul3A_273 : i32
      %add3A_276 = arith.constant 1 : i32
      %add3A_277 = arith.addi %add3A_275, %add3A_276 : i32
      %dma_wait3A_278 = arith.constant 0 : i32
      %dma_wait3A_279 = arith.constant 0 : i32
      %dma_wait3A_280 = arith.constant 0 : i32
      %dma_wait3A_281 = tpu.memref_slice %arg4[%dma_wait3A_278, %dma_wait3A_279, %dma_wait3A_280] : memref<4000x1x80xi32, #tpu.memory_space<hbm>> -> memref<1x1x80xi32, #tpu.memory_space<hbm>>
      %dma_wait3A_282 = tpu.memref_squeeze %dma_wait3A_281 : memref<1x1x80xi32, #tpu.memory_space<hbm>> -> memref<80xi32, #tpu.memory_space<hbm>>
      %dma_wait3A_283 = arith.constant 0 : i32
      %dma_wait3A_284 = tpu.memref_slice %arg4[%dma_wait3A_278, %dma_wait3A_279, %dma_wait3A_283] : memref<4000x1x80xi32, #tpu.memory_space<hbm>> -> memref<1x1x80xi32, #tpu.memory_space<hbm>>
      %dma_wait3A_285 = tpu.memref_squeeze %dma_wait3A_284 : memref<1x1x80xi32, #tpu.memory_space<hbm>> -> memref<80xi32, #tpu.memory_space<hbm>>
      tpu.wait_dma2 semaphore(%arg15 : memref<!tpu.dma_semaphore, #tpu.memory_space<semaphore_mem>>) src(%dma_wait3A_285 : memref<80xi32, #tpu.memory_space<hbm>>) dst(%arg8 : memref<80xi32, #tpu.memory_space<vmem>>)
      %dma_wait3A_286 = arith.constant 0 : i32
      %dma_wait3A_287 = arith.constant 0 : i32
      %dma_wait3A_288 = tpu.memref_slice %arg2[%dma_wait3A_286, %dma_wait3A_287] : memref<10000x128xf32, #tpu.memory_space<hbm>> -> memref<80x128xf32, #tpu.memory_space<hbm>>
      %dma_wait3A_289 = arith.constant 0 : i32
      %dma_wait3A_290 = arith.constant 0 : i32
      %dma_wait3A_291 = tpu.memref_slice %arg2[%dma_wait3A_289, %dma_wait3A_290] : memref<10000x128xf32, #tpu.memory_space<hbm>> -> memref<80x128xf32, #tpu.memory_space<hbm>>
      tpu.wait_dma2 semaphore(%arg15 : memref<!tpu.dma_semaphore, #tpu.memory_space<semaphore_mem>>) src(%dma_wait3A_291 : memref<80x128xf32, #tpu.memory_space<hbm>>) dst(%arg11 : memref<80x128xf32, #tpu.memory_space<vmem>>)
      %dma_wait3A_292 = arith.constant 0 : i32
      %dma_wait3A_293 = arith.constant 0 : i32
      %dma_wait3A_294 = tpu.memref_slice %arg14[%dma_wait3A_292, %dma_wait3A_293] : memref<10000x128xf32, #tpu.memory_space<vmem_shared>> -> memref<10000x128xf32, #tpu.memory_space<vmem_shared>>
      tpu.wait_indirect_dma semaphore(%arg20 : memref<!tpu.dma_semaphore, #tpu.memory_space<semaphore_mem>>) src(%arg13 : memref<80x128xf32, #tpu.memory_space<vmem>>) dst(%dma_wait3A_294 : memref<10000x128xf32, #tpu.memory_space<vmem_shared>>)
      %add3A_295 = arith.constant 2 : i32
      %add3A_296 = arith.addi %add3A_277, %add3A_295 : i32
      %add3A_297 = arith.addi %select_n3A, %add3A_296 : i32
      %dma_start3A_298 = arith.constant 0 : i32
      %dma_start3A_299 = arith.constant 0 : i32
      %dma_start3A_300 = tpu.memref_slice %arg4[%add3A_297, %dma_start3A_298, %dma_start3A_299] : memref<4000x1x80xi32, #tpu.memory_space<hbm>> -> memref<1x1x80xi32, #tpu.memory_space<hbm>>
      %dma_start3A_301 = tpu.memref_squeeze %dma_start3A_300 : memref<1x1x80xi32, #tpu.memory_space<hbm>> -> memref<80xi32, #tpu.memory_space<hbm>>
      %dma_start3A_302 = arith.constant 0 : i32
      %dma_start3A_303 = tpu.memref_slice %arg4[%add3A_297, %dma_start3A_298, %dma_start3A_302] : memref<4000x1x80xi32, #tpu.memory_space<hbm>> -> memref<1x1x80xi32, #tpu.memory_space<hbm>>
      %dma_start3A_304 = tpu.memref_squeeze %dma_start3A_303 : memref<1x1x80xi32, #tpu.memory_space<hbm>> -> memref<80xi32, #tpu.memory_space<hbm>>
      tpu.enqueue_dma source(%dma_start3A_304 : memref<80xi32, #tpu.memory_space<hbm>>) target(%arg10 : memref<80xi32, #tpu.memory_space<vmem>>) target_semaphore(%arg17 : memref<!tpu.dma_semaphore, #tpu.memory_space<semaphore_mem>>)
      %mul3A_305 = arith.constant 80 : i32
      %mul3A_306 = arith.muli %add3A_296, %mul3A_305 : i32
      %dma_start3A_307 = tpu.memref_slice %arg7[%mul3A_306] : memref<10000xi32, #tpu.memory_space<vmem>> -> memref<80xi32, #tpu.memory_space<vmem>>
      %dma_start3A_308 = arith.constant 0 : i32
      %dma_start3A_309 = arith.constant 0 : i32
      %dma_start3A_310 = tpu.memref_slice %arg2[%dma_start3A_308, %dma_start3A_309] : memref<10000x128xf32, #tpu.memory_space<hbm>> -> memref<10000x128xf32, #tpu.memory_space<hbm>>
      tpu.enqueue_indirect_dma source(%dma_start3A_310 : memref<10000x128xf32, #tpu.memory_space<hbm>>) target(%arg13 : memref<80x128xf32, #tpu.memory_space<vmem>>) offsets(%dma_start3A_307 : memref<80xi32, #tpu.memory_space<vmem>>) semaphore(%arg17 : memref<!tpu.dma_semaphore, #tpu.memory_space<semaphore_mem>>)
      %dma_start3A_311 = arith.constant 0 : i32
      %dma_start3A_312 = arith.constant 0 : i32
      %dma_start3A_313 = tpu.memref_slice %arg14[%dma_start3A_311, %dma_start3A_312] : memref<10000x128xf32, #tpu.memory_space<vmem_shared>> -> memref<10000x128xf32, #tpu.memory_space<vmem_shared>>
      tpu.enqueue_indirect_dma source(%arg11 : memref<80x128xf32, #tpu.memory_space<vmem>>) target(%dma_start3A_313 : memref<10000x128xf32, #tpu.memory_space<vmem_shared>>) offsets(%arg8 : memref<80xi32, #tpu.memory_space<vmem>>) semaphore(%arg18 : memref<!tpu.dma_semaphore, #tpu.memory_space<semaphore_mem>>) {add = true}
      %mul3A_314 = arith.constant 3 : i32
      %mul3A_315 = arith.muli %scan3A_229, %mul3A_314 : i32
      %add3A_316 = arith.constant 2 : i32
      %add3A_317 = arith.addi %add3A_316, %mul3A_315 : i32
      %add3A_318 = arith.constant 2 : i32
      %add3A_319 = arith.addi %add3A_317, %add3A_318 : i32
      %dma_wait3A_320 = arith.constant 0 : i32
      %dma_wait3A_321 = arith.constant 0 : i32
      %dma_wait3A_322 = arith.constant 0 : i32
      %dma_wait3A_323 = tpu.memref_slice %arg4[%dma_wait3A_320, %dma_wait3A_321, %dma_wait3A_322] : memref<4000x1x80xi32, #tpu.memory_space<hbm>> -> memref<1x1x80xi32, #tpu.memory_space<hbm>>
      %dma_wait3A_324 = tpu.memref_squeeze %dma_wait3A_323 : memref<1x1x80xi32, #tpu.memory_space<hbm>> -> memref<80xi32, #tpu.memory_space<hbm>>
      %dma_wait3A_325 = arith.constant 0 : i32
      %dma_wait3A_326 = tpu.memref_slice %arg4[%dma_wait3A_320, %dma_wait3A_321, %dma_wait3A_325] : memref<4000x1x80xi32, #tpu.memory_space<hbm>> -> memref<1x1x80xi32, #tpu.memory_space<hbm>>
      %dma_wait3A_327 = tpu.memref_squeeze %dma_wait3A_326 : memref<1x1x80xi32, #tpu.memory_space<hbm>> -> memref<80xi32, #tpu.memory_space<hbm>>
      tpu.wait_dma2 semaphore(%arg16 : memref<!tpu.dma_semaphore, #tpu.memory_space<semaphore_mem>>) src(%dma_wait3A_327 : memref<80xi32, #tpu.memory_space<hbm>>) dst(%arg9 : memref<80xi32, #tpu.memory_space<vmem>>)
      %dma_wait3A_328 = arith.constant 0 : i32
      %dma_wait3A_329 = arith.constant 0 : i32
      %dma_wait3A_330 = tpu.memref_slice %arg2[%dma_wait3A_328, %dma_wait3A_329] : memref<10000x128xf32, #tpu.memory_space<hbm>> -> memref<80x128xf32, #tpu.memory_space<hbm>>
      %dma_wait3A_331 = arith.constant 0 : i32
      %dma_wait3A_332 = arith.constant 0 : i32
      %dma_wait3A_333 = tpu.memref_slice %arg2[%dma_wait3A_331, %dma_wait3A_332] : memref<10000x128xf32, #tpu.memory_space<hbm>> -> memref<80x128xf32, #tpu.memory_space<hbm>>
      tpu.wait_dma2 semaphore(%arg16 : memref<!tpu.dma_semaphore, #tpu.memory_space<semaphore_mem>>) src(%dma_wait3A_333 : memref<80x128xf32, #tpu.memory_space<hbm>>) dst(%arg12 : memref<80x128xf32, #tpu.memory_space<vmem>>)
      %dma_wait3A_334 = arith.constant 0 : i32
      %dma_wait3A_335 = arith.constant 0 : i32
      %dma_wait3A_336 = tpu.memref_slice %arg14[%dma_wait3A_334, %dma_wait3A_335] : memref<10000x128xf32, #tpu.memory_space<vmem_shared>> -> memref<10000x128xf32, #tpu.memory_space<vmem_shared>>
      tpu.wait_indirect_dma semaphore(%arg18 : memref<!tpu.dma_semaphore, #tpu.memory_space<semaphore_mem>>) src(%arg11 : memref<80x128xf32, #tpu.memory_space<vmem>>) dst(%dma_wait3A_336 : memref<10000x128xf32, #tpu.memory_space<vmem_shared>>)
      %add3A_337 = arith.constant 2 : i32
      %add3A_338 = arith.addi %add3A_319, %add3A_337 : i32
      %add3A_339 = arith.addi %select_n3A, %add3A_338 : i32
      %dma_start3A_340 = arith.constant 0 : i32
      %dma_start3A_341 = arith.constant 0 : i32
      %dma_start3A_342 = tpu.memref_slice %arg4[%add3A_339, %dma_start3A_340, %dma_start3A_341] : memref<4000x1x80xi32, #tpu.memory_space<hbm>> -> memref<1x1x80xi32, #tpu.memory_space<hbm>>
      %dma_start3A_343 = tpu.memref_squeeze %dma_start3A_342 : memref<1x1x80xi32, #tpu.memory_space<hbm>> -> memref<80xi32, #tpu.memory_space<hbm>>
      %dma_start3A_344 = arith.constant 0 : i32
      %dma_start3A_345 = tpu.memref_slice %arg4[%add3A_339, %dma_start3A_340, %dma_start3A_344] : memref<4000x1x80xi32, #tpu.memory_space<hbm>> -> memref<1x1x80xi32, #tpu.memory_space<hbm>>
      %dma_start3A_346 = tpu.memref_squeeze %dma_start3A_345 : memref<1x1x80xi32, #tpu.memory_space<hbm>> -> memref<80xi32, #tpu.memory_space<hbm>>
      tpu.enqueue_dma source(%dma_start3A_346 : memref<80xi32, #tpu.memory_space<hbm>>) target(%arg8 : memref<80xi32, #tpu.memory_space<vmem>>) target_semaphore(%arg15 : memref<!tpu.dma_semaphore, #tpu.memory_space<semaphore_mem>>)
      %mul3A_347 = arith.constant 80 : i32
      %mul3A_348 = arith.muli %add3A_338, %mul3A_347 : i32
      %dma_start3A_349 = tpu.memref_slice %arg7[%mul3A_348] : memref<10000xi32, #tpu.memory_space<vmem>> -> memref<80xi32, #tpu.memory_space<vmem>>
      %dma_start3A_350 = arith.constant 0 : i32
      %dma_start3A_351 = arith.constant 0 : i32
      %dma_start3A_352 = tpu.memref_slice %arg2[%dma_start3A_350, %dma_start3A_351] : memref<10000x128xf32, #tpu.memory_space<hbm>> -> memref<10000x128xf32, #tpu.memory_space<hbm>>
      tpu.enqueue_indirect_dma source(%dma_start3A_352 : memref<10000x128xf32, #tpu.memory_space<hbm>>) target(%arg11 : memref<80x128xf32, #tpu.memory_space<vmem>>) offsets(%dma_start3A_349 : memref<80xi32, #tpu.memory_space<vmem>>) semaphore(%arg15 : memref<!tpu.dma_semaphore, #tpu.memory_space<semaphore_mem>>)
      %dma_start3A_353 = arith.constant 0 : i32
      %dma_start3A_354 = arith.constant 0 : i32
      %dma_start3A_355 = tpu.memref_slice %arg14[%dma_start3A_353, %dma_start3A_354] : memref<10000x128xf32, #tpu.memory_space<vmem_shared>> -> memref<10000x128xf32, #tpu.memory_space<vmem_shared>>
      tpu.enqueue_indirect_dma source(%arg12 : memref<80x128xf32, #tpu.memory_space<vmem>>) target(%dma_start3A_355 : memref<10000x128xf32, #tpu.memory_space<vmem_shared>>) offsets(%arg9 : memref<80xi32, #tpu.memory_space<vmem>>) semaphore(%arg19 : memref<!tpu.dma_semaphore, #tpu.memory_space<semaphore_mem>>) {add = true}
    }
    %scan3A_141 = arith.constant 40 : i32
    %dma_wait3A_142 = arith.constant 0 : i32
    %dma_wait3A_143 = arith.constant 0 : i32
    %dma_wait3A_144 = arith.constant 0 : i32
    %dma_wait3A_145 = tpu.memref_slice %arg4[%dma_wait3A_142, %dma_wait3A_143, %dma_wait3A_144] : memref<4000x1x80xi32, #tpu.memory_space<hbm>> -> memref<1x1x80xi32, #tpu.memory_space<hbm>>
    %dma_wait3A_146 = tpu.memref_squeeze %dma_wait3A_145 : memref<1x1x80xi32, #tpu.memory_space<hbm>> -> memref<80xi32, #tpu.memory_space<hbm>>
    %dma_wait3A_147 = arith.constant 0 : i32
    %dma_wait3A_148 = tpu.memref_slice %arg4[%dma_wait3A_142, %dma_wait3A_143, %dma_wait3A_147] : memref<4000x1x80xi32, #tpu.memory_space<hbm>> -> memref<1x1x80xi32, #tpu.memory_space<hbm>>
    %dma_wait3A_149 = tpu.memref_squeeze %dma_wait3A_148 : memref<1x1x80xi32, #tpu.memory_space<hbm>> -> memref<80xi32, #tpu.memory_space<hbm>>
    tpu.wait_dma2 semaphore(%arg17 : memref<!tpu.dma_semaphore, #tpu.memory_space<semaphore_mem>>) src(%dma_wait3A_149 : memref<80xi32, #tpu.memory_space<hbm>>) dst(%arg10 : memref<80xi32, #tpu.memory_space<vmem>>)
    %dma_wait3A_150 = arith.constant 0 : i32
    %dma_wait3A_151 = arith.constant 0 : i32
    %dma_wait3A_152 = tpu.memref_slice %arg2[%dma_wait3A_150, %dma_wait3A_151] : memref<10000x128xf32, #tpu.memory_space<hbm>> -> memref<80x128xf32, #tpu.memory_space<hbm>>
    %dma_wait3A_153 = arith.constant 0 : i32
    %dma_wait3A_154 = arith.constant 0 : i32
    %dma_wait3A_155 = tpu.memref_slice %arg2[%dma_wait3A_153, %dma_wait3A_154] : memref<10000x128xf32, #tpu.memory_space<hbm>> -> memref<80x128xf32, #tpu.memory_space<hbm>>
    tpu.wait_dma2 semaphore(%arg17 : memref<!tpu.dma_semaphore, #tpu.memory_space<semaphore_mem>>) src(%dma_wait3A_155 : memref<80x128xf32, #tpu.memory_space<hbm>>) dst(%arg13 : memref<80x128xf32, #tpu.memory_space<vmem>>)
    %dma_wait3A_156 = arith.constant 0 : i32
    %dma_wait3A_157 = arith.constant 0 : i32
    %dma_wait3A_158 = tpu.memref_slice %arg14[%dma_wait3A_156, %dma_wait3A_157] : memref<10000x128xf32, #tpu.memory_space<vmem_shared>> -> memref<10000x128xf32, #tpu.memory_space<vmem_shared>>
    tpu.wait_indirect_dma semaphore(%arg19 : memref<!tpu.dma_semaphore, #tpu.memory_space<semaphore_mem>>) src(%arg12 : memref<80x128xf32, #tpu.memory_space<vmem>>) dst(%dma_wait3A_158 : memref<10000x128xf32, #tpu.memory_space<vmem_shared>>)
    %add3A_159 = arith.constant 124 : i32
    %add3A_160 = arith.addi %select_n3A, %add3A_159 : i32
    %dma_start3A_161 = arith.constant 0 : i32
    %dma_start3A_162 = arith.constant 0 : i32
    %dma_start3A_163 = tpu.memref_slice %arg4[%add3A_160, %dma_start3A_161, %dma_start3A_162] : memref<4000x1x80xi32, #tpu.memory_space<hbm>> -> memref<1x1x80xi32, #tpu.memory_space<hbm>>
    %dma_start3A_164 = tpu.memref_squeeze %dma_start3A_163 : memref<1x1x80xi32, #tpu.memory_space<hbm>> -> memref<80xi32, #tpu.memory_space<hbm>>
    %dma_start3A_165 = arith.constant 0 : i32
    %dma_start3A_166 = tpu.memref_slice %arg4[%add3A_160, %dma_start3A_161, %dma_start3A_165] : memref<4000x1x80xi32, #tpu.memory_space<hbm>> -> memref<1x1x80xi32, #tpu.memory_space<hbm>>
    %dma_start3A_167 = tpu.memref_squeeze %dma_start3A_166 : memref<1x1x80xi32, #tpu.memory_space<hbm>> -> memref<80xi32, #tpu.memory_space<hbm>>
    tpu.enqueue_dma source(%dma_start3A_167 : memref<80xi32, #tpu.memory_space<hbm>>) target(%arg9 : memref<80xi32, #tpu.memory_space<vmem>>) target_semaphore(%arg16 : memref<!tpu.dma_semaphore, #tpu.memory_space<semaphore_mem>>)
    %dma_start3A_168 = arith.constant 9920 : i32
    %dma_start3A_169 = tpu.memref_slice %arg7[%dma_start3A_168] : memref<10000xi32, #tpu.memory_space<vmem>> -> memref<80xi32, #tpu.memory_space<vmem>>
    %dma_start3A_170 = arith.constant 0 : i32
    %dma_start3A_171 = arith.constant 0 : i32
    %dma_start3A_172 = tpu.memref_slice %arg2[%dma_start3A_170, %dma_start3A_171] : memref<10000x128xf32, #tpu.memory_space<hbm>> -> memref<10000x128xf32, #tpu.memory_space<hbm>>
    tpu.enqueue_indirect_dma source(%dma_start3A_172 : memref<10000x128xf32, #tpu.memory_space<hbm>>) target(%arg12 : memref<80x128xf32, #tpu.memory_space<vmem>>) offsets(%dma_start3A_169 : memref<80xi32, #tpu.memory_space<vmem>>) semaphore(%arg16 : memref<!tpu.dma_semaphore, #tpu.memory_space<semaphore_mem>>)
    %dma_start3A_173 = arith.constant 0 : i32
    %dma_start3A_174 = arith.constant 0 : i32
    %dma_start3A_175 = tpu.memref_slice %arg14[%dma_start3A_173, %dma_start3A_174] : memref<10000x128xf32, #tpu.memory_space<vmem_shared>> -> memref<10000x128xf32, #tpu.memory_space<vmem_shared>>
    tpu.enqueue_indirect_dma source(%arg13 : memref<80x128xf32, #tpu.memory_space<vmem>>) target(%dma_start3A_175 : memref<10000x128xf32, #tpu.memory_space<vmem_shared>>) offsets(%arg10 : memref<80xi32, #tpu.memory_space<vmem>>) semaphore(%arg20 : memref<!tpu.dma_semaphore, #tpu.memory_space<semaphore_mem>>) {add = true}
    %dma_wait3A_176 = arith.constant 0 : i32
    %dma_wait3A_177 = arith.constant 0 : i32
    %dma_wait3A_178 = arith.constant 0 : i32
    %dma_wait3A_179 = tpu.memref_slice %arg4[%dma_wait3A_176, %dma_wait3A_177, %dma_wait3A_178] : memref<4000x1x80xi32, #tpu.memory_space<hbm>> -> memref<1x1x80xi32, #tpu.memory_space<hbm>>
    %dma_wait3A_180 = tpu.memref_squeeze %dma_wait3A_179 : memref<1x1x80xi32, #tpu.memory_space<hbm>> -> memref<80xi32, #tpu.memory_space<hbm>>
    %dma_wait3A_181 = arith.constant 0 : i32
    %dma_wait3A_182 = tpu.memref_slice %arg4[%dma_wait3A_176, %dma_wait3A_177, %dma_wait3A_181] : memref<4000x1x80xi32, #tpu.memory_space<hbm>> -> memref<1x1x80xi32, #tpu.memory_space<hbm>>
    %dma_wait3A_183 = tpu.memref_squeeze %dma_wait3A_182 : memref<1x1x80xi32, #tpu.memory_space<hbm>> -> memref<80xi32, #tpu.memory_space<hbm>>
    tpu.wait_dma2 semaphore(%arg15 : memref<!tpu.dma_semaphore, #tpu.memory_space<semaphore_mem>>) src(%dma_wait3A_183 : memref<80xi32, #tpu.memory_space<hbm>>) dst(%arg8 : memref<80xi32, #tpu.memory_space<vmem>>)
    %dma_wait3A_184 = arith.constant 0 : i32
    %dma_wait3A_185 = arith.constant 0 : i32
    %dma_wait3A_186 = tpu.memref_slice %arg2[%dma_wait3A_184, %dma_wait3A_185] : memref<10000x128xf32, #tpu.memory_space<hbm>> -> memref<80x128xf32, #tpu.memory_space<hbm>>
    %dma_wait3A_187 = arith.constant 0 : i32
    %dma_wait3A_188 = arith.constant 0 : i32
    %dma_wait3A_189 = tpu.memref_slice %arg2[%dma_wait3A_187, %dma_wait3A_188] : memref<10000x128xf32, #tpu.memory_space<hbm>> -> memref<80x128xf32, #tpu.memory_space<hbm>>
    tpu.wait_dma2 semaphore(%arg15 : memref<!tpu.dma_semaphore, #tpu.memory_space<semaphore_mem>>) src(%dma_wait3A_189 : memref<80x128xf32, #tpu.memory_space<hbm>>) dst(%arg11 : memref<80x128xf32, #tpu.memory_space<vmem>>)
    %dma_wait3A_190 = arith.constant 0 : i32
    %dma_wait3A_191 = arith.constant 0 : i32
    %dma_wait3A_192 = tpu.memref_slice %arg14[%dma_wait3A_190, %dma_wait3A_191] : memref<10000x128xf32, #tpu.memory_space<vmem_shared>> -> memref<10000x128xf32, #tpu.memory_space<vmem_shared>>
    tpu.wait_indirect_dma semaphore(%arg20 : memref<!tpu.dma_semaphore, #tpu.memory_space<semaphore_mem>>) src(%arg13 : memref<80x128xf32, #tpu.memory_space<vmem>>) dst(%dma_wait3A_192 : memref<10000x128xf32, #tpu.memory_space<vmem_shared>>)
    %dma_start3A_193 = arith.constant 0 : i32
    %dma_start3A_194 = arith.constant 0 : i32
    %dma_start3A_195 = tpu.memref_slice %arg14[%dma_start3A_193, %dma_start3A_194] : memref<10000x128xf32, #tpu.memory_space<vmem_shared>> -> memref<10000x128xf32, #tpu.memory_space<vmem_shared>>
    tpu.enqueue_indirect_dma source(%arg11 : memref<80x128xf32, #tpu.memory_space<vmem>>) target(%dma_start3A_195 : memref<10000x128xf32, #tpu.memory_space<vmem_shared>>) offsets(%arg8 : memref<80xi32, #tpu.memory_space<vmem>>) semaphore(%arg18 : memref<!tpu.dma_semaphore, #tpu.memory_space<semaphore_mem>>) {add = true}
    %dma_wait3A_196 = arith.constant 0 : i32
    %dma_wait3A_197 = arith.constant 0 : i32
    %dma_wait3A_198 = arith.constant 0 : i32
    %dma_wait3A_199 = tpu.memref_slice %arg4[%dma_wait3A_196, %dma_wait3A_197, %dma_wait3A_198] : memref<4000x1x80xi32, #tpu.memory_space<hbm>> -> memref<1x1x80xi32, #tpu.memory_space<hbm>>
    %dma_wait3A_200 = tpu.memref_squeeze %dma_wait3A_199 : memref<1x1x80xi32, #tpu.memory_space<hbm>> -> memref<80xi32, #tpu.memory_space<hbm>>
    %dma_wait3A_201 = arith.constant 0 : i32
    %dma_wait3A_202 = tpu.memref_slice %arg4[%dma_wait3A_196, %dma_wait3A_197, %dma_wait3A_201] : memref<4000x1x80xi32, #tpu.memory_space<hbm>> -> memref<1x1x80xi32, #tpu.memory_space<hbm>>
    %dma_wait3A_203 = tpu.memref_squeeze %dma_wait3A_202 : memref<1x1x80xi32, #tpu.memory_space<hbm>> -> memref<80xi32, #tpu.memory_space<hbm>>
    tpu.wait_dma2 semaphore(%arg16 : memref<!tpu.dma_semaphore, #tpu.memory_space<semaphore_mem>>) src(%dma_wait3A_203 : memref<80xi32, #tpu.memory_space<hbm>>) dst(%arg9 : memref<80xi32, #tpu.memory_space<vmem>>)
    %dma_wait3A_204 = arith.constant 0 : i32
    %dma_wait3A_205 = arith.constant 0 : i32
    %dma_wait3A_206 = tpu.memref_slice %arg2[%dma_wait3A_204, %dma_wait3A_205] : memref<10000x128xf32, #tpu.memory_space<hbm>> -> memref<80x128xf32, #tpu.memory_space<hbm>>
    %dma_wait3A_207 = arith.constant 0 : i32
    %dma_wait3A_208 = arith.constant 0 : i32
    %dma_wait3A_209 = tpu.memref_slice %arg2[%dma_wait3A_207, %dma_wait3A_208] : memref<10000x128xf32, #tpu.memory_space<hbm>> -> memref<80x128xf32, #tpu.memory_space<hbm>>
    tpu.wait_dma2 semaphore(%arg16 : memref<!tpu.dma_semaphore, #tpu.memory_space<semaphore_mem>>) src(%dma_wait3A_209 : memref<80x128xf32, #tpu.memory_space<hbm>>) dst(%arg12 : memref<80x128xf32, #tpu.memory_space<vmem>>)
    %dma_wait3A_210 = arith.constant 0 : i32
    %dma_wait3A_211 = arith.constant 0 : i32
    %dma_wait3A_212 = tpu.memref_slice %arg14[%dma_wait3A_210, %dma_wait3A_211] : memref<10000x128xf32, #tpu.memory_space<vmem_shared>> -> memref<10000x128xf32, #tpu.memory_space<vmem_shared>>
    tpu.wait_indirect_dma semaphore(%arg18 : memref<!tpu.dma_semaphore, #tpu.memory_space<semaphore_mem>>) src(%arg11 : memref<80x128xf32, #tpu.memory_space<vmem>>) dst(%dma_wait3A_212 : memref<10000x128xf32, #tpu.memory_space<vmem_shared>>)
    %dma_start3A_213 = arith.constant 0 : i32
    %dma_start3A_214 = arith.constant 0 : i32
    %dma_start3A_215 = tpu.memref_slice %arg14[%dma_start3A_213, %dma_start3A_214] : memref<10000x128xf32, #tpu.memory_space<vmem_shared>> -> memref<10000x128xf32, #tpu.memory_space<vmem_shared>>
    tpu.enqueue_indirect_dma source(%arg12 : memref<80x128xf32, #tpu.memory_space<vmem>>) target(%dma_start3A_215 : memref<10000x128xf32, #tpu.memory_space<vmem_shared>>) offsets(%arg9 : memref<80xi32, #tpu.memory_space<vmem>>) semaphore(%arg19 : memref<!tpu.dma_semaphore, #tpu.memory_space<semaphore_mem>>) {add = true}
    %dma_wait3A_216 = arith.constant 0 : i32
    %dma_wait3A_217 = arith.constant 0 : i32
    %dma_wait3A_218 = tpu.memref_slice %arg14[%dma_wait3A_216, %dma_wait3A_217] : memref<10000x128xf32, #tpu.memory_space<vmem_shared>> -> memref<10000x128xf32, #tpu.memory_space<vmem_shared>>
    tpu.wait_indirect_dma semaphore(%arg19 : memref<!tpu.dma_semaphore, #tpu.memory_space<semaphore_mem>>) src(%arg12 : memref<80x128xf32, #tpu.memory_space<vmem>>) dst(%dma_wait3A_218 : memref<10000x128xf32, #tpu.memory_space<vmem_shared>>)
    %barrier3A_219 = arith.constant 0 : index
    tpu.barrier barrier_id(%barrier3A_219)
    %lt3A = arith.constant 15 : i32
    %lt3A_220 = arith.cmpi slt, %arg1, %lt3A : i32
    %convert_element_type3A_221 = arith.extui %lt3A_220 : i1 to i32
    %cond3A_222 = arith.constant 0 : i32
    %cond3A_223 = arith.cmpi ne, %convert_element_type3A_221, %cond3A_222 : i32
    scf.if %cond3A_223 {
      "tpu.region"() ({
        %run_scoped3A = tpu.sem_alloc : memref<!tpu.dma_semaphore, #tpu.memory_space<semaphore_mem>>
        %dma_start3A_229 = arith.constant 0 : i32
        %dma_start3A_230 = tpu.memref_slice %arg6[%arg0, %mul3A_47, %dma_start3A_229] : memref<2x10000x128xf32, #tpu.memory_space<hbm>> -> memref<1x624x128xf32, #tpu.memory_space<hbm>>
        %dma_start3A_231 = tpu.memref_squeeze %dma_start3A_230 : memref<1x624x128xf32, #tpu.memory_space<hbm>> -> memref<624x128xf32, #tpu.memory_space<hbm>>
        %dma_start3A_232 = arith.constant 0 : i32
        %dma_start3A_233 = tpu.memref_slice %arg14[%mul3A_47, %dma_start3A_232] : memref<10000x128xf32, #tpu.memory_space<vmem_shared>> -> memref<624x128xf32, #tpu.memory_space<vmem_shared>>
        tpu.enqueue_dma source(%dma_start3A_233 : memref<624x128xf32, #tpu.memory_space<vmem_shared>>) target(%dma_start3A_231 : memref<624x128xf32, #tpu.memory_space<hbm>>) target_semaphore(%run_scoped3A : memref<!tpu.dma_semaphore, #tpu.memory_space<semaphore_mem>>)
        %dma_wait3A_234 = arith.constant 0 : i32
        %dma_wait3A_235 = tpu.memref_slice %arg6[%arg0, %mul3A_47, %dma_wait3A_234] : memref<2x10000x128xf32, #tpu.memory_space<hbm>> -> memref<1x624x128xf32, #tpu.memory_space<hbm>>
        %dma_wait3A_236 = tpu.memref_squeeze %dma_wait3A_235 : memref<1x624x128xf32, #tpu.memory_space<hbm>> -> memref<624x128xf32, #tpu.memory_space<hbm>>
        %dma_wait3A_237 = arith.constant 0 : i32
        %dma_wait3A_238 = tpu.memref_slice %arg14[%mul3A_47, %dma_wait3A_237] : memref<10000x128xf32, #tpu.memory_space<vmem_shared>> -> memref<624x128xf32, #tpu.memory_space<vmem_shared>>
        tpu.wait_dma2 semaphore(%run_scoped3A : memref<!tpu.dma_semaphore, #tpu.memory_space<semaphore_mem>>) src(%dma_wait3A_238 : memref<624x128xf32, #tpu.memory_space<vmem_shared>>) dst(%dma_wait3A_236 : memref<624x128xf32, #tpu.memory_space<hbm>>)
        tpu.yield
      }) : () -> ()
    } else {
    }
    %eq3A_224 = arith.constant 15 : i32
    %eq3A_225 = arith.cmpi eq, %arg1, %eq3A_224 : i32
    %convert_element_type3A_226 = arith.extui %eq3A_225 : i1 to i32
    %cond3A_227 = arith.constant 0 : i32
    %cond3A_228 = arith.cmpi ne, %convert_element_type3A_226, %cond3A_227 : i32
    scf.if %cond3A_228 {
      "tpu.region"() ({
        %run_scoped3A = tpu.sem_alloc : memref<!tpu.dma_semaphore, #tpu.memory_space<semaphore_mem>>
        %dma_start3A_229 = arith.constant 0 : i32
        %dma_start3A_230 = tpu.memref_slice %arg6[%arg0, %mul3A_47, %dma_start3A_229] : memref<2x10000x128xf32, #tpu.memory_space<hbm>> -> memref<1x640x128xf32, #tpu.memory_space<hbm>>
        %dma_start3A_231 = tpu.memref_squeeze %dma_start3A_230 : memref<1x640x128xf32, #tpu.memory_space<hbm>> -> memref<640x128xf32, #tpu.memory_space<hbm>>
        %dma_start3A_232 = arith.constant 0 : i32
        %dma_start3A_233 = tpu.memref_slice %arg14[%mul3A_47, %dma_start3A_232] : memref<10000x128xf32, #tpu.memory_space<vmem_shared>> -> memref<640x128xf32, #tpu.memory_space<vmem_shared>>
        tpu.enqueue_dma source(%dma_start3A_233 : memref<640x128xf32, #tpu.memory_space<vmem_shared>>) target(%dma_start3A_231 : memref<640x128xf32, #tpu.memory_space<hbm>>) target_semaphore(%run_scoped3A : memref<!tpu.dma_semaphore, #tpu.memory_space<semaphore_mem>>)
        %dma_wait3A_234 = arith.constant 0 : i32
        %dma_wait3A_235 = tpu.memref_slice %arg6[%arg0, %mul3A_47, %dma_wait3A_234] : memref<2x10000x128xf32, #tpu.memory_space<hbm>> -> memref<1x640x128xf32, #tpu.memory_space<hbm>>
        %dma_wait3A_236 = tpu.memref_squeeze %dma_wait3A_235 : memref<1x640x128xf32, #tpu.memory_space<hbm>> -> memref<640x128xf32, #tpu.memory_space<hbm>>
        %dma_wait3A_237 = arith.constant 0 : i32
        %dma_wait3A_238 = tpu.memref_slice %arg14[%mul3A_47, %dma_wait3A_237] : memref<10000x128xf32, #tpu.memory_space<vmem_shared>> -> memref<640x128xf32, #tpu.memory_space<vmem_shared>>
        tpu.wait_dma2 semaphore(%run_scoped3A : memref<!tpu.dma_semaphore, #tpu.memory_space<semaphore_mem>>) src(%dma_wait3A_238 : memref<640x128xf32, #tpu.memory_space<vmem_shared>>) dst(%dma_wait3A_236 : memref<640x128xf32, #tpu.memory_space<hbm>>)
        tpu.yield
      }) : () -> ()
    } else {
    }
    return
  }
}

#map = affine_map<(d0, d1) -> (0, 0)>
#map1 = affine_map<(d0, d1) -> (0)>
#map2 = affine_map<(d0, d1) -> (0, 0, 0)>
module attributes {stable_mosaic.version = 14 : i64} {
  func.func @k(%arg0: i32, %arg1: i32, %arg2: memref<10000x128xf32, #tpu.memory_space<hbm>>, %arg3: memref<320000xi32, #tpu.memory_space<hbm>>, %arg4: memref<4000x1x80xi32, #tpu.memory_space<hbm>>, %arg5: memref<208x128xf32, #tpu.memory_space<hbm>>, %arg6: memref<2x10000x128xf32, #tpu.memory_space<hbm>>, %arg7: memref<10000xi32, #tpu.memory_space<vmem>>, %arg8: memref<80xi32, #tpu.memory_space<vmem>>, %arg9: memref<80xi32, #tpu.memory_space<vmem>>, %arg10: memref<80xi32, #tpu.memory_space<vmem>>, %arg11: memref<80x128xf32, #tpu.memory_space<vmem>>, %arg12: memref<80x128xf32, #tpu.memory_space<vmem>>, %arg13: memref<80x128xf32, #tpu.memory_space<vmem>>, %arg14: memref<10000x128xf32, #tpu.memory_space<vmem_shared>>, %arg15: memref<!tpu.dma_semaphore, #tpu.memory_space<semaphore_mem>>, %arg16: memref<!tpu.dma_semaphore, #tpu.memory_space<semaphore_mem>>, %arg17: memref<!tpu.dma_semaphore, #tpu.memory_space<semaphore_mem>>, %arg18: memref<!tpu.dma_semaphore, #tpu.memory_space<semaphore_mem>>, %arg19: memref<!tpu.dma_semaphore, #tpu.memory_space<semaphore_mem>>, %arg20: memref<!tpu.dma_semaphore, #tpu.memory_space<semaphore_mem>>, %arg21: memref<!tpu.dma_semaphore, #tpu.memory_space<semaphore_mem>>) attributes {dimension_semantics = [#tpu.dimension_semantics<core_parallel>, #tpu.dimension_semantics<subcore_parallel>], iteration_bounds = array<i64: 2, 16>, scalar_prefetch = 0 : i64, scratch_operands = 15 : i64, tpu.core_type = #tpu.core_type<sc_vector_subcore>, window_params = [{transform_indices = #map}, {transform_indices = #map1}, {transform_indices = #map2}, {transform_indices = #map}, {transform_indices = #map2}]} {
    %mul3A = arith.constant 160000 : i32
    %mul3A_0 = arith.muli %arg0, %mul3A : i32
    %mul3A_1 = arith.constant 10000 : i32
    %mul3A_2 = arith.muli %arg1, %mul3A_1 : i32
    %add3A = arith.addi %mul3A_0, %mul3A_2 : i32
    %jit3A = arith.constant 80 : i32
    %div3A = arith.divsi %add3A, %jit3A : i32
    %sign3A = arith.constant 0 : i32
    %sign3A_3 = arith.cmpi sgt, %add3A, %sign3A : i32
    %sign3A_4 = arith.extui %sign3A_3 : i1 to i32
    %sign3A_5 = arith.constant 0 : i32
    %sign3A_6 = arith.cmpi slt, %add3A, %sign3A_5 : i32
    %sign3A_7 = arith.extui %sign3A_6 : i1 to i32
    %sign3A_8 = arith.subi %sign3A_4, %sign3A_7 : i32
    %sign3A_9 = arith.constant 0 : i32
    %sign3A_10 = arith.cmpi sgt, %jit3A, %sign3A_9 : i32
    %sign3A_11 = arith.extui %sign3A_10 : i1 to i32
    %sign3A_12 = arith.constant 0 : i32
    %sign3A_13 = arith.cmpi slt, %jit3A, %sign3A_12 : i32
    %sign3A_14 = arith.extui %sign3A_13 : i1 to i32
    %sign3A_15 = arith.subi %sign3A_11, %sign3A_14 : i32
    %ne3A = arith.cmpi ne, %sign3A_8, %sign3A_15 : i32
    %rem3A = arith.remsi %add3A, %jit3A : i32
    %ne3A_16 = arith.constant 0 : i32
    %ne3A_17 = arith.cmpi ne, %rem3A, %ne3A_16 : i32
    %and3A = arith.andi %ne3A, %ne3A_17 : i1
    %sub3A = arith.constant 1 : i32
    %sub3A_18 = arith.subi %div3A, %sub3A : i32
    %select_n3A = arith.select %and3A, %sub3A_18, %div3A : i32
    "tpu.region"() ({
      %run_scoped3A = tpu.sem_alloc : memref<!tpu.dma_semaphore, #tpu.memory_space<semaphore_mem>>
      %dma_start3A_229 = tpu.memref_slice %arg3[%add3A] : memref<320000xi32, #tpu.memory_space<hbm>> -> memref<10000xi32, #tpu.memory_space<hbm>>
      %dma_start3A_230 = tpu.memref_slice %arg3[%add3A] : memref<320000xi32, #tpu.memory_space<hbm>> -> memref<10000xi32, #tpu.memory_space<hbm>>
      tpu.enqueue_dma source(%dma_start3A_230 : memref<10000xi32, #tpu.memory_space<hbm>>) target(%arg7 : memref<10000xi32, #tpu.memory_space<vmem>>) target_semaphore(%run_scoped3A : memref<!tpu.dma_semaphore, #tpu.memory_space<semaphore_mem>>)
      %dma_wait3A_231 = tpu.memref_slice %arg3[%add3A] : memref<320000xi32, #tpu.memory_space<hbm>> -> memref<10000xi32, #tpu.memory_space<hbm>>
      %dma_wait3A_232 = tpu.memref_slice %arg3[%add3A] : memref<320000xi32, #tpu.memory_space<hbm>> -> memref<10000xi32, #tpu.memory_space<hbm>>
      tpu.wait_dma2 semaphore(%run_scoped3A : memref<!tpu.dma_semaphore, #tpu.memory_space<semaphore_mem>>) src(%dma_wait3A_232 : memref<10000xi32, #tpu.memory_space<hbm>>) dst(%arg7 : memref<10000xi32, #tpu.memory_space<vmem>>)
      tpu.yield
    }) : () -> ()
    %add3A_19 = arith.constant 0 : i32
    %add3A_20 = arith.addi %select_n3A, %add3A_19 : i32
    %dma_start3A = arith.constant 0 : i32
    %dma_start3A_21 = arith.constant 0 : i32
    %dma_start3A_22 = tpu.memref_slice %arg4[%add3A_20, %dma_start3A, %dma_start3A_21] : memref<4000x1x80xi32, #tpu.memory_space<hbm>> -> memref<1x1x80xi32, #tpu.memory_space<hbm>>
    %dma_start3A_23 = tpu.memref_squeeze %dma_start3A_22 : memref<1x1x80xi32, #tpu.memory_space<hbm>> -> memref<80xi32, #tpu.memory_space<hbm>>
    %dma_start3A_24 = arith.constant 0 : i32
    %dma_start3A_25 = tpu.memref_slice %arg4[%add3A_20, %dma_start3A, %dma_start3A_24] : memref<4000x1x80xi32, #tpu.memory_space<hbm>> -> memref<1x1x80xi32, #tpu.memory_space<hbm>>
    %dma_start3A_26 = tpu.memref_squeeze %dma_start3A_25 : memref<1x1x80xi32, #tpu.memory_space<hbm>> -> memref<80xi32, #tpu.memory_space<hbm>>
    tpu.enqueue_dma source(%dma_start3A_26 : memref<80xi32, #tpu.memory_space<hbm>>) target(%arg8 : memref<80xi32, #tpu.memory_space<vmem>>) target_semaphore(%arg15 : memref<!tpu.dma_semaphore, #tpu.memory_space<semaphore_mem>>)
    %dma_start3A_27 = arith.constant 0 : i32
    %dma_start3A_28 = tpu.memref_slice %arg7[%dma_start3A_27] : memref<10000xi32, #tpu.memory_space<vmem>> -> memref<80xi32, #tpu.memory_space<vmem>>
    %dma_start3A_29 = arith.constant 0 : i32
    %dma_start3A_30 = arith.constant 0 : i32
    %dma_start3A_31 = tpu.memref_slice %arg2[%dma_start3A_29, %dma_start3A_30] : memref<10000x128xf32, #tpu.memory_space<hbm>> -> memref<10000x128xf32, #tpu.memory_space<hbm>>
    tpu.enqueue_indirect_dma source(%dma_start3A_31 : memref<10000x128xf32, #tpu.memory_space<hbm>>) target(%arg11 : memref<80x128xf32, #tpu.memory_space<vmem>>) offsets(%dma_start3A_28 : memref<80xi32, #tpu.memory_space<vmem>>) semaphore(%arg15 : memref<!tpu.dma_semaphore, #tpu.memory_space<semaphore_mem>>)
    %add3A_32 = arith.constant 1 : i32
    %add3A_33 = arith.addi %select_n3A, %add3A_32 : i32
    %dma_start3A_34 = arith.constant 0 : i32
    %dma_start3A_35 = arith.constant 0 : i32
    %dma_start3A_36 = tpu.memref_slice %arg4[%add3A_33, %dma_start3A_34, %dma_start3A_35] : memref<4000x1x80xi32, #tpu.memory_space<hbm>> -> memref<1x1x80xi32, #tpu.memory_space<hbm>>
    %dma_start3A_37 = tpu.memref_squeeze %dma_start3A_36 : memref<1x1x80xi32, #tpu.memory_space<hbm>> -> memref<80xi32, #tpu.memory_space<hbm>>
    %dma_start3A_38 = arith.constant 0 : i32
    %dma_start3A_39 = tpu.memref_slice %arg4[%add3A_33, %dma_start3A_34, %dma_start3A_38] : memref<4000x1x80xi32, #tpu.memory_space<hbm>> -> memref<1x1x80xi32, #tpu.memory_space<hbm>>
    %dma_start3A_40 = tpu.memref_squeeze %dma_start3A_39 : memref<1x1x80xi32, #tpu.memory_space<hbm>> -> memref<80xi32, #tpu.memory_space<hbm>>
    tpu.enqueue_dma source(%dma_start3A_40 : memref<80xi32, #tpu.memory_space<hbm>>) target(%arg9 : memref<80xi32, #tpu.memory_space<vmem>>) target_semaphore(%arg16 : memref<!tpu.dma_semaphore, #tpu.memory_space<semaphore_mem>>)
    %dma_start3A_41 = arith.constant 80 : i32
    %dma_start3A_42 = tpu.memref_slice %arg7[%dma_start3A_41] : memref<10000xi32, #tpu.memory_space<vmem>> -> memref<80xi32, #tpu.memory_space<vmem>>
    %dma_start3A_43 = arith.constant 0 : i32
    %dma_start3A_44 = arith.constant 0 : i32
    %dma_start3A_45 = tpu.memref_slice %arg2[%dma_start3A_43, %dma_start3A_44] : memref<10000x128xf32, #tpu.memory_space<hbm>> -> memref<10000x128xf32, #tpu.memory_space<hbm>>
    tpu.enqueue_indirect_dma source(%dma_start3A_45 : memref<10000x128xf32, #tpu.memory_space<hbm>>) target(%arg12 : memref<80x128xf32, #tpu.memory_space<vmem>>) offsets(%dma_start3A_42 : memref<80xi32, #tpu.memory_space<vmem>>) semaphore(%arg16 : memref<!tpu.dma_semaphore, #tpu.memory_space<semaphore_mem>>)
    %mul3A_46 = arith.constant 624 : i32
    %mul3A_47 = arith.muli %arg1, %mul3A_46 : i32
    %add3A_48 = arith.constant 0 : i32
    %add3A_49 = arith.addi %mul3A_47, %add3A_48 : i32
    %dma_start3A_50 = arith.constant 0 : i32
    %dma_start3A_51 = tpu.memref_slice %arg14[%add3A_49, %dma_start3A_50] : memref<10000x128xf32, #tpu.memory_space<vmem_shared>> -> memref<208x128xf32, #tpu.memory_space<vmem_shared>>
    tpu.enqueue_dma source(%arg5 : memref<208x128xf32, #tpu.memory_space<hbm>>) target(%dma_start3A_51 : memref<208x128xf32, #tpu.memory_space<vmem_shared>>) target_semaphore(%arg21 : memref<!tpu.dma_semaphore, #tpu.memory_space<semaphore_mem>>)
    %add3A_52 = arith.constant 208 : i32
    %add3A_53 = arith.addi %mul3A_47, %add3A_52 : i32
    %dma_start3A_54 = arith.constant 0 : i32
    %dma_start3A_55 = tpu.memref_slice %arg14[%add3A_53, %dma_start3A_54] : memref<10000x128xf32, #tpu.memory_space<vmem_shared>> -> memref<208x128xf32, #tpu.memory_space<vmem_shared>>
    tpu.enqueue_dma source(%arg5 : memref<208x128xf32, #tpu.memory_space<hbm>>) target(%dma_start3A_55 : memref<208x128xf32, #tpu.memory_space<vmem_shared>>) target_semaphore(%arg21 : memref<!tpu.dma_semaphore, #tpu.memory_space<semaphore_mem>>)
    %add3A_56 = arith.constant 416 : i32
    %add3A_57 = arith.addi %mul3A_47, %add3A_56 : i32
    %dma_start3A_58 = arith.constant 0 : i32
    %dma_start3A_59 = tpu.memref_slice %arg14[%add3A_57, %dma_start3A_58] : memref<10000x128xf32, #tpu.memory_space<vmem_shared>> -> memref<208x128xf32, #tpu.memory_space<vmem_shared>>
    tpu.enqueue_dma source(%arg5 : memref<208x128xf32, #tpu.memory_space<hbm>>) target(%dma_start3A_59 : memref<208x128xf32, #tpu.memory_space<vmem_shared>>) target_semaphore(%arg21 : memref<!tpu.dma_semaphore, #tpu.memory_space<semaphore_mem>>)
    %eq3A = arith.constant 15 : i32
    %eq3A_60 = arith.cmpi eq, %arg1, %eq3A : i32
    %convert_element_type3A = arith.extui %eq3A_60 : i1 to i32
    %cond3A = arith.constant 0 : i32
    %cond3A_61 = arith.cmpi ne, %convert_element_type3A, %cond3A : i32
    scf.if %cond3A_61 {
      %add3A_229 = arith.constant 624 : i32
      %add3A_230 = arith.addi %mul3A_47, %add3A_229 : i32
      %dma_start3A_231 = arith.constant 0 : i32
      %dma_start3A_232 = tpu.memref_slice %arg14[%add3A_230, %dma_start3A_231] : memref<10000x128xf32, #tpu.memory_space<vmem_shared>> -> memref<16x128xf32, #tpu.memory_space<vmem_shared>>
      %dma_start3A_233 = arith.constant 0 : i32
      %dma_start3A_234 = arith.constant 0 : i32
      %dma_start3A_235 = tpu.memref_slice %arg5[%dma_start3A_233, %dma_start3A_234] : memref<208x128xf32, #tpu.memory_space<hbm>> -> memref<16x128xf32, #tpu.memory_space<hbm>>
      tpu.enqueue_dma source(%dma_start3A_235 : memref<16x128xf32, #tpu.memory_space<hbm>>) target(%dma_start3A_232 : memref<16x128xf32, #tpu.memory_space<vmem_shared>>) target_semaphore(%arg21 : memref<!tpu.dma_semaphore, #tpu.memory_space<semaphore_mem>>)
    } else {
    }
    %dma_wait3A = arith.constant 0 : i32
    %dma_wait3A_62 = tpu.memref_slice %arg14[%mul3A_47, %dma_wait3A] : memref<10000x128xf32, #tpu.memory_space<vmem_shared>> -> memref<208x128xf32, #tpu.memory_space<vmem_shared>>
    tpu.wait_dma2 semaphore(%arg21 : memref<!tpu.dma_semaphore, #tpu.memory_space<semaphore_mem>>) src(%arg5 : memref<208x128xf32, #tpu.memory_space<hbm>>) dst(%dma_wait3A_62 : memref<208x128xf32, #tpu.memory_space<vmem_shared>>)
    %dma_wait3A_63 = arith.constant 0 : i32
    %dma_wait3A_64 = tpu.memref_slice %arg14[%mul3A_47, %dma_wait3A_63] : memref<10000x128xf32, #tpu.memory_space<vmem_shared>> -> memref<208x128xf32, #tpu.memory_space<vmem_shared>>
    tpu.wait_dma2 semaphore(%arg21 : memref<!tpu.dma_semaphore, #tpu.memory_space<semaphore_mem>>) src(%arg5 : memref<208x128xf32, #tpu.memory_space<hbm>>) dst(%dma_wait3A_64 : memref<208x128xf32, #tpu.memory_space<vmem_shared>>)
    %dma_wait3A_65 = arith.constant 0 : i32
    %dma_wait3A_66 = tpu.memref_slice %arg14[%mul3A_47, %dma_wait3A_65] : memref<10000x128xf32, #tpu.memory_space<vmem_shared>> -> memref<208x128xf32, #tpu.memory_space<vmem_shared>>
    tpu.wait_dma2 semaphore(%arg21 : memref<!tpu.dma_semaphore, #tpu.memory_space<semaphore_mem>>) src(%arg5 : memref<208x128xf32, #tpu.memory_space<hbm>>) dst(%dma_wait3A_66 : memref<208x128xf32, #tpu.memory_space<vmem_shared>>)
    %eq3A_67 = arith.constant 15 : i32
    %eq3A_68 = arith.cmpi eq, %arg1, %eq3A_67 : i32
    %convert_element_type3A_69 = arith.extui %eq3A_68 : i1 to i32
    %cond3A_70 = arith.constant 0 : i32
    %cond3A_71 = arith.cmpi ne, %convert_element_type3A_69, %cond3A_70 : i32
    scf.if %cond3A_71 {
      %dma_wait3A_229 = arith.constant 0 : i32
      %dma_wait3A_230 = tpu.memref_slice %arg14[%mul3A_47, %dma_wait3A_229] : memref<10000x128xf32, #tpu.memory_space<vmem_shared>> -> memref<16x128xf32, #tpu.memory_space<vmem_shared>>
      %dma_wait3A_231 = arith.constant 0 : i32
      %dma_wait3A_232 = arith.constant 0 : i32
      %dma_wait3A_233 = tpu.memref_slice %arg5[%dma_wait3A_231, %dma_wait3A_232] : memref<208x128xf32, #tpu.memory_space<hbm>> -> memref<16x128xf32, #tpu.memory_space<hbm>>
      tpu.wait_dma2 semaphore(%arg21 : memref<!tpu.dma_semaphore, #tpu.memory_space<semaphore_mem>>) src(%dma_wait3A_233 : memref<16x128xf32, #tpu.memory_space<hbm>>) dst(%dma_wait3A_230 : memref<16x128xf32, #tpu.memory_space<vmem_shared>>)
    } else {
    }
    %barrier3A = arith.constant 0 : index
    tpu.barrier barrier_id(%barrier3A)
    %dma_wait3A_72 = arith.constant 0 : i32
    %dma_wait3A_73 = arith.constant 0 : i32
    %dma_wait3A_74 = arith.constant 0 : i32
    %dma_wait3A_75 = tpu.memref_slice %arg4[%dma_wait3A_72, %dma_wait3A_73, %dma_wait3A_74] : memref<4000x1x80xi32, #tpu.memory_space<hbm>> -> memref<1x1x80xi32, #tpu.memory_space<hbm>>
    %dma_wait3A_76 = tpu.memref_squeeze %dma_wait3A_75 : memref<1x1x80xi32, #tpu.memory_space<hbm>> -> memref<80xi32, #tpu.memory_space<hbm>>
    %dma_wait3A_77 = arith.constant 0 : i32
    %dma_wait3A_78 = tpu.memref_slice %arg4[%dma_wait3A_72, %dma_wait3A_73, %dma_wait3A_77] : memref<4000x1x80xi32, #tpu.memory_space<hbm>> -> memref<1x1x80xi32, #tpu.memory_space<hbm>>
    %dma_wait3A_79 = tpu.memref_squeeze %dma_wait3A_78 : memref<1x1x80xi32, #tpu.memory_space<hbm>> -> memref<80xi32, #tpu.memory_space<hbm>>
    tpu.wait_dma2 semaphore(%arg15 : memref<!tpu.dma_semaphore, #tpu.memory_space<semaphore_mem>>) src(%dma_wait3A_79 : memref<80xi32, #tpu.memory_space<hbm>>) dst(%arg8 : memref<80xi32, #tpu.memory_space<vmem>>)
    %dma_wait3A_80 = arith.constant 0 : i32
    %dma_wait3A_81 = arith.constant 0 : i32
    %dma_wait3A_82 = tpu.memref_slice %arg2[%dma_wait3A_80, %dma_wait3A_81] : memref<10000x128xf32, #tpu.memory_space<hbm>> -> memref<80x128xf32, #tpu.memory_space<hbm>>
    %dma_wait3A_83 = arith.constant 0 : i32
    %dma_wait3A_84 = arith.constant 0 : i32
    %dma_wait3A_85 = tpu.memref_slice %arg2[%dma_wait3A_83, %dma_wait3A_84] : memref<10000x128xf32, #tpu.memory_space<hbm>> -> memref<80x128xf32, #tpu.memory_space<hbm>>
    tpu.wait_dma2 semaphore(%arg15 : memref<!tpu.dma_semaphore, #tpu.memory_space<semaphore_mem>>) src(%dma_wait3A_85 : memref<80x128xf32, #tpu.memory_space<hbm>>) dst(%arg11 : memref<80x128xf32, #tpu.memory_space<vmem>>)
    %add3A_86 = arith.constant 2 : i32
    %add3A_87 = arith.addi %select_n3A, %add3A_86 : i32
    %dma_start3A_88 = arith.constant 0 : i32
    %dma_start3A_89 = arith.constant 0 : i32
    %dma_start3A_90 = tpu.memref_slice %arg4[%add3A_87, %dma_start3A_88, %dma_start3A_89] : memref<4000x1x80xi32, #tpu.memory_space<hbm>> -> memref<1x1x80xi32, #tpu.memory_space<hbm>>
    %dma_start3A_91 = tpu.memref_squeeze %dma_start3A_90 : memref<1x1x80xi32, #tpu.memory_space<hbm>> -> memref<80xi32, #tpu.memory_space<hbm>>
    %dma_start3A_92 = arith.constant 0 : i32
    %dma_start3A_93 = tpu.memref_slice %arg4[%add3A_87, %dma_start3A_88, %dma_start3A_92] : memref<4000x1x80xi32, #tpu.memory_space<hbm>> -> memref<1x1x80xi32, #tpu.memory_space<hbm>>
    %dma_start3A_94 = tpu.memref_squeeze %dma_start3A_93 : memref<1x1x80xi32, #tpu.memory_space<hbm>> -> memref<80xi32, #tpu.memory_space<hbm>>
    tpu.enqueue_dma source(%dma_start3A_94 : memref<80xi32, #tpu.memory_space<hbm>>) target(%arg10 : memref<80xi32, #tpu.memory_space<vmem>>) target_semaphore(%arg17 : memref<!tpu.dma_semaphore, #tpu.memory_space<semaphore_mem>>)
    %dma_start3A_95 = arith.constant 160 : i32
    %dma_start3A_96 = tpu.memref_slice %arg7[%dma_start3A_95] : memref<10000xi32, #tpu.memory_space<vmem>> -> memref<80xi32, #tpu.memory_space<vmem>>
    %dma_start3A_97 = arith.constant 0 : i32
    %dma_start3A_98 = arith.constant 0 : i32
    %dma_start3A_99 = tpu.memref_slice %arg2[%dma_start3A_97, %dma_start3A_98] : memref<10000x128xf32, #tpu.memory_space<hbm>> -> memref<10000x128xf32, #tpu.memory_space<hbm>>
    tpu.enqueue_indirect_dma source(%dma_start3A_99 : memref<10000x128xf32, #tpu.memory_space<hbm>>) target(%arg13 : memref<80x128xf32, #tpu.memory_space<vmem>>) offsets(%dma_start3A_96 : memref<80xi32, #tpu.memory_space<vmem>>) semaphore(%arg17 : memref<!tpu.dma_semaphore, #tpu.memory_space<semaphore_mem>>)
    %dma_start3A_100 = arith.constant 0 : i32
    %dma_start3A_101 = arith.constant 0 : i32
    %dma_start3A_102 = tpu.memref_slice %arg14[%dma_start3A_100, %dma_start3A_101] : memref<10000x128xf32, #tpu.memory_space<vmem_shared>> -> memref<10000x128xf32, #tpu.memory_space<vmem_shared>>
    tpu.enqueue_indirect_dma source(%arg11 : memref<80x128xf32, #tpu.memory_space<vmem>>) target(%dma_start3A_102 : memref<10000x128xf32, #tpu.memory_space<vmem_shared>>) offsets(%arg8 : memref<80xi32, #tpu.memory_space<vmem>>) semaphore(%arg18 : memref<!tpu.dma_semaphore, #tpu.memory_space<semaphore_mem>>) {add = true}
    %dma_wait3A_103 = arith.constant 0 : i32
    %dma_wait3A_104 = arith.constant 0 : i32
    %dma_wait3A_105 = arith.constant 0 : i32
    %dma_wait3A_106 = tpu.memref_slice %arg4[%dma_wait3A_103, %dma_wait3A_104, %dma_wait3A_105] : memref<4000x1x80xi32, #tpu.memory_space<hbm>> -> memref<1x1x80xi32, #tpu.memory_space<hbm>>
    %dma_wait3A_107 = tpu.memref_squeeze %dma_wait3A_106 : memref<1x1x80xi32, #tpu.memory_space<hbm>> -> memref<80xi32, #tpu.memory_space<hbm>>
    %dma_wait3A_108 = arith.constant 0 : i32
    %dma_wait3A_109 = tpu.memref_slice %arg4[%dma_wait3A_103, %dma_wait3A_104, %dma_wait3A_108] : memref<4000x1x80xi32, #tpu.memory_space<hbm>> -> memref<1x1x80xi32, #tpu.memory_space<hbm>>
    %dma_wait3A_110 = tpu.memref_squeeze %dma_wait3A_109 : memref<1x1x80xi32, #tpu.memory_space<hbm>> -> memref<80xi32, #tpu.memory_space<hbm>>
    tpu.wait_dma2 semaphore(%arg16 : memref<!tpu.dma_semaphore, #tpu.memory_space<semaphore_mem>>) src(%dma_wait3A_110 : memref<80xi32, #tpu.memory_space<hbm>>) dst(%arg9 : memref<80xi32, #tpu.memory_space<vmem>>)
    %dma_wait3A_111 = arith.constant 0 : i32
    %dma_wait3A_112 = arith.constant 0 : i32
    %dma_wait3A_113 = tpu.memref_slice %arg2[%dma_wait3A_111, %dma_wait3A_112] : memref<10000x128xf32, #tpu.memory_space<hbm>> -> memref<80x128xf32, #tpu.memory_space<hbm>>
    %dma_wait3A_114 = arith.constant 0 : i32
    %dma_wait3A_115 = arith.constant 0 : i32
    %dma_wait3A_116 = tpu.memref_slice %arg2[%dma_wait3A_114, %dma_wait3A_115] : memref<10000x128xf32, #tpu.memory_space<hbm>> -> memref<80x128xf32, #tpu.memory_space<hbm>>
    tpu.wait_dma2 semaphore(%arg16 : memref<!tpu.dma_semaphore, #tpu.memory_space<semaphore_mem>>) src(%dma_wait3A_116 : memref<80x128xf32, #tpu.memory_space<hbm>>) dst(%arg12 : memref<80x128xf32, #tpu.memory_space<vmem>>)
    %dma_wait3A_117 = arith.constant 0 : i32
    %dma_wait3A_118 = arith.constant 0 : i32
    %dma_wait3A_119 = tpu.memref_slice %arg14[%dma_wait3A_117, %dma_wait3A_118] : memref<10000x128xf32, #tpu.memory_space<vmem_shared>> -> memref<10000x128xf32, #tpu.memory_space<vmem_shared>>
    tpu.wait_indirect_dma semaphore(%arg18 : memref<!tpu.dma_semaphore, #tpu.memory_space<semaphore_mem>>) src(%arg11 : memref<80x128xf32, #tpu.memory_space<vmem>>) dst(%dma_wait3A_119 : memref<10000x128xf32, #tpu.memory_space<vmem_shared>>)
    %add3A_120 = arith.constant 3 : i32
    %add3A_121 = arith.addi %select_n3A, %add3A_120 : i32
    %dma_start3A_122 = arith.constant 0 : i32
    %dma_start3A_123 = arith.constant 0 : i32
    %dma_start3A_124 = tpu.memref_slice %arg4[%add3A_121, %dma_start3A_122, %dma_start3A_123] : memref<4000x1x80xi32, #tpu.memory_space<hbm>> -> memref<1x1x80xi32, #tpu.memory_space<hbm>>
    %dma_start3A_125 = tpu.memref_squeeze %dma_start3A_124 : memref<1x1x80xi32, #tpu.memory_space<hbm>> -> memref<80xi32, #tpu.memory_space<hbm>>
    %dma_start3A_126 = arith.constant 0 : i32
    %dma_start3A_127 = tpu.memref_slice %arg4[%add3A_121, %dma_start3A_122, %dma_start3A_126] : memref<4000x1x80xi32, #tpu.memory_space<hbm>> -> memref<1x1x80xi32, #tpu.memory_space<hbm>>
    %dma_start3A_128 = tpu.memref_squeeze %dma_start3A_127 : memref<1x1x80xi32, #tpu.memory_space<hbm>> -> memref<80xi32, #tpu.memory_space<hbm>>
    tpu.enqueue_dma source(%dma_start3A_128 : memref<80xi32, #tpu.memory_space<hbm>>) target(%arg8 : memref<80xi32, #tpu.memory_space<vmem>>) target_semaphore(%arg15 : memref<!tpu.dma_semaphore, #tpu.memory_space<semaphore_mem>>)
    %dma_start3A_129 = arith.constant 240 : i32
    %dma_start3A_130 = tpu.memref_slice %arg7[%dma_start3A_129] : memref<10000xi32, #tpu.memory_space<vmem>> -> memref<80xi32, #tpu.memory_space<vmem>>
    %dma_start3A_131 = arith.constant 0 : i32
    %dma_start3A_132 = arith.constant 0 : i32
    %dma_start3A_133 = tpu.memref_slice %arg2[%dma_start3A_131, %dma_start3A_132] : memref<10000x128xf32, #tpu.memory_space<hbm>> -> memref<10000x128xf32, #tpu.memory_space<hbm>>
    tpu.enqueue_indirect_dma source(%dma_start3A_133 : memref<10000x128xf32, #tpu.memory_space<hbm>>) target(%arg11 : memref<80x128xf32, #tpu.memory_space<vmem>>) offsets(%dma_start3A_130 : memref<80xi32, #tpu.memory_space<vmem>>) semaphore(%arg15 : memref<!tpu.dma_semaphore, #tpu.memory_space<semaphore_mem>>)
    %dma_start3A_134 = arith.constant 0 : i32
    %dma_start3A_135 = arith.constant 0 : i32
    %dma_start3A_136 = tpu.memref_slice %arg14[%dma_start3A_134, %dma_start3A_135] : memref<10000x128xf32, #tpu.memory_space<vmem_shared>> -> memref<10000x128xf32, #tpu.memory_space<vmem_shared>>
    tpu.enqueue_indirect_dma source(%arg12 : memref<80x128xf32, #tpu.memory_space<vmem>>) target(%dma_start3A_136 : memref<10000x128xf32, #tpu.memory_space<vmem_shared>>) offsets(%arg9 : memref<80xi32, #tpu.memory_space<vmem>>) semaphore(%arg19 : memref<!tpu.dma_semaphore, #tpu.memory_space<semaphore_mem>>) {add = true}
    %scan3A = arith.constant 0 : i32
    %scan3A_137 = arith.constant 0 : i32
    %scan3A_138 = arith.constant 40 : i32
    %scan3A_139 = arith.addi %scan3A_137, %scan3A_138 : i32
    %scan3A_140 = arith.constant 1 : i32
    scf.for %scan3A_229 = %scan3A_137 to %scan3A_139 step %scan3A_140  : i32 {
      %mul3A_230 = arith.constant 3 : i32
      %mul3A_231 = arith.muli %scan3A_229, %mul3A_230 : i32
      %add3A_232 = arith.constant 2 : i32
      %add3A_233 = arith.addi %add3A_232, %mul3A_231 : i32
      %add3A_234 = arith.constant 0 : i32
      %add3A_235 = arith.addi %add3A_233, %add3A_234 : i32
      %dma_wait3A_236 = arith.constant 0 : i32
      %dma_wait3A_237 = arith.constant 0 : i32
      %dma_wait3A_238 = arith.constant 0 : i32
      %dma_wait3A_239 = tpu.memref_slice %arg4[%dma_wait3A_236, %dma_wait3A_237, %dma_wait3A_238] : memref<4000x1x80xi32, #tpu.memory_space<hbm>> -> memref<1x1x80xi32, #tpu.memory_space<hbm>>
      %dma_wait3A_240 = tpu.memref_squeeze %dma_wait3A_239 : memref<1x1x80xi32, #tpu.memory_space<hbm>> -> memref<80xi32, #tpu.memory_space<hbm>>
      %dma_wait3A_241 = arith.constant 0 : i32
      %dma_wait3A_242 = tpu.memref_slice %arg4[%dma_wait3A_236, %dma_wait3A_237, %dma_wait3A_241] : memref<4000x1x80xi32, #tpu.memory_space<hbm>> -> memref<1x1x80xi32, #tpu.memory_space<hbm>>
      %dma_wait3A_243 = tpu.memref_squeeze %dma_wait3A_242 : memref<1x1x80xi32, #tpu.memory_space<hbm>> -> memref<80xi32, #tpu.memory_space<hbm>>
      tpu.wait_dma2 semaphore(%arg17 : memref<!tpu.dma_semaphore, #tpu.memory_space<semaphore_mem>>) src(%dma_wait3A_243 : memref<80xi32, #tpu.memory_space<hbm>>) dst(%arg10 : memref<80xi32, #tpu.memory_space<vmem>>)
      %dma_wait3A_244 = arith.constant 0 : i32
      %dma_wait3A_245 = arith.constant 0 : i32
      %dma_wait3A_246 = tpu.memref_slice %arg2[%dma_wait3A_244, %dma_wait3A_245] : memref<10000x128xf32, #tpu.memory_space<hbm>> -> memref<80x128xf32, #tpu.memory_space<hbm>>
      %dma_wait3A_247 = arith.constant 0 : i32
      %dma_wait3A_248 = arith.constant 0 : i32
      %dma_wait3A_249 = tpu.memref_slice %arg2[%dma_wait3A_247, %dma_wait3A_248] : memref<10000x128xf32, #tpu.memory_space<hbm>> -> memref<80x128xf32, #tpu.memory_space<hbm>>
      tpu.wait_dma2 semaphore(%arg17 : memref<!tpu.dma_semaphore, #tpu.memory_space<semaphore_mem>>) src(%dma_wait3A_249 : memref<80x128xf32, #tpu.memory_space<hbm>>) dst(%arg13 : memref<80x128xf32, #tpu.memory_space<vmem>>)
      %dma_wait3A_250 = arith.constant 0 : i32
      %dma_wait3A_251 = arith.constant 0 : i32
      %dma_wait3A_252 = tpu.memref_slice %arg14[%dma_wait3A_250, %dma_wait3A_251] : memref<10000x128xf32, #tpu.memory_space<vmem_shared>> -> memref<10000x128xf32, #tpu.memory_space<vmem_shared>>
      tpu.wait_indirect_dma semaphore(%arg19 : memref<!tpu.dma_semaphore, #tpu.memory_space<semaphore_mem>>) src(%arg12 : memref<80x128xf32, #tpu.memory_space<vmem>>) dst(%dma_wait3A_252 : memref<10000x128xf32, #tpu.memory_space<vmem_shared>>)
      %add3A_253 = arith.constant 2 : i32
      %add3A_254 = arith.addi %add3A_235, %add3A_253 : i32
      %add3A_255 = arith.addi %select_n3A, %add3A_254 : i32
      %dma_start3A_256 = arith.constant 0 : i32
      %dma_start3A_257 = arith.constant 0 : i32
      %dma_start3A_258 = tpu.memref_slice %arg4[%add3A_255, %dma_start3A_256, %dma_start3A_257] : memref<4000x1x80xi32, #tpu.memory_space<hbm>> -> memref<1x1x80xi32, #tpu.memory_space<hbm>>
      %dma_start3A_259 = tpu.memref_squeeze %dma_start3A_258 : memref<1x1x80xi32, #tpu.memory_space<hbm>> -> memref<80xi32, #tpu.memory_space<hbm>>
      %dma_start3A_260 = arith.constant 0 : i32
      %dma_start3A_261 = tpu.memref_slice %arg4[%add3A_255, %dma_start3A_256, %dma_start3A_260] : memref<4000x1x80xi32, #tpu.memory_space<hbm>> -> memref<1x1x80xi32, #tpu.memory_space<hbm>>
      %dma_start3A_262 = tpu.memref_squeeze %dma_start3A_261 : memref<1x1x80xi32, #tpu.memory_space<hbm>> -> memref<80xi32, #tpu.memory_space<hbm>>
      tpu.enqueue_dma source(%dma_start3A_262 : memref<80xi32, #tpu.memory_space<hbm>>) target(%arg9 : memref<80xi32, #tpu.memory_space<vmem>>) target_semaphore(%arg16 : memref<!tpu.dma_semaphore, #tpu.memory_space<semaphore_mem>>)
      %mul3A_263 = arith.constant 80 : i32
      %mul3A_264 = arith.muli %add3A_254, %mul3A_263 : i32
      %dma_start3A_265 = tpu.memref_slice %arg7[%mul3A_264] : memref<10000xi32, #tpu.memory_space<vmem>> -> memref<80xi32, #tpu.memory_space<vmem>>
      %dma_start3A_266 = arith.constant 0 : i32
      %dma_start3A_267 = arith.constant 0 : i32
      %dma_start3A_268 = tpu.memref_slice %arg2[%dma_start3A_266, %dma_start3A_267] : memref<10000x128xf32, #tpu.memory_space<hbm>> -> memref<10000x128xf32, #tpu.memory_space<hbm>>
      tpu.enqueue_indirect_dma source(%dma_start3A_268 : memref<10000x128xf32, #tpu.memory_space<hbm>>) target(%arg12 : memref<80x128xf32, #tpu.memory_space<vmem>>) offsets(%dma_start3A_265 : memref<80xi32, #tpu.memory_space<vmem>>) semaphore(%arg16 : memref<!tpu.dma_semaphore, #tpu.memory_space<semaphore_mem>>)
      %dma_start3A_269 = arith.constant 0 : i32
      %dma_start3A_270 = arith.constant 0 : i32
      %dma_start3A_271 = tpu.memref_slice %arg14[%dma_start3A_269, %dma_start3A_270] : memref<10000x128xf32, #tpu.memory_space<vmem_shared>> -> memref<10000x128xf32, #tpu.memory_space<vmem_shared>>
      tpu.enqueue_indirect_dma source(%arg13 : memref<80x128xf32, #tpu.memory_space<vmem>>) target(%dma_start3A_271 : memref<10000x128xf32, #tpu.memory_space<vmem_shared>>) offsets(%arg10 : memref<80xi32, #tpu.memory_space<vmem>>) semaphore(%arg20 : memref<!tpu.dma_semaphore, #tpu.memory_space<semaphore_mem>>) {add = true}
      %mul3A_272 = arith.constant 3 : i32
      %mul3A_273 = arith.muli %scan3A_229, %mul3A_272 : i32
      %add3A_274 = arith.constant 2 : i32
      %add3A_275 = arith.addi %add3A_274, %mul3A_273 : i32
      %add3A_276 = arith.constant 1 : i32
      %add3A_277 = arith.addi %add3A_275, %add3A_276 : i32
      %dma_wait3A_278 = arith.constant 0 : i32
      %dma_wait3A_279 = arith.constant 0 : i32
      %dma_wait3A_280 = arith.constant 0 : i32
      %dma_wait3A_281 = tpu.memref_slice %arg4[%dma_wait3A_278, %dma_wait3A_279, %dma_wait3A_280] : memref<4000x1x80xi32, #tpu.memory_space<hbm>> -> memref<1x1x80xi32, #tpu.memory_space<hbm>>
      %dma_wait3A_282 = tpu.memref_squeeze %dma_wait3A_281 : memref<1x1x80xi32, #tpu.memory_space<hbm>> -> memref<80xi32, #tpu.memory_space<hbm>>
      %dma_wait3A_283 = arith.constant 0 : i32
      %dma_wait3A_284 = tpu.memref_slice %arg4[%dma_wait3A_278, %dma_wait3A_279, %dma_wait3A_283] : memref<4000x1x80xi32, #tpu.memory_space<hbm>> -> memref<1x1x80xi32, #tpu.memory_space<hbm>>
      %dma_wait3A_285 = tpu.memref_squeeze %dma_wait3A_284 : memref<1x1x80xi32, #tpu.memory_space<hbm>> -> memref<80xi32, #tpu.memory_space<hbm>>
      tpu.wait_dma2 semaphore(%arg15 : memref<!tpu.dma_semaphore, #tpu.memory_space<semaphore_mem>>) src(%dma_wait3A_285 : memref<80xi32, #tpu.memory_space<hbm>>) dst(%arg8 : memref<80xi32, #tpu.memory_space<vmem>>)
      %dma_wait3A_286 = arith.constant 0 : i32
      %dma_wait3A_287 = arith.constant 0 : i32
      %dma_wait3A_288 = tpu.memref_slice %arg2[%dma_wait3A_286, %dma_wait3A_287] : memref<10000x128xf32, #tpu.memory_space<hbm>> -> memref<80x128xf32, #tpu.memory_space<hbm>>
      %dma_wait3A_289 = arith.constant 0 : i32
      %dma_wait3A_290 = arith.constant 0 : i32
      %dma_wait3A_291 = tpu.memref_slice %arg2[%dma_wait3A_289, %dma_wait3A_290] : memref<10000x128xf32, #tpu.memory_space<hbm>> -> memref<80x128xf32, #tpu.memory_space<hbm>>
      tpu.wait_dma2 semaphore(%arg15 : memref<!tpu.dma_semaphore, #tpu.memory_space<semaphore_mem>>) src(%dma_wait3A_291 : memref<80x128xf32, #tpu.memory_space<hbm>>) dst(%arg11 : memref<80x128xf32, #tpu.memory_space<vmem>>)
      %dma_wait3A_292 = arith.constant 0 : i32
      %dma_wait3A_293 = arith.constant 0 : i32
      %dma_wait3A_294 = tpu.memref_slice %arg14[%dma_wait3A_292, %dma_wait3A_293] : memref<10000x128xf32, #tpu.memory_space<vmem_shared>> -> memref<10000x128xf32, #tpu.memory_space<vmem_shared>>
      tpu.wait_indirect_dma semaphore(%arg20 : memref<!tpu.dma_semaphore, #tpu.memory_space<semaphore_mem>>) src(%arg13 : memref<80x128xf32, #tpu.memory_space<vmem>>) dst(%dma_wait3A_294 : memref<10000x128xf32, #tpu.memory_space<vmem_shared>>)
      %add3A_295 = arith.constant 2 : i32
      %add3A_296 = arith.addi %add3A_277, %add3A_295 : i32
      %add3A_297 = arith.addi %select_n3A, %add3A_296 : i32
      %dma_start3A_298 = arith.constant 0 : i32
      %dma_start3A_299 = arith.constant 0 : i32
      %dma_start3A_300 = tpu.memref_slice %arg4[%add3A_297, %dma_start3A_298, %dma_start3A_299] : memref<4000x1x80xi32, #tpu.memory_space<hbm>> -> memref<1x1x80xi32, #tpu.memory_space<hbm>>
      %dma_start3A_301 = tpu.memref_squeeze %dma_start3A_300 : memref<1x1x80xi32, #tpu.memory_space<hbm>> -> memref<80xi32, #tpu.memory_space<hbm>>
      %dma_start3A_302 = arith.constant 0 : i32
      %dma_start3A_303 = tpu.memref_slice %arg4[%add3A_297, %dma_start3A_298, %dma_start3A_302] : memref<4000x1x80xi32, #tpu.memory_space<hbm>> -> memref<1x1x80xi32, #tpu.memory_space<hbm>>
      %dma_start3A_304 = tpu.memref_squeeze %dma_start3A_303 : memref<1x1x80xi32, #tpu.memory_space<hbm>> -> memref<80xi32, #tpu.memory_space<hbm>>
      tpu.enqueue_dma source(%dma_start3A_304 : memref<80xi32, #tpu.memory_space<hbm>>) target(%arg10 : memref<80xi32, #tpu.memory_space<vmem>>) target_semaphore(%arg17 : memref<!tpu.dma_semaphore, #tpu.memory_space<semaphore_mem>>)
      %mul3A_305 = arith.constant 80 : i32
      %mul3A_306 = arith.muli %add3A_296, %mul3A_305 : i32
      %dma_start3A_307 = tpu.memref_slice %arg7[%mul3A_306] : memref<10000xi32, #tpu.memory_space<vmem>> -> memref<80xi32, #tpu.memory_space<vmem>>
      %dma_start3A_308 = arith.constant 0 : i32
      %dma_start3A_309 = arith.constant 0 : i32
      %dma_start3A_310 = tpu.memref_slice %arg2[%dma_start3A_308, %dma_start3A_309] : memref<10000x128xf32, #tpu.memory_space<hbm>> -> memref<10000x128xf32, #tpu.memory_space<hbm>>
      tpu.enqueue_indirect_dma source(%dma_start3A_310 : memref<10000x128xf32, #tpu.memory_space<hbm>>) target(%arg13 : memref<80x128xf32, #tpu.memory_space<vmem>>) offsets(%dma_start3A_307 : memref<80xi32, #tpu.memory_space<vmem>>) semaphore(%arg17 : memref<!tpu.dma_semaphore, #tpu.memory_space<semaphore_mem>>)
      %dma_start3A_311 = arith.constant 0 : i32
      %dma_start3A_312 = arith.constant 0 : i32
      %dma_start3A_313 = tpu.memref_slice %arg14[%dma_start3A_311, %dma_start3A_312] : memref<10000x128xf32, #tpu.memory_space<vmem_shared>> -> memref<10000x128xf32, #tpu.memory_space<vmem_shared>>
      tpu.enqueue_indirect_dma source(%arg11 : memref<80x128xf32, #tpu.memory_space<vmem>>) target(%dma_start3A_313 : memref<10000x128xf32, #tpu.memory_space<vmem_shared>>) offsets(%arg8 : memref<80xi32, #tpu.memory_space<vmem>>) semaphore(%arg18 : memref<!tpu.dma_semaphore, #tpu.memory_space<semaphore_mem>>) {add = true}
      %mul3A_314 = arith.constant 3 : i32
      %mul3A_315 = arith.muli %scan3A_229, %mul3A_314 : i32
      %add3A_316 = arith.constant 2 : i32
      %add3A_317 = arith.addi %add3A_316, %mul3A_315 : i32
      %add3A_318 = arith.constant 2 : i32
      %add3A_319 = arith.addi %add3A_317, %add3A_318 : i32
      %dma_wait3A_320 = arith.constant 0 : i32
      %dma_wait3A_321 = arith.constant 0 : i32
      %dma_wait3A_322 = arith.constant 0 : i32
      %dma_wait3A_323 = tpu.memref_slice %arg4[%dma_wait3A_320, %dma_wait3A_321, %dma_wait3A_322] : memref<4000x1x80xi32, #tpu.memory_space<hbm>> -> memref<1x1x80xi32, #tpu.memory_space<hbm>>
      %dma_wait3A_324 = tpu.memref_squeeze %dma_wait3A_323 : memref<1x1x80xi32, #tpu.memory_space<hbm>> -> memref<80xi32, #tpu.memory_space<hbm>>
      %dma_wait3A_325 = arith.constant 0 : i32
      %dma_wait3A_326 = tpu.memref_slice %arg4[%dma_wait3A_320, %dma_wait3A_321, %dma_wait3A_325] : memref<4000x1x80xi32, #tpu.memory_space<hbm>> -> memref<1x1x80xi32, #tpu.memory_space<hbm>>
      %dma_wait3A_327 = tpu.memref_squeeze %dma_wait3A_326 : memref<1x1x80xi32, #tpu.memory_space<hbm>> -> memref<80xi32, #tpu.memory_space<hbm>>
      tpu.wait_dma2 semaphore(%arg16 : memref<!tpu.dma_semaphore, #tpu.memory_space<semaphore_mem>>) src(%dma_wait3A_327 : memref<80xi32, #tpu.memory_space<hbm>>) dst(%arg9 : memref<80xi32, #tpu.memory_space<vmem>>)
      %dma_wait3A_328 = arith.constant 0 : i32
      %dma_wait3A_329 = arith.constant 0 : i32
      %dma_wait3A_330 = tpu.memref_slice %arg2[%dma_wait3A_328, %dma_wait3A_329] : memref<10000x128xf32, #tpu.memory_space<hbm>> -> memref<80x128xf32, #tpu.memory_space<hbm>>
      %dma_wait3A_331 = arith.constant 0 : i32
      %dma_wait3A_332 = arith.constant 0 : i32
      %dma_wait3A_333 = tpu.memref_slice %arg2[%dma_wait3A_331, %dma_wait3A_332] : memref<10000x128xf32, #tpu.memory_space<hbm>> -> memref<80x128xf32, #tpu.memory_space<hbm>>
      tpu.wait_dma2 semaphore(%arg16 : memref<!tpu.dma_semaphore, #tpu.memory_space<semaphore_mem>>) src(%dma_wait3A_333 : memref<80x128xf32, #tpu.memory_space<hbm>>) dst(%arg12 : memref<80x128xf32, #tpu.memory_space<vmem>>)
      %dma_wait3A_334 = arith.constant 0 : i32
      %dma_wait3A_335 = arith.constant 0 : i32
      %dma_wait3A_336 = tpu.memref_slice %arg14[%dma_wait3A_334, %dma_wait3A_335] : memref<10000x128xf32, #tpu.memory_space<vmem_shared>> -> memref<10000x128xf32, #tpu.memory_space<vmem_shared>>
      tpu.wait_indirect_dma semaphore(%arg18 : memref<!tpu.dma_semaphore, #tpu.memory_space<semaphore_mem>>) src(%arg11 : memref<80x128xf32, #tpu.memory_space<vmem>>) dst(%dma_wait3A_336 : memref<10000x128xf32, #tpu.memory_space<vmem_shared>>)
      %add3A_337 = arith.constant 2 : i32
      %add3A_338 = arith.addi %add3A_319, %add3A_337 : i32
      %add3A_339 = arith.addi %select_n3A, %add3A_338 : i32
      %dma_start3A_340 = arith.constant 0 : i32
      %dma_start3A_341 = arith.constant 0 : i32
      %dma_start3A_342 = tpu.memref_slice %arg4[%add3A_339, %dma_start3A_340, %dma_start3A_341] : memref<4000x1x80xi32, #tpu.memory_space<hbm>> -> memref<1x1x80xi32, #tpu.memory_space<hbm>>
      %dma_start3A_343 = tpu.memref_squeeze %dma_start3A_342 : memref<1x1x80xi32, #tpu.memory_space<hbm>> -> memref<80xi32, #tpu.memory_space<hbm>>
      %dma_start3A_344 = arith.constant 0 : i32
      %dma_start3A_345 = tpu.memref_slice %arg4[%add3A_339, %dma_start3A_340, %dma_start3A_344] : memref<4000x1x80xi32, #tpu.memory_space<hbm>> -> memref<1x1x80xi32, #tpu.memory_space<hbm>>
      %dma_start3A_346 = tpu.memref_squeeze %dma_start3A_345 : memref<1x1x80xi32, #tpu.memory_space<hbm>> -> memref<80xi32, #tpu.memory_space<hbm>>
      tpu.enqueue_dma source(%dma_start3A_346 : memref<80xi32, #tpu.memory_space<hbm>>) target(%arg8 : memref<80xi32, #tpu.memory_space<vmem>>) target_semaphore(%arg15 : memref<!tpu.dma_semaphore, #tpu.memory_space<semaphore_mem>>)
      %mul3A_347 = arith.constant 80 : i32
      %mul3A_348 = arith.muli %add3A_338, %mul3A_347 : i32
      %dma_start3A_349 = tpu.memref_slice %arg7[%mul3A_348] : memref<10000xi32, #tpu.memory_space<vmem>> -> memref<80xi32, #tpu.memory_space<vmem>>
      %dma_start3A_350 = arith.constant 0 : i32
      %dma_start3A_351 = arith.constant 0 : i32
      %dma_start3A_352 = tpu.memref_slice %arg2[%dma_start3A_350, %dma_start3A_351] : memref<10000x128xf32, #tpu.memory_space<hbm>> -> memref<10000x128xf32, #tpu.memory_space<hbm>>
      tpu.enqueue_indirect_dma source(%dma_start3A_352 : memref<10000x128xf32, #tpu.memory_space<hbm>>) target(%arg11 : memref<80x128xf32, #tpu.memory_space<vmem>>) offsets(%dma_start3A_349 : memref<80xi32, #tpu.memory_space<vmem>>) semaphore(%arg15 : memref<!tpu.dma_semaphore, #tpu.memory_space<semaphore_mem>>)
      %dma_start3A_353 = arith.constant 0 : i32
      %dma_start3A_354 = arith.constant 0 : i32
      %dma_start3A_355 = tpu.memref_slice %arg14[%dma_start3A_353, %dma_start3A_354] : memref<10000x128xf32, #tpu.memory_space<vmem_shared>> -> memref<10000x128xf32, #tpu.memory_space<vmem_shared>>
      tpu.enqueue_indirect_dma source(%arg12 : memref<80x128xf32, #tpu.memory_space<vmem>>) target(%dma_start3A_355 : memref<10000x128xf32, #tpu.memory_space<vmem_shared>>) offsets(%arg9 : memref<80xi32, #tpu.memory_space<vmem>>) semaphore(%arg19 : memref<!tpu.dma_semaphore, #tpu.memory_space<semaphore_mem>>) {add = true}
    }
    %scan3A_141 = arith.constant 40 : i32
    %dma_wait3A_142 = arith.constant 0 : i32
    %dma_wait3A_143 = arith.constant 0 : i32
    %dma_wait3A_144 = arith.constant 0 : i32
    %dma_wait3A_145 = tpu.memref_slice %arg4[%dma_wait3A_142, %dma_wait3A_143, %dma_wait3A_144] : memref<4000x1x80xi32, #tpu.memory_space<hbm>> -> memref<1x1x80xi32, #tpu.memory_space<hbm>>
    %dma_wait3A_146 = tpu.memref_squeeze %dma_wait3A_145 : memref<1x1x80xi32, #tpu.memory_space<hbm>> -> memref<80xi32, #tpu.memory_space<hbm>>
    %dma_wait3A_147 = arith.constant 0 : i32
    %dma_wait3A_148 = tpu.memref_slice %arg4[%dma_wait3A_142, %dma_wait3A_143, %dma_wait3A_147] : memref<4000x1x80xi32, #tpu.memory_space<hbm>> -> memref<1x1x80xi32, #tpu.memory_space<hbm>>
    %dma_wait3A_149 = tpu.memref_squeeze %dma_wait3A_148 : memref<1x1x80xi32, #tpu.memory_space<hbm>> -> memref<80xi32, #tpu.memory_space<hbm>>
    tpu.wait_dma2 semaphore(%arg17 : memref<!tpu.dma_semaphore, #tpu.memory_space<semaphore_mem>>) src(%dma_wait3A_149 : memref<80xi32, #tpu.memory_space<hbm>>) dst(%arg10 : memref<80xi32, #tpu.memory_space<vmem>>)
    %dma_wait3A_150 = arith.constant 0 : i32
    %dma_wait3A_151 = arith.constant 0 : i32
    %dma_wait3A_152 = tpu.memref_slice %arg2[%dma_wait3A_150, %dma_wait3A_151] : memref<10000x128xf32, #tpu.memory_space<hbm>> -> memref<80x128xf32, #tpu.memory_space<hbm>>
    %dma_wait3A_153 = arith.constant 0 : i32
    %dma_wait3A_154 = arith.constant 0 : i32
    %dma_wait3A_155 = tpu.memref_slice %arg2[%dma_wait3A_153, %dma_wait3A_154] : memref<10000x128xf32, #tpu.memory_space<hbm>> -> memref<80x128xf32, #tpu.memory_space<hbm>>
    tpu.wait_dma2 semaphore(%arg17 : memref<!tpu.dma_semaphore, #tpu.memory_space<semaphore_mem>>) src(%dma_wait3A_155 : memref<80x128xf32, #tpu.memory_space<hbm>>) dst(%arg13 : memref<80x128xf32, #tpu.memory_space<vmem>>)
    %dma_wait3A_156 = arith.constant 0 : i32
    %dma_wait3A_157 = arith.constant 0 : i32
    %dma_wait3A_158 = tpu.memref_slice %arg14[%dma_wait3A_156, %dma_wait3A_157] : memref<10000x128xf32, #tpu.memory_space<vmem_shared>> -> memref<10000x128xf32, #tpu.memory_space<vmem_shared>>
    tpu.wait_indirect_dma semaphore(%arg19 : memref<!tpu.dma_semaphore, #tpu.memory_space<semaphore_mem>>) src(%arg12 : memref<80x128xf32, #tpu.memory_space<vmem>>) dst(%dma_wait3A_158 : memref<10000x128xf32, #tpu.memory_space<vmem_shared>>)
    %add3A_159 = arith.constant 124 : i32
    %add3A_160 = arith.addi %select_n3A, %add3A_159 : i32
    %dma_start3A_161 = arith.constant 0 : i32
    %dma_start3A_162 = arith.constant 0 : i32
    %dma_start3A_163 = tpu.memref_slice %arg4[%add3A_160, %dma_start3A_161, %dma_start3A_162] : memref<4000x1x80xi32, #tpu.memory_space<hbm>> -> memref<1x1x80xi32, #tpu.memory_space<hbm>>
    %dma_start3A_164 = tpu.memref_squeeze %dma_start3A_163 : memref<1x1x80xi32, #tpu.memory_space<hbm>> -> memref<80xi32, #tpu.memory_space<hbm>>
    %dma_start3A_165 = arith.constant 0 : i32
    %dma_start3A_166 = tpu.memref_slice %arg4[%add3A_160, %dma_start3A_161, %dma_start3A_165] : memref<4000x1x80xi32, #tpu.memory_space<hbm>> -> memref<1x1x80xi32, #tpu.memory_space<hbm>>
    %dma_start3A_167 = tpu.memref_squeeze %dma_start3A_166 : memref<1x1x80xi32, #tpu.memory_space<hbm>> -> memref<80xi32, #tpu.memory_space<hbm>>
    tpu.enqueue_dma source(%dma_start3A_167 : memref<80xi32, #tpu.memory_space<hbm>>) target(%arg9 : memref<80xi32, #tpu.memory_space<vmem>>) target_semaphore(%arg16 : memref<!tpu.dma_semaphore, #tpu.memory_space<semaphore_mem>>)
    %dma_start3A_168 = arith.constant 9920 : i32
    %dma_start3A_169 = tpu.memref_slice %arg7[%dma_start3A_168] : memref<10000xi32, #tpu.memory_space<vmem>> -> memref<80xi32, #tpu.memory_space<vmem>>
    %dma_start3A_170 = arith.constant 0 : i32
    %dma_start3A_171 = arith.constant 0 : i32
    %dma_start3A_172 = tpu.memref_slice %arg2[%dma_start3A_170, %dma_start3A_171] : memref<10000x128xf32, #tpu.memory_space<hbm>> -> memref<10000x128xf32, #tpu.memory_space<hbm>>
    tpu.enqueue_indirect_dma source(%dma_start3A_172 : memref<10000x128xf32, #tpu.memory_space<hbm>>) target(%arg12 : memref<80x128xf32, #tpu.memory_space<vmem>>) offsets(%dma_start3A_169 : memref<80xi32, #tpu.memory_space<vmem>>) semaphore(%arg16 : memref<!tpu.dma_semaphore, #tpu.memory_space<semaphore_mem>>)
    %dma_start3A_173 = arith.constant 0 : i32
    %dma_start3A_174 = arith.constant 0 : i32
    %dma_start3A_175 = tpu.memref_slice %arg14[%dma_start3A_173, %dma_start3A_174] : memref<10000x128xf32, #tpu.memory_space<vmem_shared>> -> memref<10000x128xf32, #tpu.memory_space<vmem_shared>>
    tpu.enqueue_indirect_dma source(%arg13 : memref<80x128xf32, #tpu.memory_space<vmem>>) target(%dma_start3A_175 : memref<10000x128xf32, #tpu.memory_space<vmem_shared>>) offsets(%arg10 : memref<80xi32, #tpu.memory_space<vmem>>) semaphore(%arg20 : memref<!tpu.dma_semaphore, #tpu.memory_space<semaphore_mem>>) {add = true}
    %dma_wait3A_176 = arith.constant 0 : i32
    %dma_wait3A_177 = arith.constant 0 : i32
    %dma_wait3A_178 = arith.constant 0 : i32
    %dma_wait3A_179 = tpu.memref_slice %arg4[%dma_wait3A_176, %dma_wait3A_177, %dma_wait3A_178] : memref<4000x1x80xi32, #tpu.memory_space<hbm>> -> memref<1x1x80xi32, #tpu.memory_space<hbm>>
    %dma_wait3A_180 = tpu.memref_squeeze %dma_wait3A_179 : memref<1x1x80xi32, #tpu.memory_space<hbm>> -> memref<80xi32, #tpu.memory_space<hbm>>
    %dma_wait3A_181 = arith.constant 0 : i32
    %dma_wait3A_182 = tpu.memref_slice %arg4[%dma_wait3A_176, %dma_wait3A_177, %dma_wait3A_181] : memref<4000x1x80xi32, #tpu.memory_space<hbm>> -> memref<1x1x80xi32, #tpu.memory_space<hbm>>
    %dma_wait3A_183 = tpu.memref_squeeze %dma_wait3A_182 : memref<1x1x80xi32, #tpu.memory_space<hbm>> -> memref<80xi32, #tpu.memory_space<hbm>>
    tpu.wait_dma2 semaphore(%arg15 : memref<!tpu.dma_semaphore, #tpu.memory_space<semaphore_mem>>) src(%dma_wait3A_183 : memref<80xi32, #tpu.memory_space<hbm>>) dst(%arg8 : memref<80xi32, #tpu.memory_space<vmem>>)
    %dma_wait3A_184 = arith.constant 0 : i32
    %dma_wait3A_185 = arith.constant 0 : i32
    %dma_wait3A_186 = tpu.memref_slice %arg2[%dma_wait3A_184, %dma_wait3A_185] : memref<10000x128xf32, #tpu.memory_space<hbm>> -> memref<80x128xf32, #tpu.memory_space<hbm>>
    %dma_wait3A_187 = arith.constant 0 : i32
    %dma_wait3A_188 = arith.constant 0 : i32
    %dma_wait3A_189 = tpu.memref_slice %arg2[%dma_wait3A_187, %dma_wait3A_188] : memref<10000x128xf32, #tpu.memory_space<hbm>> -> memref<80x128xf32, #tpu.memory_space<hbm>>
    tpu.wait_dma2 semaphore(%arg15 : memref<!tpu.dma_semaphore, #tpu.memory_space<semaphore_mem>>) src(%dma_wait3A_189 : memref<80x128xf32, #tpu.memory_space<hbm>>) dst(%arg11 : memref<80x128xf32, #tpu.memory_space<vmem>>)
    %dma_wait3A_190 = arith.constant 0 : i32
    %dma_wait3A_191 = arith.constant 0 : i32
    %dma_wait3A_192 = tpu.memref_slice %arg14[%dma_wait3A_190, %dma_wait3A_191] : memref<10000x128xf32, #tpu.memory_space<vmem_shared>> -> memref<10000x128xf32, #tpu.memory_space<vmem_shared>>
    tpu.wait_indirect_dma semaphore(%arg20 : memref<!tpu.dma_semaphore, #tpu.memory_space<semaphore_mem>>) src(%arg13 : memref<80x128xf32, #tpu.memory_space<vmem>>) dst(%dma_wait3A_192 : memref<10000x128xf32, #tpu.memory_space<vmem_shared>>)
    %dma_start3A_193 = arith.constant 0 : i32
    %dma_start3A_194 = arith.constant 0 : i32
    %dma_start3A_195 = tpu.memref_slice %arg14[%dma_start3A_193, %dma_start3A_194] : memref<10000x128xf32, #tpu.memory_space<vmem_shared>> -> memref<10000x128xf32, #tpu.memory_space<vmem_shared>>
    tpu.enqueue_indirect_dma source(%arg11 : memref<80x128xf32, #tpu.memory_space<vmem>>) target(%dma_start3A_195 : memref<10000x128xf32, #tpu.memory_space<vmem_shared>>) offsets(%arg8 : memref<80xi32, #tpu.memory_space<vmem>>) semaphore(%arg18 : memref<!tpu.dma_semaphore, #tpu.memory_space<semaphore_mem>>) {add = true}
    %dma_wait3A_196 = arith.constant 0 : i32
    %dma_wait3A_197 = arith.constant 0 : i32
    %dma_wait3A_198 = arith.constant 0 : i32
    %dma_wait3A_199 = tpu.memref_slice %arg4[%dma_wait3A_196, %dma_wait3A_197, %dma_wait3A_198] : memref<4000x1x80xi32, #tpu.memory_space<hbm>> -> memref<1x1x80xi32, #tpu.memory_space<hbm>>
    %dma_wait3A_200 = tpu.memref_squeeze %dma_wait3A_199 : memref<1x1x80xi32, #tpu.memory_space<hbm>> -> memref<80xi32, #tpu.memory_space<hbm>>
    %dma_wait3A_201 = arith.constant 0 : i32
    %dma_wait3A_202 = tpu.memref_slice %arg4[%dma_wait3A_196, %dma_wait3A_197, %dma_wait3A_201] : memref<4000x1x80xi32, #tpu.memory_space<hbm>> -> memref<1x1x80xi32, #tpu.memory_space<hbm>>
    %dma_wait3A_203 = tpu.memref_squeeze %dma_wait3A_202 : memref<1x1x80xi32, #tpu.memory_space<hbm>> -> memref<80xi32, #tpu.memory_space<hbm>>
    tpu.wait_dma2 semaphore(%arg16 : memref<!tpu.dma_semaphore, #tpu.memory_space<semaphore_mem>>) src(%dma_wait3A_203 : memref<80xi32, #tpu.memory_space<hbm>>) dst(%arg9 : memref<80xi32, #tpu.memory_space<vmem>>)
    %dma_wait3A_204 = arith.constant 0 : i32
    %dma_wait3A_205 = arith.constant 0 : i32
    %dma_wait3A_206 = tpu.memref_slice %arg2[%dma_wait3A_204, %dma_wait3A_205] : memref<10000x128xf32, #tpu.memory_space<hbm>> -> memref<80x128xf32, #tpu.memory_space<hbm>>
    %dma_wait3A_207 = arith.constant 0 : i32
    %dma_wait3A_208 = arith.constant 0 : i32
    %dma_wait3A_209 = tpu.memref_slice %arg2[%dma_wait3A_207, %dma_wait3A_208] : memref<10000x128xf32, #tpu.memory_space<hbm>> -> memref<80x128xf32, #tpu.memory_space<hbm>>
    tpu.wait_dma2 semaphore(%arg16 : memref<!tpu.dma_semaphore, #tpu.memory_space<semaphore_mem>>) src(%dma_wait3A_209 : memref<80x128xf32, #tpu.memory_space<hbm>>) dst(%arg12 : memref<80x128xf32, #tpu.memory_space<vmem>>)
    %dma_wait3A_210 = arith.constant 0 : i32
    %dma_wait3A_211 = arith.constant 0 : i32
    %dma_wait3A_212 = tpu.memref_slice %arg14[%dma_wait3A_210, %dma_wait3A_211] : memref<10000x128xf32, #tpu.memory_space<vmem_shared>> -> memref<10000x128xf32, #tpu.memory_space<vmem_shared>>
    tpu.wait_indirect_dma semaphore(%arg18 : memref<!tpu.dma_semaphore, #tpu.memory_space<semaphore_mem>>) src(%arg11 : memref<80x128xf32, #tpu.memory_space<vmem>>) dst(%dma_wait3A_212 : memref<10000x128xf32, #tpu.memory_space<vmem_shared>>)
    %dma_start3A_213 = arith.constant 0 : i32
    %dma_start3A_214 = arith.constant 0 : i32
    %dma_start3A_215 = tpu.memref_slice %arg14[%dma_start3A_213, %dma_start3A_214] : memref<10000x128xf32, #tpu.memory_space<vmem_shared>> -> memref<10000x128xf32, #tpu.memory_space<vmem_shared>>
    tpu.enqueue_indirect_dma source(%arg12 : memref<80x128xf32, #tpu.memory_space<vmem>>) target(%dma_start3A_215 : memref<10000x128xf32, #tpu.memory_space<vmem_shared>>) offsets(%arg9 : memref<80xi32, #tpu.memory_space<vmem>>) semaphore(%arg19 : memref<!tpu.dma_semaphore, #tpu.memory_space<semaphore_mem>>) {add = true}
    %dma_wait3A_216 = arith.constant 0 : i32
    %dma_wait3A_217 = arith.constant 0 : i32
    %dma_wait3A_218 = tpu.memref_slice %arg14[%dma_wait3A_216, %dma_wait3A_217] : memref<10000x128xf32, #tpu.memory_space<vmem_shared>> -> memref<10000x128xf32, #tpu.memory_space<vmem_shared>>
    tpu.wait_indirect_dma semaphore(%arg19 : memref<!tpu.dma_semaphore, #tpu.memory_space<semaphore_mem>>) src(%arg12 : memref<80x128xf32, #tpu.memory_space<vmem>>) dst(%dma_wait3A_218 : memref<10000x128xf32, #tpu.memory_space<vmem_shared>>)
    %barrier3A_219 = arith.constant 0 : index
    tpu.barrier barrier_id(%barrier3A_219)
    %lt3A = arith.constant 15 : i32
    %lt3A_220 = arith.cmpi slt, %arg1, %lt3A : i32
    %convert_element_type3A_221 = arith.extui %lt3A_220 : i1 to i32
    %cond3A_222 = arith.constant 0 : i32
    %cond3A_223 = arith.cmpi ne, %convert_element_type3A_221, %cond3A_222 : i32
    scf.if %cond3A_223 {
      "tpu.region"() ({
        %run_scoped3A = tpu.sem_alloc : memref<!tpu.dma_semaphore, #tpu.memory_space<semaphore_mem>>
        %dma_start3A_229 = arith.constant 0 : i32
        %dma_start3A_230 = tpu.memref_slice %arg6[%arg0, %mul3A_47, %dma_start3A_229] : memref<2x10000x128xf32, #tpu.memory_space<hbm>> -> memref<1x624x128xf32, #tpu.memory_space<hbm>>
        %dma_start3A_231 = tpu.memref_squeeze %dma_start3A_230 : memref<1x624x128xf32, #tpu.memory_space<hbm>> -> memref<624x128xf32, #tpu.memory_space<hbm>>
        %dma_start3A_232 = arith.constant 0 : i32
        %dma_start3A_233 = tpu.memref_slice %arg14[%mul3A_47, %dma_start3A_232] : memref<10000x128xf32, #tpu.memory_space<vmem_shared>> -> memref<624x128xf32, #tpu.memory_space<vmem_shared>>
        tpu.enqueue_dma source(%dma_start3A_233 : memref<624x128xf32, #tpu.memory_space<vmem_shared>>) target(%dma_start3A_231 : memref<624x128xf32, #tpu.memory_space<hbm>>) target_semaphore(%run_scoped3A : memref<!tpu.dma_semaphore, #tpu.memory_space<semaphore_mem>>)
        %dma_wait3A_234 = arith.constant 0 : i32
        %dma_wait3A_235 = tpu.memref_slice %arg6[%arg0, %mul3A_47, %dma_wait3A_234] : memref<2x10000x128xf32, #tpu.memory_space<hbm>> -> memref<1x624x128xf32, #tpu.memory_space<hbm>>
        %dma_wait3A_236 = tpu.memref_squeeze %dma_wait3A_235 : memref<1x624x128xf32, #tpu.memory_space<hbm>> -> memref<624x128xf32, #tpu.memory_space<hbm>>
        %dma_wait3A_237 = arith.constant 0 : i32
        %dma_wait3A_238 = tpu.memref_slice %arg14[%mul3A_47, %dma_wait3A_237] : memref<10000x128xf32, #tpu.memory_space<vmem_shared>> -> memref<624x128xf32, #tpu.memory_space<vmem_shared>>
        tpu.wait_dma2 semaphore(%run_scoped3A : memref<!tpu.dma_semaphore, #tpu.memory_space<semaphore_mem>>) src(%dma_wait3A_238 : memref<624x128xf32, #tpu.memory_space<vmem_shared>>) dst(%dma_wait3A_236 : memref<624x128xf32, #tpu.memory_space<hbm>>)
        tpu.yield
      }) : () -> ()
    } else {
    }
    %eq3A_224 = arith.constant 15 : i32
    %eq3A_225 = arith.cmpi eq, %arg1, %eq3A_224 : i32
    %convert_element_type3A_226 = arith.extui %eq3A_225 : i1 to i32
    %cond3A_227 = arith.constant 0 : i32
    %cond3A_228 = arith.cmpi ne, %convert_element_type3A_226, %cond3A_227 : i32
    scf.if %cond3A_228 {
      "tpu.region"() ({
        %run_scoped3A = tpu.sem_alloc : memref<!tpu.dma_semaphore, #tpu.memory_space<semaphore_mem>>
        %dma_start3A_229 = arith.constant 0 : i32
        %dma_start3A_230 = tpu.memref_slice %arg6[%arg0, %mul3A_47, %dma_start3A_229] : memref<2x10000x128xf32, #tpu.memory_space<hbm>> -> memref<1x640x128xf32, #tpu.memory_space<hbm>>
        %dma_start3A_231 = tpu.memref_squeeze %dma_start3A_230 : memref<1x640x128xf32, #tpu.memory_space<hbm>> -> memref<640x128xf32, #tpu.memory_space<hbm>>
        %dma_start3A_232 = arith.constant 0 : i32
        %dma_start3A_233 = tpu.memref_slice %arg14[%mul3A_47, %dma_start3A_232] : memref<10000x128xf32, #tpu.memory_space<vmem_shared>> -> memref<640x128xf32, #tpu.memory_space<vmem_shared>>
        tpu.enqueue_dma source(%dma_start3A_233 : memref<640x128xf32, #tpu.memory_space<vmem_shared>>) target(%dma_start3A_231 : memref<640x128xf32, #tpu.memory_space<hbm>>) target_semaphore(%run_scoped3A : memref<!tpu.dma_semaphore, #tpu.memory_space<semaphore_mem>>)
        %dma_wait3A_234 = arith.constant 0 : i32
        %dma_wait3A_235 = tpu.memref_slice %arg6[%arg0, %mul3A_47, %dma_wait3A_234] : memref<2x10000x128xf32, #tpu.memory_space<hbm>> -> memref<1x640x128xf32, #tpu.memory_space<hbm>>
        %dma_wait3A_236 = tpu.memref_squeeze %dma_wait3A_235 : memref<1x640x128xf32, #tpu.memory_space<hbm>> -> memref<640x128xf32, #tpu.memory_space<hbm>>
        %dma_wait3A_237 = arith.constant 0 : i32
        %dma_wait3A_238 = tpu.memref_slice %arg14[%mul3A_47, %dma_wait3A_237] : memref<10000x128xf32, #tpu.memory_space<vmem_shared>> -> memref<640x128xf32, #tpu.memory_space<vmem_shared>>
        tpu.wait_dma2 semaphore(%run_scoped3A : memref<!tpu.dma_semaphore, #tpu.memory_space<semaphore_mem>>) src(%dma_wait3A_238 : memref<640x128xf32, #tpu.memory_space<vmem_shared>>) dst(%dma_wait3A_236 : memref<640x128xf32, #tpu.memory_space<hbm>>)
        tpu.yield
      }) : () -> ()
    } else {
    }
    return
  }
}

module attributes {stable_mosaic.version = 14 : i64} {
  func.func @body(%arg0: i32, %arg1: memref<2x1000x128xf32, #tpu.memory_space<vmem>>, %arg2: memref<1000x128xf32, #tpu.memory_space<vmem>>, %arg3: memref<128x128xf32, #tpu.memory_space<vmem>>, %arg4: memref<128x128xf32, #tpu.memory_space<vmem>>, %arg5: memref<1x128xf32, #tpu.memory_space<vmem>>, %arg6: memref<1000x128xf32, #tpu.memory_space<vmem>>) attributes {dimension_semantics = [#tpu.dimension_semantics<arbitrary>], iteration_bounds = array<i64: 10>, scalar_prefetch = 0 : i64, scratch_operands = 0 : i64, tpu.core_type = #tpu.core_type<tc>, window_params = [{transform_indices = @transform_0, window_bounds = array<i64: 2, 1000, 128>}, {transform_indices = @transform_1, window_bounds = array<i64: 1000, 128>}, {pipeline_mode = #tpu.pipeline_mode<synchronous>, transform_indices = @transform_2, window_bounds = array<i64: 128, 128>}, {pipeline_mode = #tpu.pipeline_mode<synchronous>, transform_indices = @transform_3, window_bounds = array<i64: 128, 128>}, {pipeline_mode = #tpu.pipeline_mode<synchronous>, transform_indices = @transform_4, window_bounds = array<i64: 1, 128>}, {transform_indices = @transform_5, window_bounds = array<i64: 1000, 128>}]} {
    %get3A = arith.constant 0 : index
    %get3A_0 = arith.constant 0 : index
    %get3A_1 = arith.constant 0 : index
    %get3A_2 = vector.load %arg1[%get3A, %get3A_0, %get3A_1] : memref<2x1000x128xf32, #tpu.memory_space<vmem>>, vector<1x1000x128xf32>
    %get3A_3 = vector.shape_cast %get3A_2 : vector<1x1000x128xf32> to vector<1000x128xf32>
    %get3A_4 = arith.constant 1 : index
    %get3A_5 = arith.constant 0 : index
    %get3A_6 = arith.constant 0 : index
    %get3A_7 = vector.load %arg1[%get3A_4, %get3A_5, %get3A_6] : memref<2x1000x128xf32, #tpu.memory_space<vmem>>, vector<1x1000x128xf32>
    %get3A_8 = vector.shape_cast %get3A_7 : vector<1x1000x128xf32> to vector<1000x128xf32>
    %add3A = arith.addf %get3A_3, %get3A_8 : vector<1000x128xf32>
    %get3A_9 = arith.constant 0 : index
    %get3A_10 = arith.constant 0 : index
    %get3A_11 = vector.load %arg3[%get3A_9, %get3A_10] : memref<128x128xf32, #tpu.memory_space<vmem>>, vector<128x128xf32>
    %dot_general3A = arith.constant dense<0.000000e+00> : vector<1000x128xf32>
    %dot_general3A_12 = tpu.matmul %add3A, %get3A_11, %dot_general3A {dimension_numbers = #tpu.dot_dimension_numbers<[1], [0], [0], [1], [0, 0, 1, 1], [], []>, transpose_lhs_hint = false} : vector<1000x128xf32>, vector<128x128xf32>, vector<1000x128xf32> -> vector<1000x128xf32>
    %get3A_13 = arith.constant 0 : index
    %get3A_14 = arith.constant 0 : index
    %get3A_15 = vector.load %arg2[%get3A_13, %get3A_14] : memref<1000x128xf32, #tpu.memory_space<vmem>>, vector<1000x128xf32>
    %get3A_16 = arith.constant 0 : index
    %get3A_17 = arith.constant 0 : index
    %get3A_18 = vector.load %arg4[%get3A_16, %get3A_17] : memref<128x128xf32, #tpu.memory_space<vmem>>, vector<128x128xf32>
    %dot_general3A_19 = arith.constant dense<0.000000e+00> : vector<1000x128xf32>
    %dot_general3A_20 = tpu.matmul %get3A_15, %get3A_18, %dot_general3A_19 {dimension_numbers = #tpu.dot_dimension_numbers<[1], [0], [0], [1], [0, 0, 1, 1], [], []>, transpose_lhs_hint = false} : vector<1000x128xf32>, vector<128x128xf32>, vector<1000x128xf32> -> vector<1000x128xf32>
    %add3A_21 = arith.addf %dot_general3A_12, %dot_general3A_20 : vector<1000x128xf32>
    %get3A_22 = arith.constant 0 : index
    %get3A_23 = arith.constant 0 : index
    %get3A_24 = vector.load %arg5[%get3A_22, %get3A_23] : memref<1x128xf32, #tpu.memory_space<vmem>>, vector<1x128xf32>
    %add3A_25 = vector.broadcast %get3A_24 : vector<1x128xf32> to vector<1000x128xf32>
    %add3A_26 = arith.addf %add3A_21, %add3A_25 : vector<1000x128xf32>
    %max3A = arith.constant 0.000000e+00 : f32
    %max3A_27 = vector.broadcast %max3A : f32 to vector<1000x128xf32>
    %max3A_28 = arith.maximumf %add3A_26, %max3A_27 : vector<1000x128xf32>
    %swap3A = arith.constant 0 : index
    %swap3A_29 = arith.constant 0 : index
    %swap3A_30 = vector.load %arg6[%swap3A, %swap3A_29] : memref<1000x128xf32, #tpu.memory_space<vmem>>, vector<1000x128xf32>
    tpu.vector_store %arg6[%swap3A, %swap3A_29], %max3A_28 {strides = array<i32>} : memref<1000x128xf32, #tpu.memory_space<vmem>>, vector<1000x128xf32>,
    return
  }
  func.func @transform_0(%arg0: i32) -> (i32, i32, i32) {
    %c0_i32 = arith.constant 0 : i32
    %c0_i32_0 = arith.constant 0 : i32
    %c0_i32_1 = arith.constant 0 : i32
    return %c0_i32, %arg0, %c0_i32_0 : i32, i32, i32
  }
  func.func @transform_1(%arg0: i32) -> (i32, i32) {
    %c0_i32 = arith.constant 0 : i32
    %c0_i32_0 = arith.constant 0 : i32
    return %arg0, %c0_i32 : i32, i32
  }
  func.func @transform_2(%arg0: i32) -> (i32, i32) {
    %c0_i32 = arith.constant 0 : i32
    %c0_i32_0 = arith.constant 0 : i32
    %c0_i32_1 = arith.constant 0 : i32
    return %c0_i32, %c0_i32_0 : i32, i32
  }
  func.func @transform_3(%arg0: i32) -> (i32, i32) {
    %c0_i32 = arith.constant 0 : i32
    %c0_i32_0 = arith.constant 0 : i32
    %c0_i32_1 = arith.constant 0 : i32
    return %c0_i32, %c0_i32_0 : i32, i32
  }
  func.func @transform_4(%arg0: i32) -> (i32, i32) {
    %c0_i32 = arith.constant 0 : i32
    %c0_i32_0 = arith.constant 0 : i32
    %c0_i32_1 = arith.constant 0 : i32
    return %c0_i32, %c0_i32_0 : i32, i32
  }
  func.func @transform_5(%arg0: i32) -> (i32, i32) {
    %c0_i32 = arith.constant 0 : i32
    %c0_i32_0 = arith.constant 0 : i32
    return %arg0, %c0_i32 : i32, i32
  }
}

module attributes {stable_mosaic.version = 14 : i64} {
  func.func @body(%arg0: i32, %arg1: memref<2x1000x128xf32, #tpu.memory_space<vmem>>, %arg2: memref<1000x128xf32, #tpu.memory_space<vmem>>, %arg3: memref<128x128xf32, #tpu.memory_space<vmem>>, %arg4: memref<128x128xf32, #tpu.memory_space<vmem>>, %arg5: memref<1x128xf32, #tpu.memory_space<vmem>>, %arg6: memref<1x1x1000xi32, #tpu.memory_space<vmem>>, %arg7: memref<128x128xf32, #tpu.memory_space<vmem>>, %arg8: memref<1x128xf32, #tpu.memory_space<vmem>>, %arg9: memref<144x128xf32, #tpu.memory_space<vmem>>, %arg10: memref<64x128xf32, #tpu.memory_space<vmem>>, %arg11: memref<64x144xf32, #tpu.memory_space<vmem>>) attributes {dimension_semantics = [#tpu.dimension_semantics<arbitrary>], iteration_bounds = array<i64: 10>, scalar_prefetch = 0 : i64, scratch_operands = 1 : i64, tpu.core_type = #tpu.core_type<tc>, window_params = [{transform_indices = @transform_0, window_bounds = array<i64: 2, 1000, 128>}, {transform_indices = @transform_1, window_bounds = array<i64: 1000, 128>}, {pipeline_mode = #tpu.pipeline_mode<synchronous>, transform_indices = @transform_2, window_bounds = array<i64: 128, 128>}, {pipeline_mode = #tpu.pipeline_mode<synchronous>, transform_indices = @transform_3, window_bounds = array<i64: 128, 128>}, {pipeline_mode = #tpu.pipeline_mode<synchronous>, transform_indices = @transform_4, window_bounds = array<i64: 1, 128>}, {transform_indices = @transform_5, window_bounds = array<i64: 1, 1, 1000>}, {pipeline_mode = #tpu.pipeline_mode<synchronous>, transform_indices = @transform_6, window_bounds = array<i64: 128, 128>}, {pipeline_mode = #tpu.pipeline_mode<synchronous>, transform_indices = @transform_7, window_bounds = array<i64: 1, 128>}, {pipeline_mode = #tpu.pipeline_mode<synchronous>, transform_indices = @transform_8, window_bounds = array<i64: 144, 128>}, {pipeline_mode = #tpu.pipeline_mode<synchronous>, transform_indices = @transform_9, window_bounds = array<i64: 64, 128>}]} {
    %eq3A = arith.constant 0 : i32
    %eq3A_0 = arith.cmpi eq, %arg0, %eq3A : i32
    %convert_element_type3A = arith.extui %eq3A_0 : i1 to i32
    %cond3A = arith.constant 0 : i32
    %cond3A_1 = arith.cmpi ne, %convert_element_type3A, %cond3A : i32
    scf.if %cond3A_1 {
      %broadcast_in_dim3A_81 = arith.constant 0.000000e+00 : f32
      %broadcast_in_dim3A_82 = vector.broadcast %broadcast_in_dim3A_81 : f32 to vector<64x144xf32>
      %swap3A_83 = arith.constant 0 : index
      %swap3A_84 = arith.constant 0 : index
      %swap3A_85 = vector.load %arg11[%swap3A_83, %swap3A_84] : memref<64x144xf32, #tpu.memory_space<vmem>>, vector<64x144xf32>
      tpu.vector_store %arg11[%swap3A_83, %swap3A_84], %broadcast_in_dim3A_82 {strides = array<i32>} : memref<64x144xf32, #tpu.memory_space<vmem>>, vector<64x144xf32>,
    } else {
    }
    %get3A = arith.constant 0 : index
    %get3A_2 = arith.constant 0 : index
    %get3A_3 = arith.constant 0 : index
    %get3A_4 = vector.load %arg1[%get3A, %get3A_2, %get3A_3] : memref<2x1000x128xf32, #tpu.memory_space<vmem>>, vector<1x1000x128xf32>
    %get3A_5 = vector.shape_cast %get3A_4 : vector<1x1000x128xf32> to vector<1000x128xf32>
    %get3A_6 = arith.constant 1 : index
    %get3A_7 = arith.constant 0 : index
    %get3A_8 = arith.constant 0 : index
    %get3A_9 = vector.load %arg1[%get3A_6, %get3A_7, %get3A_8] : memref<2x1000x128xf32, #tpu.memory_space<vmem>>, vector<1x1000x128xf32>
    %get3A_10 = vector.shape_cast %get3A_9 : vector<1x1000x128xf32> to vector<1000x128xf32>
    %add3A = arith.addf %get3A_5, %get3A_10 : vector<1000x128xf32>
    %get3A_11 = arith.constant 0 : index
    %get3A_12 = arith.constant 0 : index
    %get3A_13 = vector.load %arg3[%get3A_11, %get3A_12] : memref<128x128xf32, #tpu.memory_space<vmem>>, vector<128x128xf32>
    %dot_general3A = arith.constant dense<0.000000e+00> : vector<1000x128xf32>
    %dot_general3A_14 = tpu.matmul %add3A, %get3A_13, %dot_general3A {dimension_numbers = #tpu.dot_dimension_numbers<[1], [0], [0], [1], [0, 0, 1, 1], [], []>, transpose_lhs_hint = false} : vector<1000x128xf32>, vector<128x128xf32>, vector<1000x128xf32> -> vector<1000x128xf32>
    %get3A_15 = arith.constant 0 : index
    %get3A_16 = arith.constant 0 : index
    %get3A_17 = vector.load %arg2[%get3A_15, %get3A_16] : memref<1000x128xf32, #tpu.memory_space<vmem>>, vector<1000x128xf32>
    %get3A_18 = arith.constant 0 : index
    %get3A_19 = arith.constant 0 : index
    %get3A_20 = vector.load %arg4[%get3A_18, %get3A_19] : memref<128x128xf32, #tpu.memory_space<vmem>>, vector<128x128xf32>
    %dot_general3A_21 = arith.constant dense<0.000000e+00> : vector<1000x128xf32>
    %dot_general3A_22 = tpu.matmul %get3A_17, %get3A_20, %dot_general3A_21 {dimension_numbers = #tpu.dot_dimension_numbers<[1], [0], [0], [1], [0, 0, 1, 1], [], []>, transpose_lhs_hint = false} : vector<1000x128xf32>, vector<128x128xf32>, vector<1000x128xf32> -> vector<1000x128xf32>
    %add3A_23 = arith.addf %dot_general3A_14, %dot_general3A_22 : vector<1000x128xf32>
    %get3A_24 = arith.constant 0 : index
    %get3A_25 = arith.constant 0 : index
    %get3A_26 = vector.load %arg5[%get3A_24, %get3A_25] : memref<1x128xf32, #tpu.memory_space<vmem>>, vector<1x128xf32>
    %add3A_27 = vector.broadcast %get3A_26 : vector<1x128xf32> to vector<1000x128xf32>
    %add3A_28 = arith.addf %add3A_23, %add3A_27 : vector<1000x128xf32>
    %max3A = arith.constant 0.000000e+00 : f32
    %max3A_29 = vector.broadcast %max3A : f32 to vector<1000x128xf32>
    %max3A_30 = arith.maximumf %add3A_28, %max3A_29 : vector<1000x128xf32>
    %get3A_31 = arith.constant 0 : index
    %get3A_32 = arith.constant 0 : index
    %get3A_33 = vector.load %arg7[%get3A_31, %get3A_32] : memref<128x128xf32, #tpu.memory_space<vmem>>, vector<128x128xf32>
    %dot_general3A_34 = arith.constant dense<0.000000e+00> : vector<1000x128xf32>
    %dot_general3A_35 = tpu.matmul %max3A_30, %get3A_33, %dot_general3A_34 {dimension_numbers = #tpu.dot_dimension_numbers<[1], [0], [0], [1], [0, 0, 1, 1], [], []>, transpose_lhs_hint = false} : vector<1000x128xf32>, vector<128x128xf32>, vector<1000x128xf32> -> vector<1000x128xf32>
    %get3A_36 = arith.constant 0 : index
    %get3A_37 = arith.constant 0 : index
    %get3A_38 = vector.load %arg8[%get3A_36, %get3A_37] : memref<1x128xf32, #tpu.memory_space<vmem>>, vector<1x128xf32>
    %add3A_39 = vector.broadcast %get3A_38 : vector<1x128xf32> to vector<1000x128xf32>
    %add3A_40 = arith.addf %dot_general3A_35, %add3A_39 : vector<1000x128xf32>
    %max3A_41 = arith.constant 0.000000e+00 : f32
    %max3A_42 = vector.broadcast %max3A_41 : f32 to vector<1000x128xf32>
    %max3A_43 = arith.maximumf %add3A_40, %max3A_42 : vector<1000x128xf32>
    %iota3A = tpu.iota {dimensions = array<i32: 0>} : vector<64x1000xi32>
    %get3A_44 = arith.constant 0 : index
    %get3A_45 = arith.constant 0 : index
    %get3A_46 = arith.constant 0 : index
    %get3A_47 = vector.load %arg6[%get3A_44, %get3A_45, %get3A_46] : memref<1x1x1000xi32, #tpu.memory_space<vmem>>, vector<1x1x1000xi32>
    %get3A_48 = vector.shape_cast %get3A_47 : vector<1x1x1000xi32> to vector<1x1000xi32>
    %eq3A_49 = vector.broadcast %get3A_48 : vector<1x1000xi32> to vector<64x1000xi32>
    %eq3A_50 = arith.cmpi eq, %iota3A, %eq3A_49 : vector<64x1000xi32>
    %convert_element_type3A_51 = arith.extui %eq3A_50 : vector<64x1000xi1> to vector<64x1000xi32>
    %convert_element_type3A_52 = arith.sitofp %convert_element_type3A_51 : vector<64x1000xi32> to vector<64x1000xf32>
    %get3A_53 = arith.constant 0 : index
    %get3A_54 = arith.constant 0 : index
    %get3A_55 = vector.load %arg11[%get3A_53, %get3A_54] : memref<64x144xf32, #tpu.memory_space<vmem>>, vector<64x128xf32>
    %dot_general3A_56 = arith.constant dense<0.000000e+00> : vector<64x128xf32>
    %dot_general3A_57 = tpu.matmul %convert_element_type3A_52, %max3A_43, %dot_general3A_56 {dimension_numbers = #tpu.dot_dimension_numbers<[1], [0], [0], [1], [0, 0, 1, 1], [], []>, transpose_lhs_hint = false} : vector<64x1000xf32>, vector<1000x128xf32>, vector<64x128xf32> -> vector<64x128xf32>
    %add3A_58 = arith.addf %get3A_55, %dot_general3A_57 : vector<64x128xf32>
    %swap3A = arith.constant 0 : index
    %swap3A_59 = arith.constant 0 : index
    %swap3A_60 = vector.load %arg11[%swap3A, %swap3A_59] : memref<64x144xf32, #tpu.memory_space<vmem>>, vector<64x128xf32>
    tpu.vector_store %arg11[%swap3A, %swap3A_59], %add3A_58 {strides = array<i32>} : memref<64x144xf32, #tpu.memory_space<vmem>>, vector<64x128xf32>,
    %reduce_sum3A = arith.constant dense<0.000000e+00> : vector<64xf32>
    %reduce_sum3A_61 = vector.multi_reduction <add>, %convert_element_type3A_52, %reduce_sum3A [1] : vector<64x1000xf32> to vector<64xf32>
    %iota3A_62 = tpu.iota {dimensions = array<i32: 1>} : vector<64x16xi32>
    %get3A_63 = arith.constant 0 : index
    %get3A_64 = arith.constant 128 : index
    %get3A_65 = vector.load %arg11[%get3A_63, %get3A_64] : memref<64x144xf32, #tpu.memory_space<vmem>>, vector<64x16xf32>
    %eq3A_66 = arith.constant 0 : i32
    %eq3A_67 = vector.broadcast %eq3A_66 : i32 to vector<64x16xi32>
    %eq3A_68 = arith.cmpi eq, %iota3A_62, %eq3A_67 : vector<64x16xi32>
    %broadcast_in_dim3A = vector.shape_cast %reduce_sum3A_61 : vector<64xf32> to vector<64x1xf32>
    %jit3A = arith.constant 0.000000e+00 : f32
    %broadcast_in_dim3A_69 = vector.shape_cast %broadcast_in_dim3A : vector<64x1xf32> to vector<64x1xf32>
    %broadcast_in_dim3A_70 = vector.broadcast %broadcast_in_dim3A_69 : vector<64x1xf32> to vector<64x16xf32>
    %broadcast_in_dim3A_71 = vector.broadcast %jit3A : f32 to vector<64x16xf32>
    %select_n3A = arith.select %eq3A_68, %broadcast_in_dim3A_70, %broadcast_in_dim3A_71 : vector<64x16xi1>, vector<64x16xf32>
    %add3A_72 = arith.addf %get3A_65, %select_n3A : vector<64x16xf32>
    %swap3A_73 = arith.constant 0 : index
    %swap3A_74 = arith.constant 128 : index
    %swap3A_75 = vector.load %arg11[%swap3A_73, %swap3A_74] : memref<64x144xf32, #tpu.memory_space<vmem>>, vector<64x16xf32>
    tpu.vector_store %arg11[%swap3A_73, %swap3A_74], %add3A_72 {strides = array<i32>} : memref<64x144xf32, #tpu.memory_space<vmem>>, vector<64x16xf32>,
    %eq3A_76 = arith.constant 9 : i32
    %eq3A_77 = arith.cmpi eq, %arg0, %eq3A_76 : i32
    %convert_element_type3A_78 = arith.extui %eq3A_77 : i1 to i32
    %cond3A_79 = arith.constant 0 : i32
    %cond3A_80 = arith.cmpi ne, %convert_element_type3A_78, %cond3A_79 : i32
    scf.if %cond3A_80 {
      %get3A_81 = arith.constant 0 : index
      %get3A_82 = arith.constant 0 : index
      %get3A_83 = vector.load %arg11[%get3A_81, %get3A_82] : memref<64x144xf32, #tpu.memory_space<vmem>>, vector<64x144xf32>
      %get3A_84 = arith.constant 0 : index
      %get3A_85 = arith.constant 0 : index
      %get3A_86 = vector.load %arg9[%get3A_84, %get3A_85] : memref<144x128xf32, #tpu.memory_space<vmem>>, vector<144x128xf32>
      %dot_general3A_87 = arith.constant dense<0.000000e+00> : vector<64x128xf32>
      %dot_general3A_88 = tpu.matmul %get3A_83, %get3A_86, %dot_general3A_87 {dimension_numbers = #tpu.dot_dimension_numbers<[1], [0], [0], [1], [0, 0, 1, 1], [], []>, transpose_lhs_hint = false} : vector<64x144xf32>, vector<144x128xf32>, vector<64x128xf32> -> vector<64x128xf32>
      %swap3A_89 = arith.constant 0 : index
      %swap3A_90 = arith.constant 0 : index
      %swap3A_91 = vector.load %arg10[%swap3A_89, %swap3A_90] : memref<64x128xf32, #tpu.memory_space<vmem>>, vector<64x128xf32>
      tpu.vector_store %arg10[%swap3A_89, %swap3A_90], %dot_general3A_88 {strides = array<i32>} : memref<64x128xf32, #tpu.memory_space<vmem>>, vector<64x128xf32>,
    } else {
    }
    return
  }
  func.func @transform_0(%arg0: i32) -> (i32, i32, i32) {
    %c0_i32 = arith.constant 0 : i32
    %c0_i32_0 = arith.constant 0 : i32
    %c0_i32_1 = arith.constant 0 : i32
    return %c0_i32, %arg0, %c0_i32_0 : i32, i32, i32
  }
  func.func @transform_1(%arg0: i32) -> (i32, i32) {
    %c0_i32 = arith.constant 0 : i32
    %c0_i32_0 = arith.constant 0 : i32
    return %arg0, %c0_i32 : i32, i32
  }
  func.func @transform_2(%arg0: i32) -> (i32, i32) {
    %c0_i32 = arith.constant 0 : i32
    %c0_i32_0 = arith.constant 0 : i32
    %c0_i32_1 = arith.constant 0 : i32
    return %c0_i32, %c0_i32_0 : i32, i32
  }
  func.func @transform_3(%arg0: i32) -> (i32, i32) {
    %c0_i32 = arith.constant 0 : i32
    %c0_i32_0 = arith.constant 0 : i32
    %c0_i32_1 = arith.constant 0 : i32
    return %c0_i32, %c0_i32_0 : i32, i32
  }
  func.func @transform_4(%arg0: i32) -> (i32, i32) {
    %c0_i32 = arith.constant 0 : i32
    %c0_i32_0 = arith.constant 0 : i32
    %c0_i32_1 = arith.constant 0 : i32
    return %c0_i32, %c0_i32_0 : i32, i32
  }
  func.func @transform_5(%arg0: i32) -> (i32, i32, i32) {
    %c0_i32 = arith.constant 0 : i32
    %c0_i32_0 = arith.constant 0 : i32
    %c0_i32_1 = arith.constant 0 : i32
    return %arg0, %c0_i32, %c0_i32_0 : i32, i32, i32
  }
  func.func @transform_6(%arg0: i32) -> (i32, i32) {
    %c0_i32 = arith.constant 0 : i32
    %c0_i32_0 = arith.constant 0 : i32
    %c0_i32_1 = arith.constant 0 : i32
    return %c0_i32, %c0_i32_0 : i32, i32
  }
  func.func @transform_7(%arg0: i32) -> (i32, i32) {
    %c0_i32 = arith.constant 0 : i32
    %c0_i32_0 = arith.constant 0 : i32
    %c0_i32_1 = arith.constant 0 : i32
    return %c0_i32, %c0_i32_0 : i32, i32
  }
  func.func @transform_8(%arg0: i32) -> (i32, i32) {
    %c0_i32 = arith.constant 0 : i32
    %c0_i32_0 = arith.constant 0 : i32
    %c0_i32_1 = arith.constant 0 : i32
    return %c0_i32, %c0_i32_0 : i32, i32
  }
  func.func @transform_9(%arg0: i32) -> (i32, i32) {
    %c0_i32 = arith.constant 0 : i32
    %c0_i32_0 = arith.constant 0 : i32
    %c0_i32_1 = arith.constant 0 : i32
    return %c0_i32, %c0_i32_0 : i32, i32
  }
}

</mosaic_0001>

<sc_bundles>
// kernel: kernel.11.cloned.1.call-start
scs
__scs_entry_jumppad:
0x0: {  	(pc) =	sbr.rel $0x88, $3  }
0x1: {  	(tag) =	ssettag $0x0;
	lr =	simm.s32 $0x1  }
0x2: {  	[smem:$0x3F91] =	sst lr;
	_ =	strace $0xD0000000  }
0x3: {  	_ = 	snop  }
0x4: {  	_ = 	snop  }
0x5: {  	_ = 	snop  }
0x6: {  	_ = 	snop  }
0x7: {  	_ = 	snop  }
__scs_overlays_trampoline_lowered:
0x8: {  	[smem:$0x3FA0] =	sst s0  }
0x9: {  	[smem:$0x3FA1] =	sst s1  }
0xa: {  	[smem:$0x3FA2] =	sst s2  }
0xb: {  	[smem:$0x3FA3] =	sst s3  }
0xc: {  	[smem:$0x3FA4] =	sst s4  }
0xd: {  	[smem:$0x3FA5] =	sst s5  }
0xe: {  	[smem:$0x3FA6] =	sst s6  }
0xf: {  	[smem:$0x3FA7] =	sst s7  }
0x10: {  	[smem:$0x3FA8] =	sst s8  }
0x11: {  	[smem:$0x3FA9] =	sst s9;
	s0 =	simm.s32 @!p0 $0x0  }
0x12: {  	s1 =	sld [smem:$0x3F8F];
	s0 =	simm.s32 @p0 $0x1  }
0x13: {  	[smem:$0x3FAA] =	sst s0;
	s0 =	simm.s32 @!p1 $0x0  }
0x14: {  	s2 =	sld [smem:$0x3F8E];
	s0 =	simm.s32 @p1 $0x1  }
0x15: {  	[smem:$0x3FAB] =	sst s0;
	s0 =	simm.s32 @!p2 $0x0  }
0x16: {  	s3 =	sld [smem:$0x3FDB];
	s0 =	simm.s32 @p2 $0x1  }
0x17: {  	s4 =	simm.s32 $0x1BF5;
	[smem:$0x3FAD] =	sst s0  }
0x18: {  	s0 =	sld [smem:$0x3F90];
	_ =	swait.ge [sflag:s4], $0x0  }
0x19: {  	s7 =	sld [smem:$0x3F91]  }
0x1a: {  	s8 =	sadd.s32 $0xFFFFE003, lr  }
0x1b: {  	s9 =	sadd.s32 $0xFFFFFEF7, lr;
	s5 =	simm.s32 $0xFFFFFFFF;
	p2 =	slt.u32 s8, $0xFFFFF086  }
0x1c: {  	p1 =	slt.u32 s9, $0xF7A;
	s5 =	simm.s32 @!p2 $0x0  }
0x1d: {  	s5 =	simm.s32 @p1 $0x1;
	p0 =	seq.s32 s7, s2  }
0x1e: {  	s7 =	smul.u32 @!p0 $0xF7A, s2;
	p2 =	seq.s32 @!p0 s5, $0x0  }
0x1f: {  	s9 =	smul.u32 $0xF7A, s1;
	s8 =	simm.s32 @!p0 $0x1BF5;
	p2 =	por !p2, p0  }
0x20: {  	[sflag:s8] =	ssyncset.s32 @!p0 $0xFFFFF086;
	s6 =	sadd.s32 @!p0 s3, s7;
	s7 =	simm.s32 @!p0 $0x108  }
0x21: {  	s3 =	sadd.s32 s3, s9;
	s6 =	sadd.s32 @!p0 $0x88, s6;
	s7 =	simm.s32 @p2 $0x1082  }
0x22: {  	[simem:s7], [sflag:s8] =	dma.local @!p0 [hbm:s6], $0xF7A  }
0x23: {  	s9 =	sor.u32 $0xD0000000, s2;
	s6 =	simm.s32 $0x108;
	_ =	swait.ge @!p0 [sflag:s8], $0x0  }
0x24: {  	s3 =	sadd.s32 $0x88, s3;
	s6 =	simm.s32 @!p1 $0x1082;
	[sflag:s4] =	ssyncset.s32 $0xFFFFF086  }
0x25: {  	[simem:s6], [sflag:s4] =	dma.local [hbm:s3], $0xF7A  }
0x26: {  	[smem:$0x3F91] =	sst s1;
	(tag) =	ssettag s2;
	_ =	strace s9  }
0x27: {  	s1 =	sld [smem:$0x3FA1]  }
0x28: {  	s2 =	sld [smem:$0x3FA2]  }
0x29: {  	s4 =	sld [smem:$0x3FA4]  }
0x2a: {  	p0 =	seq.s32 s5, $0x0;
	s5 =	sld [smem:$0x3FA5]  }
0x2b: {  	s6 =	sld [smem:$0x3FA6]  }
0x2c: {  	s7 =	sld [smem:$0x3FA7]  }
0x2d: {  	s3 =	simm.s32 $0x108;
	s8 =	sld [smem:$0x3FA8]  }
0x2e: {  	s3 =	simm.s32 @!p0 $0x1082;
	s9 =	sld [smem:$0x3FA9]  }
0x2f: {  	lr =	sadd.s32 s0, s3;
	s0 =	sld [smem:$0x3FA0]  }
0x30: {  	s3 =	sld [smem:$0x3FA3]  }
0x31: {  	[smem:$0x3FAC] =	sst s10  }
0x32: {  	s10 =	sld [smem:$0x3FAA];
	_ =	sdelay $0x3  }
0x33: {  	p0 =	seq.s32 s10, $0x1;
	s10 =	sld [smem:$0x3FAC];
	_ =	sdelay $0x3  }
0x34: {  	[smem:$0x3FAC] =	sst s10  }
0x35: {  	s10 =	sld [smem:$0x3FAB];
	_ =	sdelay $0x3  }
0x36: {  	p1 =	seq.s32 s10, $0x1;
	s10 =	sld [smem:$0x3FAC];
	_ =	sdelay $0x3  }
0x37: {  	[smem:$0x3FAC] =	sst s10  }
0x38: {  	s10 =	sld [smem:$0x3FAD]  }
0x39: {  	_ = 	snop;
	(pc) =	sbr.ind lr, $3  }
0x3a: {  	_ = 	snop  }
0x3b: {  	_ = 	snop  }
0x3c: {  	p2 =	seq.s32 s10, $0x1;
	s10 =	sld [smem:$0x3FAC]  }
0x3d: {  	_ =	shalt  }
0x3e: {  	_ =	shalt  }
0x3f: {  	_ =	shalt  }
0x40: {  	_ =	shalt  }
0x41: {  	_ =	shalt  }
0x42: {  	_ =	shalt  }
0x43: {  	_ =	shalt  }
0x44: {  	_ =	shalt  }
0x45: {  	_ =	shalt  }
0x46: {  	_ =	shalt  }
0x47: {  	_ =	shalt  }
0x48: {  	_ =	shalt  }
0x49: {  	_ =	shalt  }
0x4a: {  	_ =	shalt  }
0x4b: {  	_ =	shalt  }
0x4c: {  	_ =	shalt  }
0x4d: {  	_ =	shalt  }
0x4e: {  	_ =	shalt  }
0x4f: {  	_ =	shalt  }
0x50: {  	_ =	shalt  }
0x51: {  	_ =	shalt  }
0x52: {  	_ =	shalt  }
0x53: {  	_ =	shalt  }
0x54: {  	_ =	shalt  }
0x55: {  	_ =	shalt  }
0x56: {  	_ =	shalt  }
0x57: {  	_ =	shalt  }
0x58: {  	_ =	shalt  }
0x59: {  	_ =	shalt  }
0x5a: {  	_ =	shalt  }
0x5b: {  	_ =	shalt  }
0x5c: {  	_ =	shalt  }
0x5d: {  	_ =	shalt  }
0x5e: {  	_ =	shalt  }
0x5f: {  	_ =	shalt  }
0x60: {  	_ =	shalt  }
0x61: {  	_ =	shalt  }
0x62: {  	_ =	shalt  }
0x63: {  	_ =	shalt  }
0x64: {  	_ =	shalt  }
0x65: {  	_ =	shalt  }
0x66: {  	_ =	shalt  }
0x67: {  	_ =	shalt  }
0x68: {  	_ =	shalt  }
0x69: {  	_ =	shalt  }
0x6a: {  	_ =	shalt  }
0x6b: {  	_ =	shalt  }
0x6c: {  	_ =	shalt  }
0x6d: {  	_ =	shalt  }
0x6e: {  	_ =	shalt  }
0x6f: {  	_ =	shalt  }
0x70: {  	_ =	shalt  }
0x71: {  	_ =	shalt  }
0x72: {  	_ =	shalt  }
0x73: {  	_ =	shalt  }
0x74: {  	_ =	shalt  }
0x75: {  	_ =	shalt  }
0x76: {  	_ =	shalt  }
0x77: {  	_ =	shalt  }
0x78: {  	_ =	shalt  }
0x79: {  	_ =	shalt  }
0x7a: {  	_ =	shalt  }
0x7b: {  	_ =	shalt  }
0x7c: {  	_ =	shalt  }
0x7d: {  	_ =	shalt  }
0x7e: {  	_ =	shalt  }
0x7f: {  	_ =	shalt  }
0x80: {  	_ =	shalt  }
0x81: {  	_ =	shalt  }
0x82: {  	_ =	shalt  }
0x83: {  	_ =	shalt  }
0x84: {  	_ =	shalt  }
0x85: {  	_ =	shalt  }
0x86: {  	_ =	shalt  }
0x87: {  	_ =	shalt  }
.Lfunc_end0:
.L_simem_size_0:
called_computation.1_lowered:
.L_overlay_start_0:
0x88: {  	s2 =	sld [smem:$0x3FD9]  }
0x89: {  	s3 =	sld [smem:$0x3FFE];
	_ =	sdelay $0x1  }
0x8a: {  	s1 =	srdreg.scid  }
0x8b: {  	s0 =	sand.u32 $0x1, s1  }
0x8c: {  	s16 =	sshll.u32 s0, $0xA;
	s2 =	sadd.s32 s3, s2  }
0x8d: {  	s2 =	sadd.s32 s2, s16  }
0x8e: {  	[smem:$0x3FB8] =	sst s2  }
0x8f: {  	_ = 	snop  }
0x90: {  	(tm) =	ssettm $0x1  }
0x91: {  	s17 =	sld [smem:$0x3FFB];
	_ =	sdelay $0x3  }
0x92: {  	_ =	strace s17  }
0x93: {  	s2 =	sld [smem:$0x3FFC];
	_ =	sdelay $0x3  }
0x94: {  	_ =	strace s2  }
0x95: {  	s2 =	sld [smem:$0x3FFD];
	_ =	sdelay $0x3  }
0x96: {  	_ =	strace s2  }
0x97: {  	_ =	strace $0x8FFFFFFF  }
0x98: {  	s18 =	sld [smem:$0x3FDB];
	_ =	sdelay $0x1  }
0x99: {  	s19 =	simm.s32 $_scs_section_size  }
0x9a: {  	s4 =	simm.s32 $_size__tile_overlayer_lowered;
	s5 =	simm.s32 $_tile_overlayer_lowered  }
0x9b: {  	s22 =	simm.s32 $0x1BFF;
	s21 =	sshll.u32 s5, $0x1;
	s2 =	sadd.s32 s19, s18  }
0x9c: {  	s6 =	simm.s32 $0x0;
	s20 =	sshll.u32 s4, $0x1;
	s4 =	sadd.s32 s21, s2  }
0x9d: {  	[timem:s6], [sflag:s22] =	dma.local [hbm:s4], s20  }
0x9e: {  	_ =	swait.ge [sflag:s22], s20  }
0x9f: {  	s3 =	ssub.s32 $0x0, s20;
	[sflag:s22] =	ssyncset.done $0x0  }
0xa0: {  	[sflag:s22] =	ssyncadd.s32 s3;
	_ =	sdelay $0x1  }
0xa1: {  	s23 =	simm.s32 $0x1B8B  }
0xa2: {  	_ =	swait.ge [sflag:s23], $0x1  }
0xa3: {  	[sflag:s23] =	ssyncset.done $0x0  }
0xa4: {  	s25 =	simm.s32 $0x1B8E;
	s24 =	sld [smem:$0x3FFE];
	[sflag:s23] =	ssyncadd.s32 $0xFFFFFFFF  }
0xa5: {  	s26 =	simm.s32 $execute0_lowered;
	[smem:$0x3FD2] =	sst s25  }
0xa6: {  	s4 =	sshll.u32 s26, $0x1;
	_ =	strace $0x80000049;
	[dreg:$0x1] =	wrdreg $0xFFFFFFFF  }
0xa7: {  	s28 =	simm.s32 $_size_execute0_lowered;
	s2 =	sadd.s32 s2, s4;
	[dreg:$0x0] =	wrdreg $0x0  }
0xa8: {  	s4 =	sshll.u32 s28, $0x1;
	[dreg:$0x2] =	wrdreg s2  }
0xa9: {  	[dreg:$0x3] =	wrdreg s4  }
0xaa: {  	[dreg:$0x4] =	wrdreg $0xC0  }
0xab: {  	_ =	task [dreg:s6], $0x5FFFF  }
0xac: {  	[dreg:$0x1] =	wrdreg $0xFFFFFFFF  }
0xad: {  	[dreg:$0x0] =	wrdreg $0x60  }
0xae: {  	[dreg:$0x2] =	wrdreg s24  }
0xaf: {  	[dreg:$0x3] =	wrdreg $0xA1000  }
0xb0: {  	[dreg:$0x4] =	wrdreg $0x9  }
0xb1: {  	_ =	task.clear_ibuf [dreg:s6], $0x5FFFF;
	_ =	strace $0x90000049  }
0xb2: {  	s29 =	simm.s32 $0x9;
	_ =	strace $0x8000004B  }
0xb3: {  	_ =	swait.ge [sflag:s29], $0x1  }
0xb4: {  	[sflag:s29] =	ssyncadd.s32 $0xFFFFFFFF  }
0xb5: {  	_ =	strace $0x9000004B  }
0xb6: {  	_ =	sfence  }
0xb7: {  	s30 =	sld [smem:$0x0];
	_ =	sdelay $0x2  }
0xb8: {  	s31 =	sshll.u32 s1, $0xD;
	s1 =	sshrl.u32 s1, $0x2  }
0xb9: {  	s3 =	sand.u32 $0x4000, s31;
	s1 =	sadd.s32 s1, s30  }
0xba: {  	s0 =	sor.u32 s3, s0;
	s1 =	sshll.u32 s1, $0x11  }
0xbb: {  	s0 =	sor.u32 s1, s0  }
0xbc: {  	s0 =	sadd.s32 $0x8F2B, s0  }
0xbd: {  	[sflag:s0] =	ssyncadd.remote.s32 $0x1  }
0xbe: {  	_ =	sfence.sel $0xFFFF  }
0xbf: {  	[dreg:$0x0] =	wrdreg $0xFFFFFFFF;
	(pc) =	sbr.abs _section_cstart, $3  }
0xc0: {  	[dreg:$0x1] =	wrdreg $0xFFFFFFFF  }
0xc1: {  	_ =	task.clear_ibuf [dreg:s6], $0x2FFFF;
	_ =	strace $0x9FFFFFFF  }
0xc2: {  	(tm) =	ssettm $0x7FFFFFFF  }
0xc3: {  	_ =	shalt  }
tec
execute0_lowered:
.L_overlay_start_1:
0x0: {  	(tag) =	ssettag $0x1  }
0x1: {  	s0 =	srdreg.scid;
	s6 =	rddreg [dreg:$0x0]  }
0x2: {  	s11 =	stileid.u32;
	s2 =	rddreg [dreg:$0x1]  }
0x3: {  	s3 =	simm.s32 $0x0;
	s17 =	simm.s32 $0x8;
	s18 =	simm.s32 $0x2780  }
0x4: {  	s28 =	simm.s32 $0x2880;
	s30 =	simm.s32 $0x7900;
	s4 =	smul.u32 $0x2710, s11  }
0x5: {  	s31 =	simm.s32 $0x2;
	s29 =	simm.s32 $0x3;
	s9 =	smul.u32 $0x4E000, s11  }
0x6: {  	s0 =	sand.u32 $0x1, s0;
	[smem:$0x7FF] =	sst s3;
	s22 =	smul.u32 $0x13800, s11  }
0x7: {  	s25 =	sadd.s32 $0x138000, s2;
	p0 =	sne.s32 s11, $0xF;
	p1 =	seq.s32 s11, $0xF  }
0x8: {  	s1 =	smul.u32 $0x27100, s0;
	_ =	strace $0x8000004A;
	s8 =	ssub.s32 $0x2, s0  }
0x9: {  	s0 =	smul.u32 $0x138800, s0;
	s25 =	sshrl.u32 @!p0 s25, $0x3;
	s10 =	sshrl.u32 s8, $0x1  }
0xa: {  	s19 =	sshrl.u32 s9, $0x2;
	s1 =	sadd.s32 s4, s1;
	s4 =	sadd.s32 $0x1DC00, s6  }
0xb: {  	s10 =	ssub.s32 s8, s10;
	s8 =	sadd.s32 s19, s2;
	s9 =	sadd.s32 s22, s0  }
0xc: {  	s0 =	sshrl.u32 s0, $0x3;
	s19 =	simm.s32 $0x50;
	s22 =	simm.s32 $0x5100  }
0xd: {  	s5 =	smulhi.u32 $0x3333334, s1;
	s1 =	sshrl.u32 s1, $0x3;
	s24 =	sadd.s32 $0xD000, s8  }
0xe: {  	s9 =	sshrl.u32 s9, $0x3;
	s15 =	smax.u32 s10, $0x1;
	s1 =	sadd.s32 s1, s6  }
0xf: {  	s24 =	sshrl.u32 s24, $0x3;
	s5 =	sshll.u32 s5, $0x4;
	s1 =	sadd.s32 $0x3600, s1  }
0x10: {  	s7 =	sadd.s32 s5, s6;
	s5 =	sadd.s32 $0x1CE00, s6;
	s6 =	sadd.s32 $0x44E00, s6  }
0x11: {  	[dreg:$0x3] =	wrdreg s1;
	s1 =	sadd.s32 $0x6800, s8;
	s20 =	sadd.s32 $0xD400, s7  }
0x12: {  	s21 =	sadd.s32 $0xD410, s7;
	s12 =	sadd.s32 $0xD420, s7;
	[dreg:$0x4] =	wrdreg s20  }
0x13: {  	s23 =	sadd.s32 $0xD430, s7;
	s26 =	sadd.s32 $0xDBC0, s7;
	[dreg:$0x5] =	wrdreg s21  }
0x14: {  	s0 =	sadd.s32 s6, s0;
	s13 =	sadd.s32 s6, s9;
	[dreg:$0x6] =	wrdreg s12  }
0x15: {  	s16 =	sadd.s32 $0xD460, s7;
	s6 =	simm.s32 $0x6;
	[dreg:$0x7] =	wrdreg s23  }
0x16: {  	s7 =	simm.s32 $0x0;
	[dreg:$0x8] =	wrdreg s26;
	s14 =	sadd.s32 $0x24900, s0  }
0x17: {  	s20 =	simm.s32 $0x2900;
	s21 =	simm.s32 $0x2800;
	s23 =	sshrl.u32 s1, $0x3  }
0x18: {  	s26 =	simm.s32 $0x1;
	s1 =	simm.s32 $0x4;
	s0 =	simm.s32 $0x5  }
.LBB2_1:
0x19: {  	s9 =	rddreg [dreg:$0x3]  }
0x1a: {  	[tilespmem:s3], [sflag:$0x8] =	stream.linear.gather [hbm4b:s9+s3], $0x2710, $0x38;
	[tilespmem:$0x1D980] =	vst v63  }
0x1b: {  	_ =	swait.ge [sflag:s17], $0x2710  }
0x1c: {  	[sflag:s17] =	ssyncset.done $0x0  }
0x1d: {  	s12 =	rddreg [dreg:$0x4];
	[sflag:s17] =	ssyncadd.s32 $0xFFFFD8F0  }
0x1e: {  	[tilespmem:s18], [sflag:$0x1] =	stream.linear.gather [hbm4b:s12+s3], $0x80, $0x38;
	[tilespmem:$0x1D980] =	vst v63  }
0x1f: {  	_ = 	snop  }
0x20: {  	[tilespmem:s20], [sflag:$0x1] =	stream.indirect.gather [hbm4b:s4+s19], $0x80, s3, s19, $0xb8;
	[tilespmem:$0x1D980] =	vst v63  }
0x21: {  	s10 =	rddreg [dreg:$0x5];
	s12 =	sshll.u32 s11, $0x6  }
0x22: {  	[tilespmem:s21], [sflag:$0x2] =	stream.linear.gather [hbm4b:s10+s3], $0x80, $0x38;
	[tilespmem:$0x1D980] =	vst v63  }
0x23: {  	s9 =	sor.u32 $0x1C07, s12;
	s10 =	sshrl.u32 s8, $0x3  }
0x24: {  	[tilespmem:s22], [sflag:$0x2] =	stream.indirect.gather [hbm4b:s4+s19], $0x80, s19, s19, $0xb8;
	[tilespmem:$0x1D980] =	vst v63  }
0x25: {  	[spmem:s10], [sflag:s9] =	dma.local [hbm:s5], $0xD00  }
0x26: {  	s10 =	simm.s32 @p0 $0x7  }
0x27: {  	[spmem:s23], [sflag:s9] =	dma.local [hbm:s5], $0xD00  }
0x28: {  	[spmem:s24], [sflag:s9] =	dma.local [hbm:s5], $0xD00  }
0x29: {  	_ =	swait.ge @p0 [sflag:s10], $0xD00  }
0x2a: {  	[sflag:s10] =	ssyncset.done @p0 $0x0  }
0x2b: {  	[sflag:s10] =	ssyncadd.s32 @p0 $0xFFFFF300  }
0x2c: {  	_ =	swait.ge @p0 [sflag:s10], $0xD00  }
0x2d: {  	[sflag:s10] =	ssyncset.done @p0 $0x0  }
0x2e: {  	[sflag:s10] =	ssyncadd.s32 @p0 $0xFFFFF300  }
0x2f: {  	_ =	swait.ge @p0 [sflag:s10], $0xD00  }
0x30: {  	[sflag:s10] =	ssyncset.done @p0 $0x0  }
0x31: {  	[sflag:s10] =	ssyncadd.s32 @p0 $0xFFFFF300  }
0x32: {  	[spmem:s25], [sflag:s9] =	dma.local @!p0 [hbm:s5], $0x100  }
0x33: {  	s9 =	simm.s32 @!p0 $0x7  }
0x34: {  	_ =	swait.ge @!p0 [sflag:s9], $0xD00  }
0x35: {  	[sflag:s9] =	ssyncset.done @!p0 $0x0  }
0x36: {  	[sflag:s9] =	ssyncadd.s32 @!p0 $0xFFFFF300  }
0x37: {  	_ =	swait.ge @!p0 [sflag:s9], $0xD00  }
0x38: {  	[sflag:s9] =	ssyncset.done @!p0 $0x0  }
0x39: {  	[sflag:s9] =	ssyncadd.s32 @!p0 $0xFFFFF300  }
0x3a: {  	_ =	swait.ge @!p0 [sflag:s9], $0xD00  }
0x3b: {  	[sflag:s9] =	ssyncset.done @!p0 $0x0  }
0x3c: {  	[sflag:s9] =	ssyncadd.s32 @!p0 $0xFFFFF300  }
0x3d: {  	_ =	swait.ge @!p0 [sflag:s9], $0x100  }
0x3e: {  	[sflag:s9] =	ssyncset.done @!p0 $0x0  }
0x3f: {  	[sflag:s9] =	ssyncadd.s32 @!p0 $0xFFFFFF00  }
0x40: {  	[bflag:$0x0] =	sbarrier.arrive $0xFFFF  }
0x41: {  	_ =	swait.ge [sflag:s26], $0x80  }
0x42: {  	[sflag:s26] =	ssyncset.done $0x0  }
0x43: {  	[sflag:s26] =	ssyncadd.s32 $0xFFFFFF80  }
0x44: {  	_ =	swait.ge [sflag:s26], $0x2800  }
0x45: {  	[sflag:s26] =	ssyncset.done $0x0  }
0x46: {  	s10 =	rddreg [dreg:$0x6];
	[sflag:s26] =	ssyncadd.s32 $0xFFFFD800  }
0x47: {  	[tilespmem:s28], [sflag:$0x3] =	stream.linear.gather [hbm4b:s10+s3], $0x80, $0x38;
	[tilespmem:$0x1D980] =	vst v63  }
0x48: {  	s11 =	simm.s32 $0xA0  }
0x49: {  	[tilespmem:s30], [sflag:$0x3] =	stream.indirect.gather [hbm4b:s4+s19], $0x80, s11, s19, $0xb8;
	[tilespmem:$0x1D980] =	vst v63  }
0x4a: {  	_ = 	snop  }
0x4b: {  	[spmem:s2] =	stream.indirect.scatter.add.f32 [tilespmem:s20], [sflag:$0x4], $0x80, s18, s19, $0xb8;
	[tilespmem:$0x1D980] =	vst v63  }
0x4c: {  	_ =	swait.ge [sflag:s31], $0x80  }
0x4d: {  	[sflag:s31] =	ssyncset.done $0x0  }
0x4e: {  	[sflag:s31] =	ssyncadd.s32 $0xFFFFFF80  }
0x4f: {  	_ =	swait.ge [sflag:s31], $0x2800  }
0x50: {  	[sflag:s31] =	ssyncset.done $0x0  }
0x51: {  	[sflag:s31] =	ssyncadd.s32 $0xFFFFD800  }
0x52: {  	_ =	swait.ge [sflag:s1], $0x2800  }
0x53: {  	[sflag:s1] =	ssyncset.done $0x0  }
0x54: {  	s12 =	rddreg [dreg:$0x7];
	[sflag:s1] =	ssyncadd.s32 $0xFFFFD800  }
0x55: {  	[tilespmem:s18], [sflag:$0x1] =	stream.linear.gather [hbm4b:s12+s3], $0x80, $0x38;
	[tilespmem:$0x1D980] =	vst v63  }
0x56: {  	s10 =	simm.s32 $0xF0  }
0x57: {  	[tilespmem:s20], [sflag:$0x1] =	stream.indirect.gather [hbm4b:s4+s19], $0x80, s10, s19, $0xb8;
	[tilespmem:$0x1D980] =	vst v63  }
0x58: {  	_ = 	snop  }
0x59: {  	[spmem:s2] =	stream.indirect.scatter.add.f32 [tilespmem:s22], [sflag:$0x5], $0x80, s21, s19, $0xb8;
	[tilespmem:$0x1D980] =	vst v63  }
0x5a: {  	_ =	swait.ge [sflag:s29], $0x80  }
0x5b: {  	[sflag:s29] =	ssyncset.done $0x0  }
0x5c: {  	[sflag:s29] =	ssyncadd.s32 $0xFFFFFF80  }
0x5d: {  	_ =	swait.ge [sflag:s29], $0x2800  }
0x5e: {  	[sflag:s29] =	ssyncset.done $0x0  }
0x5f: {  	[sflag:s29] =	ssyncadd.s32 $0xFFFFD800  }
0x60: {  	_ =	swait.ge [sflag:s0], $0x2800  }
0x61: {  	[sflag:s0] =	ssyncset.done $0x0  }
0x62: {  	s11 =	sadd.s32 $0xFFFFFFE0, s16;
	[sflag:s0] =	ssyncadd.s32 $0xFFFFD800  }
0x63: {  	[tilespmem:s21], [sflag:$0x2] =	stream.linear.gather [hbm4b:s11+s3], $0x80, $0x38;
	[tilespmem:$0x1D980] =	vst v63  }
0x64: {  	s12 =	simm.s32 $0x140  }
0x65: {  	[tilespmem:s22], [sflag:$0x2] =	stream.indirect.gather [hbm4b:s4+s19], $0x80, s12, s19, $0xb8;
	[tilespmem:$0x1D980] =	vst v63  }
0x66: {  	_ = 	snop  }
0x67: {  	[spmem:s2] =	stream.indirect.scatter.add.f32 [tilespmem:s30], [sflag:$0x6], $0x80, s28, s19, $0xb8;
	[tilespmem:$0x1D980] =	vst v63  }
0x68: {  	_ =	swait.ge [sflag:s26], $0x80  }
0x69: {  	[sflag:s26] =	ssyncset.done $0x0  }
0x6a: {  	[sflag:s26] =	ssyncadd.s32 $0xFFFFFF80  }
0x6b: {  	_ =	swait.ge [sflag:s26], $0x2800  }
0x6c: {  	[sflag:s26] =	ssyncset.done $0x0  }
0x6d: {  	[sflag:s26] =	ssyncadd.s32 $0xFFFFD800  }
0x6e: {  	_ =	swait.ge [sflag:s6], $0x2800  }
0x6f: {  	[sflag:s6] =	ssyncset.done $0x0  }
0x70: {  	s10 =	sadd.s32 $0xFFFFFFF0, s16;
	[sflag:s6] =	ssyncadd.s32 $0xFFFFD800  }
0x71: {  	[tilespmem:s28], [sflag:$0x3] =	stream.linear.gather [hbm4b:s10+s3], $0x80, $0x38;
	[tilespmem:$0x1D980] =	vst v63  }
0x72: {  	s11 =	simm.s32 $0x190  }
0x73: {  	[tilespmem:s30], [sflag:$0x3] =	stream.indirect.gather [hbm4b:s4+s19], $0x80, s11, s19, $0xb8;
	[tilespmem:$0x1D980] =	vst v63  }
0x74: {  	_ = 	snop  }
0x75: {  	[spmem:s2] =	stream.indirect.scatter.add.f32 [tilespmem:s20], [sflag:$0x4], $0x80, s18, s19, $0xb8;
	[tilespmem:$0x1D980] =	vst v63  }
0x76: {  	_ =	swait.ge [sflag:s31], $0x80  }
0x77: {  	[sflag:s31] =	ssyncset.done $0x0  }
0x78: {  	[sflag:s31] =	ssyncadd.s32 $0xFFFFFF80  }
0x79: {  	_ =	swait.ge [sflag:s31], $0x2800  }
0x7a: {  	[sflag:s31] =	ssyncset.done $0x0  }
0x7b: {  	[sflag:s31] =	ssyncadd.s32 $0xFFFFD800  }
0x7c: {  	_ =	swait.ge [sflag:s1], $0x2800  }
0x7d: {  	[sflag:s1] =	ssyncset.done $0x0  }
0x7e: {  	[sflag:s1] =	ssyncadd.s32 $0xFFFFD800  }
0x7f: {  	[tilespmem:s18], [sflag:$0x1] =	stream.linear.gather [hbm4b:s16+s3], $0x80, $0x38;
	[tilespmem:$0x1D980] =	vst v63  }
0x80: {  	s9 =	simm.s32 $0x3C0;
	s12 =	simm.s32 $0x1E0;
	s10 =	sadd.s32 $0x30, s16  }
0x81: {  	[tilespmem:s20], [sflag:$0x1] =	stream.indirect.gather [hbm4b:s4+s19], $0x80, s12, s19, $0xb8;
	[tilespmem:$0x1D980] =	vst v63  }
.LBB2_2:
0x82: {  	[spmem:s2] =	stream.indirect.scatter.add.f32 [tilespmem:s22], [sflag:$0x5], $0x80, s21, s19, $0xb8;
	[tilespmem:$0x1D980] =	vst v63  }
0x83: {  	s11 =	smov.u32 s9  }
0x84: {  	p2 =	sne.s32 s9, $0x9240;
	s9 =	sadd.s32 $0x3C0, s9;
	_ =	swait.ge [sflag:s29], $0x80  }
0x85: {  	[sflag:s29] =	ssyncset.done $0x0  }
0x86: {  	[sflag:s29] =	ssyncadd.s32 $0xFFFFFF80  }
0x87: {  	_ =	swait.ge [sflag:s29], $0x2800  }
0x88: {  	[sflag:s29] =	ssyncset.done $0x0  }
0x89: {  	[sflag:s29] =	ssyncadd.s32 $0xFFFFD800  }
0x8a: {  	_ =	swait.ge [sflag:s0], $0x2800  }
0x8b: {  	[sflag:s0] =	ssyncset.done $0x0  }
0x8c: {  	s12 =	sadd.s32 $0xFFFFFFE0, s10;
	s11 =	sshra.s32 s11, $0x2;
	[sflag:s0] =	ssyncadd.s32 $0xFFFFD800  }
0x8d: {  	[tilespmem:s21], [sflag:$0x2] =	stream.linear.gather [hbm4b:s12+s3], $0x80, $0x38;
	[tilespmem:$0x1D980] =	vst v63  }
0x8e: {  	s12 =	sadd.s32 $0x140, s11  }
0x8f: {  	[tilespmem:s22], [sflag:$0x2] =	stream.indirect.gather [hbm4b:s4+s19], $0x80, s12, s19, $0xb8;
	[tilespmem:$0x1D980] =	vst v63  }
0x90: {  	_ = 	snop  }
0x91: {  	[spmem:s2] =	stream.indirect.scatter.add.f32 [tilespmem:s30], [sflag:$0x6], $0x80, s28, s19, $0xb8;
	[tilespmem:$0x1D980] =	vst v63  }
0x92: {  	_ =	swait.ge [sflag:s26], $0x80  }
0x93: {  	[sflag:s26] =	ssyncset.done $0x0  }
0x94: {  	[sflag:s26] =	ssyncadd.s32 $0xFFFFFF80  }
0x95: {  	_ =	swait.ge [sflag:s26], $0x2800  }
0x96: {  	[sflag:s26] =	ssyncset.done $0x0  }
0x97: {  	[sflag:s26] =	ssyncadd.s32 $0xFFFFD800  }
0x98: {  	_ =	swait.ge [sflag:s6], $0x2800  }
0x99: {  	[sflag:s6] =	ssyncset.done $0x0  }
0x9a: {  	s12 =	sadd.s32 $0xFFFFFFF0, s10;
	[sflag:s6] =	ssyncadd.s32 $0xFFFFD800  }
0x9b: {  	[tilespmem:s28], [sflag:$0x3] =	stream.linear.gather [hbm4b:s12+s3], $0x80, $0x38;
	[tilespmem:$0x1D980] =	vst v63  }
0x9c: {  	s12 =	sadd.s32 $0x190, s11  }
0x9d: {  	[tilespmem:s30], [sflag:$0x3] =	stream.indirect.gather [hbm4b:s4+s19], $0x80, s12, s19, $0xb8;
	[tilespmem:$0x1D980] =	vst v63  }
0x9e: {  	_ = 	snop  }
0x9f: {  	[spmem:s2] =	stream.indirect.scatter.add.f32 [tilespmem:s20], [sflag:$0x4], $0x80, s18, s19, $0xb8;
	[tilespmem:$0x1D980] =	vst v63  }
0xa0: {  	_ =	swait.ge [sflag:s31], $0x80  }
0xa1: {  	[sflag:s31] =	ssyncset.done $0x0  }
0xa2: {  	[sflag:s31] =	ssyncadd.s32 $0xFFFFFF80  }
0xa3: {  	_ =	swait.ge [sflag:s31], $0x2800  }
0xa4: {  	[sflag:s31] =	ssyncset.done $0x0  }
0xa5: {  	[sflag:s31] =	ssyncadd.s32 $0xFFFFD800  }
0xa6: {  	_ =	swait.ge [sflag:s1], $0x2800  }
0xa7: {  	[sflag:s1] =	ssyncset.done $0x0  }
.Ltmp0:
0xa8: {  	[sflag:s1] =	ssyncadd.s32 $0xFFFFD800;
	(pc) =	sbr.rel @p2 .LBB2_2-.Ltmp0, $4  }
0xa9: {  	[tilespmem:s18], [sflag:$0x1] =	stream.linear.gather [hbm4b:s10+s3], $0x80, $0x38;
	[tilespmem:$0x1D980] =	vst v63  }
0xaa: {  	s11 =	sadd.s32 $0x1E0, s11  }
0xab: {  	[tilespmem:s20], [sflag:$0x1] =	stream.indirect.gather [hbm4b:s4+s19], $0x80, s11, s19, $0xb8;
	[tilespmem:$0x1D980] =	vst v63  }
0xac: {  	s10 =	sadd.s32 $0x30, s10  }
0xad: {  	[spmem:s2] =	stream.indirect.scatter.add.f32 [tilespmem:s22], [sflag:$0x5], $0x80, s21, s19, $0xb8;
	[tilespmem:$0x1D980] =	vst v63  }
0xae: {  	_ =	swait.ge [sflag:s29], $0x80  }
0xaf: {  	[sflag:s29] =	ssyncset.done $0x0  }
0xb0: {  	[sflag:s29] =	ssyncadd.s32 $0xFFFFFF80  }
0xb1: {  	_ =	swait.ge [sflag:s29], $0x2800  }
0xb2: {  	[sflag:s29] =	ssyncset.done $0x0  }
0xb3: {  	[sflag:s29] =	ssyncadd.s32 $0xFFFFD800  }
0xb4: {  	_ =	swait.ge [sflag:s0], $0x2800  }
0xb5: {  	[sflag:s0] =	ssyncset.done $0x0  }
0xb6: {  	s9 =	rddreg [dreg:$0x8];
	[sflag:s0] =	ssyncadd.s32 $0xFFFFD800  }
0xb7: {  	[tilespmem:s21], [sflag:$0x2] =	stream.linear.gather [hbm4b:s9+s3], $0x80, $0x38;
	[tilespmem:$0x1D980] =	vst v63  }
0xb8: {  	s12 =	simm.s32 $0x26C0  }
0xb9: {  	[tilespmem:s22], [sflag:$0x2] =	stream.indirect.gather [hbm4b:s4+s19], $0x80, s12, s19, $0xb8;
	[tilespmem:$0x1D980] =	vst v63  }
0xba: {  	_ = 	snop  }
0xbb: {  	[spmem:s2] =	stream.indirect.scatter.add.f32 [tilespmem:s30], [sflag:$0x6], $0x80, s28, s19, $0xb8;
	[tilespmem:$0x1D980] =	vst v63  }
0xbc: {  	_ =	swait.ge [sflag:s26], $0x80  }
0xbd: {  	[sflag:s26] =	ssyncset.done $0x0  }
0xbe: {  	[sflag:s26] =	ssyncadd.s32 $0xFFFFFF80  }
0xbf: {  	_ =	swait.ge [sflag:s26], $0x2800  }
0xc0: {  	[sflag:s26] =	ssyncset.done $0x0  }
0xc1: {  	[sflag:s26] =	ssyncadd.s32 $0xFFFFD800  }
0xc2: {  	_ =	swait.ge [sflag:s6], $0x2800  }
0xc3: {  	[sflag:s6] =	ssyncset.done $0x0  }
0xc4: {  	[sflag:s6] =	ssyncadd.s32 $0xFFFFD800  }
0xc5: {  	[spmem:s2] =	stream.indirect.scatter.add.f32 [tilespmem:s20], [sflag:$0x4], $0x80, s18, s19, $0xb8;
	[tilespmem:$0x1D980] =	vst v63  }
0xc6: {  	_ =	swait.ge [sflag:s31], $0x80  }
0xc7: {  	[sflag:s31] =	ssyncset.done $0x0  }
0xc8: {  	[sflag:s31] =	ssyncadd.s32 $0xFFFFFF80  }
0xc9: {  	_ =	swait.ge [sflag:s31], $0x2800  }
0xca: {  	[sflag:s31] =	ssyncset.done $0x0  }
0xcb: {  	[sflag:s31] =	ssyncadd.s32 $0xFFFFD800  }
0xcc: {  	_ =	swait.ge [sflag:s1], $0x2800  }
0xcd: {  	[sflag:s1] =	ssyncset.done $0x0  }
0xce: {  	[sflag:s1] =	ssyncadd.s32 $0xFFFFD800  }
0xcf: {  	[spmem:s2] =	stream.indirect.scatter.add.f32 [tilespmem:s22], [sflag:$0x5], $0x80, s21, s19, $0xb8;
	[tilespmem:$0x1D980] =	vst v63  }
0xd0: {  	_ =	swait.ge [sflag:s0], $0x2800  }
0xd1: {  	[sflag:s0] =	ssyncset.done $0x0  }
0xd2: {  	[sflag:s0] =	ssyncadd.s32 $0xFFFFD800  }
0xd3: {  	s10 =	simm.s32 @p1 $0x1FC8;
	s9 =	sshrl.u32 @p1 s8, $0x3;
	[bflag:$0x0] =	sbarrier.arrive $0xFFFF  }
0xd4: {  	[hbm:s14], [sflag:s10] =	dma.local @p1 [spmem:s9], $0x2800  }
0xd5: {  	s9 =	simm.s32 @p1 $0x8  }
0xd6: {  	s11 =	stileid.u32;
	s7 =	sadd.s32 $0x1, s7;
	_ =	swait.ge @p1 [sflag:s9], $0x2800  }
0xd7: {  	p2 =	sne.s32 s7, s15;
	s10 =	sshll.u32 @!p1 s11, $0x6;
	[sflag:s9] =	ssyncset.done @p1 $0x0  }
0xd8: {  	[sflag:s9] =	ssyncadd.s32 @p1 $0xFFFFD800;
	s9 =	sor.u32 @!p1 $0x1C08, s10;
	s10 =	sshrl.u32 @!p1 s8, $0x3  }
0xd9: {  	[hbm:s13], [sflag:s9] =	dma.local @!p1 [spmem:s10], $0x2700  }
.Ltmp1:
0xda: {  	_ = 	snop;
	(pc) =	sbr.rel @p2 .LBB2_1-.Ltmp1, $4  }
0xdb: {  	s9 =	simm.s32 @!p1 $0x8  }
0xdc: {  	_ =	swait.ge @!p1 [sflag:s9], $0x2700  }
0xdd: {  	[sflag:s9] =	ssyncset.done @!p1 $0x0  }
0xde: {  	[sflag:s9] =	ssyncadd.s32 @!p1 $0xFFFFD900  }
0xdf: {  	_ =	sfence.sel $0x180000  }
0xe0: {  	[bflag:$0x0] =	sbarrier.arrive $0xFFFF  }
0xe1: {  	_ =	strace $0x9000004A  }
0xe2: {  	[bflag:$0x2] =	sbarrier.arrive $0xFFFF  }
0xe3: {  	p0 =	sne.s32 s11, $0x0;
	s0 =	rddreg [dreg:$0x2]  }
0xe4: {  	s0 =	sadd.s32 @!p0 $0x100000, s0  }
0xe5: {  	[sflag:s0] =	ssyncadd.tile.s32 @!p0 $0x1;
	_ =	shalt  }
.Lfunc_end2:
_tile_overlayer_lowered:
.L_overlay_start_2:
0xe6: {  	(tag) =	ssettag $0x2  }
0xe7: {  	s0 =	rddreg [dreg:$0x0];
	s2 =	stileid.u32  }
0xe8: {  	s1 =	rddreg [dreg:$0x1];
	p0 =	sne.s32 s2, $0x0  }
0xe9: {  	s3 =	rddreg [dreg:$0x2];
	[bflag:$0x3] =	sbarrier.arrive $0xFFFF;
	s2 =	simm.s32 @!p0 $0x1C08  }
0xea: {  	[timem:s3], [sflag:s2] =	dma.local @!p0 [hbm:s0], s1  }
0xeb: {  	s0 =	simm.s32 @!p0 $0x8  }
0xec: {  	_ =	swait.ge @!p0 [sflag:s0], s1  }
0xed: {  	s1 =	ssub.s32 @!p0 $0x0, s1;
	[sflag:s0] =	ssyncset.done @!p0 $0x0  }
0xee: {  	[sflag:s0] =	ssyncadd.s32 @!p0 s1  }
0xef: {  	[bflag:$0x3] =	sbarrier.arrive $0xFFFF  }
0xf0: {  	_ =	shalt  }

// kernel: kernel.14.cloned.1.call-start
scs
__scs_entry_jumppad:
0x0: {  	(pc) =	sbr.rel $0x88, $3  }
0x1: {  	(tag) =	ssettag $0x0;
	lr =	simm.s32 $0x1  }
0x2: {  	[smem:$0x3F91] =	sst lr;
	_ =	strace $0xD0000000  }
0x3: {  	_ = 	snop  }
0x4: {  	_ = 	snop  }
0x5: {  	_ = 	snop  }
0x6: {  	_ = 	snop  }
0x7: {  	_ = 	snop  }
__scs_overlays_trampoline_lowered:
0x8: {  	[smem:$0x3FA0] =	sst s0  }
0x9: {  	[smem:$0x3FA1] =	sst s1  }
0xa: {  	[smem:$0x3FA2] =	sst s2  }
0xb: {  	[smem:$0x3FA3] =	sst s3  }
0xc: {  	[smem:$0x3FA4] =	sst s4  }
0xd: {  	[smem:$0x3FA5] =	sst s5  }
0xe: {  	[smem:$0x3FA6] =	sst s6  }
0xf: {  	[smem:$0x3FA7] =	sst s7  }
0x10: {  	[smem:$0x3FA8] =	sst s8  }
0x11: {  	[smem:$0x3FA9] =	sst s9;
	s0 =	simm.s32 @!p0 $0x0  }
0x12: {  	s1 =	sld [smem:$0x3F8F];
	s0 =	simm.s32 @p0 $0x1  }
0x13: {  	[smem:$0x3FAA] =	sst s0;
	s0 =	simm.s32 @!p1 $0x0  }
0x14: {  	s2 =	sld [smem:$0x3F8E];
	s0 =	simm.s32 @p1 $0x1  }
0x15: {  	[smem:$0x3FAB] =	sst s0;
	s0 =	simm.s32 @!p2 $0x0  }
0x16: {  	s3 =	sld [smem:$0x3FDB];
	s0 =	simm.s32 @p2 $0x1  }
0x17: {  	s4 =	simm.s32 $0x1BF5;
	[smem:$0x3FAD] =	sst s0  }
0x18: {  	s0 =	sld [smem:$0x3F90];
	_ =	swait.ge [sflag:s4], $0x0  }
0x19: {  	s7 =	sld [smem:$0x3F91]  }
0x1a: {  	s8 =	sadd.s32 $0xFFFFE003, lr  }
0x1b: {  	s9 =	sadd.s32 $0xFFFFFEF7, lr;
	s5 =	simm.s32 $0xFFFFFFFF;
	p2 =	slt.u32 s8, $0xFFFFF086  }
0x1c: {  	p1 =	slt.u32 s9, $0xF7A;
	s5 =	simm.s32 @!p2 $0x0  }
0x1d: {  	s5 =	simm.s32 @p1 $0x1;
	p0 =	seq.s32 s7, s2  }
0x1e: {  	s7 =	smul.u32 @!p0 $0xF7A, s2;
	p2 =	seq.s32 @!p0 s5, $0x0  }
0x1f: {  	s9 =	smul.u32 $0xF7A, s1;
	s8 =	simm.s32 @!p0 $0x1BF5;
	p2 =	por !p2, p0  }
0x20: {  	[sflag:s8] =	ssyncset.s32 @!p0 $0xFFFFF086;
	s6 =	sadd.s32 @!p0 s3, s7;
	s7 =	simm.s32 @!p0 $0x108  }
0x21: {  	s3 =	sadd.s32 s3, s9;
	s6 =	sadd.s32 @!p0 $0x88, s6;
	s7 =	simm.s32 @p2 $0x1082  }
0x22: {  	[simem:s7], [sflag:s8] =	dma.local @!p0 [hbm:s6], $0xF7A  }
0x23: {  	s9 =	sor.u32 $0xD0000000, s2;
	s6 =	simm.s32 $0x108;
	_ =	swait.ge @!p0 [sflag:s8], $0x0  }
0x24: {  	s3 =	sadd.s32 $0x88, s3;
	s6 =	simm.s32 @!p1 $0x1082;
	[sflag:s4] =	ssyncset.s32 $0xFFFFF086  }
0x25: {  	[simem:s6], [sflag:s4] =	dma.local [hbm:s3], $0xF7A  }
0x26: {  	[smem:$0x3F91] =	sst s1;
	(tag) =	ssettag s2;
	_ =	strace s9  }
0x27: {  	s1 =	sld [smem:$0x3FA1]  }
0x28: {  	s2 =	sld [smem:$0x3FA2]  }
0x29: {  	s4 =	sld [smem:$0x3FA4]  }
0x2a: {  	p0 =	seq.s32 s5, $0x0;
	s5 =	sld [smem:$0x3FA5]  }
0x2b: {  	s6 =	sld [smem:$0x3FA6]  }
0x2c: {  	s7 =	sld [smem:$0x3FA7]  }
0x2d: {  	s3 =	simm.s32 $0x108;
	s8 =	sld [smem:$0x3FA8]  }
0x2e: {  	s3 =	simm.s32 @!p0 $0x1082;
	s9 =	sld [smem:$0x3FA9]  }
0x2f: {  	lr =	sadd.s32 s0, s3;
	s0 =	sld [smem:$0x3FA0]  }
0x30: {  	s3 =	sld [smem:$0x3FA3]  }
0x31: {  	[smem:$0x3FAC] =	sst s10  }
0x32: {  	s10 =	sld [smem:$0x3FAA];
	_ =	sdelay $0x3  }
0x33: {  	p0 =	seq.s32 s10, $0x1;
	s10 =	sld [smem:$0x3FAC];
	_ =	sdelay $0x3  }
0x34: {  	[smem:$0x3FAC] =	sst s10  }
0x35: {  	s10 =	sld [smem:$0x3FAB];
	_ =	sdelay $0x3  }
0x36: {  	p1 =	seq.s32 s10, $0x1;
	s10 =	sld [smem:$0x3FAC];
	_ =	sdelay $0x3  }
0x37: {  	[smem:$0x3FAC] =	sst s10  }
0x38: {  	s10 =	sld [smem:$0x3FAD]  }
0x39: {  	_ = 	snop;
	(pc) =	sbr.ind lr, $3  }
0x3a: {  	_ = 	snop  }
0x3b: {  	_ = 	snop  }
0x3c: {  	p2 =	seq.s32 s10, $0x1;
	s10 =	sld [smem:$0x3FAC]  }
0x3d: {  	_ =	shalt  }
0x3e: {  	_ =	shalt  }
0x3f: {  	_ =	shalt  }
0x40: {  	_ =	shalt  }
0x41: {  	_ =	shalt  }
0x42: {  	_ =	shalt  }
0x43: {  	_ =	shalt  }
0x44: {  	_ =	shalt  }
0x45: {  	_ =	shalt  }
0x46: {  	_ =	shalt  }
0x47: {  	_ =	shalt  }
0x48: {  	_ =	shalt  }
0x49: {  	_ =	shalt  }
0x4a: {  	_ =	shalt  }
0x4b: {  	_ =	shalt  }
0x4c: {  	_ =	shalt  }
0x4d: {  	_ =	shalt  }
0x4e: {  	_ =	shalt  }
0x4f: {  	_ =	shalt  }
0x50: {  	_ =	shalt  }
0x51: {  	_ =	shalt  }
0x52: {  	_ =	shalt  }
0x53: {  	_ =	shalt  }
0x54: {  	_ =	shalt  }
0x55: {  	_ =	shalt  }
0x56: {  	_ =	shalt  }
0x57: {  	_ =	shalt  }
0x58: {  	_ =	shalt  }
0x59: {  	_ =	shalt  }
0x5a: {  	_ =	shalt  }
0x5b: {  	_ =	shalt  }
0x5c: {  	_ =	shalt  }
0x5d: {  	_ =	shalt  }
0x5e: {  	_ =	shalt  }
0x5f: {  	_ =	shalt  }
0x60: {  	_ =	shalt  }
0x61: {  	_ =	shalt  }
0x62: {  	_ =	shalt  }
0x63: {  	_ =	shalt  }
0x64: {  	_ =	shalt  }
0x65: {  	_ =	shalt  }
0x66: {  	_ =	shalt  }
0x67: {  	_ =	shalt  }
0x68: {  	_ =	shalt  }
0x69: {  	_ =	shalt  }
0x6a: {  	_ =	shalt  }
0x6b: {  	_ =	shalt  }
0x6c: {  	_ =	shalt  }
0x6d: {  	_ =	shalt  }
0x6e: {  	_ =	shalt  }
0x6f: {  	_ =	shalt  }
0x70: {  	_ =	shalt  }
0x71: {  	_ =	shalt  }
0x72: {  	_ =	shalt  }
0x73: {  	_ =	shalt  }
0x74: {  	_ =	shalt  }
0x75: {  	_ =	shalt  }
0x76: {  	_ =	shalt  }
0x77: {  	_ =	shalt  }
0x78: {  	_ =	shalt  }
0x79: {  	_ =	shalt  }
0x7a: {  	_ =	shalt  }
0x7b: {  	_ =	shalt  }
0x7c: {  	_ =	shalt  }
0x7d: {  	_ =	shalt  }
0x7e: {  	_ =	shalt  }
0x7f: {  	_ =	shalt  }
0x80: {  	_ =	shalt  }
0x81: {  	_ =	shalt  }
0x82: {  	_ =	shalt  }
0x83: {  	_ =	shalt  }
0x84: {  	_ =	shalt  }
0x85: {  	_ =	shalt  }
0x86: {  	_ =	shalt  }
0x87: {  	_ =	shalt  }
.Lfunc_end0:
.L_simem_size_0:
called_computation.2_lowered:
.L_overlay_start_0:
0x88: {  	s2 =	sld [smem:$0x3FD9]  }
0x89: {  	s3 =	sld [smem:$0x3FFE];
	_ =	sdelay $0x1  }
0x8a: {  	s1 =	srdreg.scid  }
0x8b: {  	s0 =	sand.u32 $0x1, s1  }
0x8c: {  	s16 =	sshll.u32 s0, $0xA;
	s2 =	sadd.s32 s3, s2  }
0x8d: {  	s2 =	sadd.s32 s2, s16  }
0x8e: {  	[smem:$0x3FB8] =	sst s2  }
0x8f: {  	_ = 	snop  }
0x90: {  	(tm) =	ssettm $0x1  }
0x91: {  	s17 =	sld [smem:$0x3FFB];
	_ =	sdelay $0x3  }
0x92: {  	_ =	strace s17  }
0x93: {  	s2 =	sld [smem:$0x3FFC];
	_ =	sdelay $0x3  }
0x94: {  	_ =	strace s2  }
0x95: {  	s2 =	sld [smem:$0x3FFD];
	_ =	sdelay $0x3  }
0x96: {  	_ =	strace s2  }
0x97: {  	_ =	strace $0x8FFFFFFF  }
0x98: {  	s18 =	sld [smem:$0x3FDB];
	_ =	sdelay $0x1  }
0x99: {  	s19 =	simm.s32 $_scs_section_size  }
0x9a: {  	s4 =	simm.s32 $_size__tile_overlayer_lowered;
	s5 =	simm.s32 $_tile_overlayer_lowered  }
0x9b: {  	s22 =	simm.s32 $0x1BFF;
	s21 =	sshll.u32 s5, $0x1;
	s2 =	sadd.s32 s19, s18  }
0x9c: {  	s6 =	simm.s32 $0x0;
	s20 =	sshll.u32 s4, $0x1;
	s4 =	sadd.s32 s21, s2  }
0x9d: {  	[timem:s6], [sflag:s22] =	dma.local [hbm:s4], s20  }
0x9e: {  	_ =	swait.ge [sflag:s22], s20  }
0x9f: {  	s3 =	ssub.s32 $0x0, s20;
	[sflag:s22] =	ssyncset.done $0x0  }
0xa0: {  	[sflag:s22] =	ssyncadd.s32 s3;
	_ =	sdelay $0x1  }
0xa1: {  	s23 =	simm.s32 $0x1B8B  }
0xa2: {  	_ =	swait.ge [sflag:s23], $0x1  }
0xa3: {  	[sflag:s23] =	ssyncset.done $0x0  }
0xa4: {  	s25 =	simm.s32 $0x1B8E;
	s24 =	sld [smem:$0x3FFE];
	[sflag:s23] =	ssyncadd.s32 $0xFFFFFFFF  }
0xa5: {  	s26 =	simm.s32 $execute0_lowered;
	[smem:$0x3FD2] =	sst s25  }
0xa6: {  	s4 =	sshll.u32 s26, $0x1;
	_ =	strace $0x8000004C;
	[dreg:$0x1] =	wrdreg $0xFFFFFFFF  }
0xa7: {  	s28 =	simm.s32 $_size_execute0_lowered;
	s2 =	sadd.s32 s2, s4;
	[dreg:$0x0] =	wrdreg $0x0  }
0xa8: {  	s4 =	sshll.u32 s28, $0x1;
	[dreg:$0x2] =	wrdreg s2  }
0xa9: {  	[dreg:$0x3] =	wrdreg s4  }
0xaa: {  	[dreg:$0x4] =	wrdreg $0xC0  }
0xab: {  	_ =	task [dreg:s6], $0x5FFFF  }
0xac: {  	[dreg:$0x1] =	wrdreg $0xFFFFFFFF  }
0xad: {  	[dreg:$0x0] =	wrdreg $0x60  }
0xae: {  	[dreg:$0x2] =	wrdreg s24  }
0xaf: {  	[dreg:$0x3] =	wrdreg $0xA1000  }
0xb0: {  	[dreg:$0x4] =	wrdreg $0x9  }
0xb1: {  	_ =	task.clear_ibuf [dreg:s6], $0x5FFFF;
	_ =	strace $0x9000004C  }
0xb2: {  	s29 =	simm.s32 $0x9;
	_ =	strace $0x8000004E  }
0xb3: {  	_ =	swait.ge [sflag:s29], $0x1  }
0xb4: {  	[sflag:s29] =	ssyncadd.s32 $0xFFFFFFFF  }
0xb5: {  	_ =	strace $0x9000004E  }
0xb6: {  	_ =	sfence  }
0xb7: {  	s30 =	sld [smem:$0x0];
	_ =	sdelay $0x2  }
0xb8: {  	s31 =	sshll.u32 s1, $0xD;
	s1 =	sshrl.u32 s1, $0x2  }
0xb9: {  	s3 =	sand.u32 $0x4000, s31;
	s1 =	sadd.s32 s1, s30  }
0xba: {  	s0 =	sor.u32 s3, s0;
	s1 =	sshll.u32 s1, $0x11  }
0xbb: {  	s0 =	sor.u32 s1, s0  }
0xbc: {  	s0 =	sadd.s32 $0x8F2B, s0  }
0xbd: {  	[sflag:s0] =	ssyncadd.remote.s32 $0x1  }
0xbe: {  	_ =	sfence.sel $0xFFFF  }
0xbf: {  	[dreg:$0x0] =	wrdreg $0xFFFFFFFF;
	(pc) =	sbr.abs _section_cstart, $3  }
0xc0: {  	[dreg:$0x1] =	wrdreg $0xFFFFFFFF  }
0xc1: {  	_ =	task.clear_ibuf [dreg:s6], $0x2FFFF;
	_ =	strace $0x9FFFFFFF  }
0xc2: {  	(tm) =	ssettm $0x7FFFFFFF  }
0xc3: {  	_ =	shalt  }
tec
execute0_lowered:
.L_overlay_start_1:
0x0: {  	(tag) =	ssettag $0x1  }
0x1: {  	s0 =	srdreg.scid;
	s6 =	rddreg [dreg:$0x0]  }
0x2: {  	s11 =	stileid.u32;
	s2 =	rddreg [dreg:$0x1]  }
0x3: {  	s3 =	simm.s32 $0x0;
	s17 =	simm.s32 $0x8;
	s18 =	simm.s32 $0x2780  }
0x4: {  	s28 =	simm.s32 $0x2880;
	s30 =	simm.s32 $0x7900;
	s4 =	smul.u32 $0x2710, s11  }
0x5: {  	s31 =	simm.s32 $0x2;
	s29 =	simm.s32 $0x3;
	s9 =	smul.u32 $0x4E000, s11  }
0x6: {  	s0 =	sand.u32 $0x1, s0;
	[smem:$0x7FF] =	sst s3;
	s22 =	smul.u32 $0x13800, s11  }
0x7: {  	s25 =	sadd.s32 $0x138000, s2;
	p0 =	sne.s32 s11, $0xF;
	p1 =	seq.s32 s11, $0xF  }
0x8: {  	s1 =	smul.u32 $0x27100, s0;
	_ =	strace $0x8000004D;
	s8 =	ssub.s32 $0x2, s0  }
0x9: {  	s0 =	smul.u32 $0x138800, s0;
	s25 =	sshrl.u32 @!p0 s25, $0x3;
	s10 =	sshrl.u32 s8, $0x1  }
0xa: {  	s19 =	sshrl.u32 s9, $0x2;
	s1 =	sadd.s32 s4, s1;
	s4 =	sadd.s32 $0x1DC00, s6  }
0xb: {  	s10 =	ssub.s32 s8, s10;
	s8 =	sadd.s32 s19, s2;
	s9 =	sadd.s32 s22, s0  }
0xc: {  	s0 =	sshrl.u32 s0, $0x3;
	s19 =	simm.s32 $0x50;
	s22 =	simm.s32 $0x5100  }
0xd: {  	s5 =	smulhi.u32 $0x3333334, s1;
	s1 =	sshrl.u32 s1, $0x3;
	s24 =	sadd.s32 $0xD000, s8  }
0xe: {  	s9 =	sshrl.u32 s9, $0x3;
	s15 =	smax.u32 s10, $0x1;
	s1 =	sadd.s32 s1, s6  }
0xf: {  	s24 =	sshrl.u32 s24, $0x3;
	s5 =	sshll.u32 s5, $0x4;
	s1 =	sadd.s32 $0x3600, s1  }
0x10: {  	s7 =	sadd.s32 s5, s6;
	s5 =	sadd.s32 $0x1CE00, s6;
	s6 =	sadd.s32 $0x44E00, s6  }
0x11: {  	[dreg:$0x3] =	wrdreg s1;
	s1 =	sadd.s32 $0x6800, s8;
	s20 =	sadd.s32 $0xD400, s7  }
0x12: {  	s21 =	sadd.s32 $0xD410, s7;
	s12 =	sadd.s32 $0xD420, s7;
	[dreg:$0x4] =	wrdreg s20  }
0x13: {  	s23 =	sadd.s32 $0xD430, s7;
	s26 =	sadd.s32 $0xDBC0, s7;
	[dreg:$0x5] =	wrdreg s21  }
0x14: {  	s0 =	sadd.s32 s6, s0;
	s13 =	sadd.s32 s6, s9;
	[dreg:$0x6] =	wrdreg s12  }
0x15: {  	s16 =	sadd.s32 $0xD460, s7;
	s6 =	simm.s32 $0x6;
	[dreg:$0x7] =	wrdreg s23  }
0x16: {  	s7 =	simm.s32 $0x0;
	[dreg:$0x8] =	wrdreg s26;
	s14 =	sadd.s32 $0x24900, s0  }
0x17: {  	s20 =	simm.s32 $0x2900;
	s21 =	simm.s32 $0x2800;
	s23 =	sshrl.u32 s1, $0x3  }
0x18: {  	s26 =	simm.s32 $0x1;
	s1 =	simm.s32 $0x4;
	s0 =	simm.s32 $0x5  }
.LBB2_1:
0x19: {  	s9 =	rddreg [dreg:$0x3]  }
0x1a: {  	[tilespmem:s3], [sflag:$0x8] =	stream.linear.gather [hbm4b:s9+s3], $0x2710, $0x38;
	[tilespmem:$0x1D980] =	vst v63  }
0x1b: {  	_ =	swait.ge [sflag:s17], $0x2710  }
0x1c: {  	[sflag:s17] =	ssyncset.done $0x0  }
0x1d: {  	s12 =	rddreg [dreg:$0x4];
	[sflag:s17] =	ssyncadd.s32 $0xFFFFD8F0  }
0x1e: {  	[tilespmem:s18], [sflag:$0x1] =	stream.linear.gather [hbm4b:s12+s3], $0x80, $0x38;
	[tilespmem:$0x1D980] =	vst v63  }
0x1f: {  	_ = 	snop  }
0x20: {  	[tilespmem:s20], [sflag:$0x1] =	stream.indirect.gather [hbm4b:s4+s19], $0x80, s3, s19, $0xb8;
	[tilespmem:$0x1D980] =	vst v63  }
0x21: {  	s10 =	rddreg [dreg:$0x5];
	s12 =	sshll.u32 s11, $0x6  }
0x22: {  	[tilespmem:s21], [sflag:$0x2] =	stream.linear.gather [hbm4b:s10+s3], $0x80, $0x38;
	[tilespmem:$0x1D980] =	vst v63  }
0x23: {  	s9 =	sor.u32 $0x1C07, s12;
	s10 =	sshrl.u32 s8, $0x3  }
0x24: {  	[tilespmem:s22], [sflag:$0x2] =	stream.indirect.gather [hbm4b:s4+s19], $0x80, s19, s19, $0xb8;
	[tilespmem:$0x1D980] =	vst v63  }
0x25: {  	[spmem:s10], [sflag:s9] =	dma.local [hbm:s5], $0xD00  }
0x26: {  	s10 =	simm.s32 @p0 $0x7  }
0x27: {  	[spmem:s23], [sflag:s9] =	dma.local [hbm:s5], $0xD00  }
0x28: {  	[spmem:s24], [sflag:s9] =	dma.local [hbm:s5], $0xD00  }
0x29: {  	_ =	swait.ge @p0 [sflag:s10], $0xD00  }
0x2a: {  	[sflag:s10] =	ssyncset.done @p0 $0x0  }
0x2b: {  	[sflag:s10] =	ssyncadd.s32 @p0 $0xFFFFF300  }
0x2c: {  	_ =	swait.ge @p0 [sflag:s10], $0xD00  }
0x2d: {  	[sflag:s10] =	ssyncset.done @p0 $0x0  }
0x2e: {  	[sflag:s10] =	ssyncadd.s32 @p0 $0xFFFFF300  }
0x2f: {  	_ =	swait.ge @p0 [sflag:s10], $0xD00  }
0x30: {  	[sflag:s10] =	ssyncset.done @p0 $0x0  }
0x31: {  	[sflag:s10] =	ssyncadd.s32 @p0 $0xFFFFF300  }
0x32: {  	[spmem:s25], [sflag:s9] =	dma.local @!p0 [hbm:s5], $0x100  }
0x33: {  	s9 =	simm.s32 @!p0 $0x7  }
0x34: {  	_ =	swait.ge @!p0 [sflag:s9], $0xD00  }
0x35: {  	[sflag:s9] =	ssyncset.done @!p0 $0x0  }
0x36: {  	[sflag:s9] =	ssyncadd.s32 @!p0 $0xFFFFF300  }
0x37: {  	_ =	swait.ge @!p0 [sflag:s9], $0xD00  }
0x38: {  	[sflag:s9] =	ssyncset.done @!p0 $0x0  }
0x39: {  	[sflag:s9] =	ssyncadd.s32 @!p0 $0xFFFFF300  }
0x3a: {  	_ =	swait.ge @!p0 [sflag:s9], $0xD00  }
0x3b: {  	[sflag:s9] =	ssyncset.done @!p0 $0x0  }
0x3c: {  	[sflag:s9] =	ssyncadd.s32 @!p0 $0xFFFFF300  }
0x3d: {  	_ =	swait.ge @!p0 [sflag:s9], $0x100  }
0x3e: {  	[sflag:s9] =	ssyncset.done @!p0 $0x0  }
0x3f: {  	[sflag:s9] =	ssyncadd.s32 @!p0 $0xFFFFFF00  }
0x40: {  	[bflag:$0x0] =	sbarrier.arrive $0xFFFF  }
0x41: {  	_ =	swait.ge [sflag:s26], $0x80  }
0x42: {  	[sflag:s26] =	ssyncset.done $0x0  }
0x43: {  	[sflag:s26] =	ssyncadd.s32 $0xFFFFFF80  }
0x44: {  	_ =	swait.ge [sflag:s26], $0x2800  }
0x45: {  	[sflag:s26] =	ssyncset.done $0x0  }
0x46: {  	s10 =	rddreg [dreg:$0x6];
	[sflag:s26] =	ssyncadd.s32 $0xFFFFD800  }
0x47: {  	[tilespmem:s28], [sflag:$0x3] =	stream.linear.gather [hbm4b:s10+s3], $0x80, $0x38;
	[tilespmem:$0x1D980] =	vst v63  }
0x48: {  	s11 =	simm.s32 $0xA0  }
0x49: {  	[tilespmem:s30], [sflag:$0x3] =	stream.indirect.gather [hbm4b:s4+s19], $0x80, s11, s19, $0xb8;
	[tilespmem:$0x1D980] =	vst v63  }
0x4a: {  	_ = 	snop  }
0x4b: {  	[spmem:s2] =	stream.indirect.scatter.add.f32 [tilespmem:s20], [sflag:$0x4], $0x80, s18, s19, $0xb8;
	[tilespmem:$0x1D980] =	vst v63  }
0x4c: {  	_ =	swait.ge [sflag:s31], $0x80  }
0x4d: {  	[sflag:s31] =	ssyncset.done $0x0  }
0x4e: {  	[sflag:s31] =	ssyncadd.s32 $0xFFFFFF80  }
0x4f: {  	_ =	swait.ge [sflag:s31], $0x2800  }
0x50: {  	[sflag:s31] =	ssyncset.done $0x0  }
0x51: {  	[sflag:s31] =	ssyncadd.s32 $0xFFFFD800  }
0x52: {  	_ =	swait.ge [sflag:s1], $0x2800  }
0x53: {  	[sflag:s1] =	ssyncset.done $0x0  }
0x54: {  	s12 =	rddreg [dreg:$0x7];
	[sflag:s1] =	ssyncadd.s32 $0xFFFFD800  }
0x55: {  	[tilespmem:s18], [sflag:$0x1] =	stream.linear.gather [hbm4b:s12+s3], $0x80, $0x38;
	[tilespmem:$0x1D980] =	vst v63  }
0x56: {  	s10 =	simm.s32 $0xF0  }
0x57: {  	[tilespmem:s20], [sflag:$0x1] =	stream.indirect.gather [hbm4b:s4+s19], $0x80, s10, s19, $0xb8;
	[tilespmem:$0x1D980] =	vst v63  }
0x58: {  	_ = 	snop  }
0x59: {  	[spmem:s2] =	stream.indirect.scatter.add.f32 [tilespmem:s22], [sflag:$0x5], $0x80, s21, s19, $0xb8;
	[tilespmem:$0x1D980] =	vst v63  }
0x5a: {  	_ =	swait.ge [sflag:s29], $0x80  }
0x5b: {  	[sflag:s29] =	ssyncset.done $0x0  }
0x5c: {  	[sflag:s29] =	ssyncadd.s32 $0xFFFFFF80  }
0x5d: {  	_ =	swait.ge [sflag:s29], $0x2800  }
0x5e: {  	[sflag:s29] =	ssyncset.done $0x0  }
0x5f: {  	[sflag:s29] =	ssyncadd.s32 $0xFFFFD800  }
0x60: {  	_ =	swait.ge [sflag:s0], $0x2800  }
0x61: {  	[sflag:s0] =	ssyncset.done $0x0  }
0x62: {  	s11 =	sadd.s32 $0xFFFFFFE0, s16;
	[sflag:s0] =	ssyncadd.s32 $0xFFFFD800  }
0x63: {  	[tilespmem:s21], [sflag:$0x2] =	stream.linear.gather [hbm4b:s11+s3], $0x80, $0x38;
	[tilespmem:$0x1D980] =	vst v63  }
0x64: {  	s12 =	simm.s32 $0x140  }
0x65: {  	[tilespmem:s22], [sflag:$0x2] =	stream.indirect.gather [hbm4b:s4+s19], $0x80, s12, s19, $0xb8;
	[tilespmem:$0x1D980] =	vst v63  }
0x66: {  	_ = 	snop  }
0x67: {  	[spmem:s2] =	stream.indirect.scatter.add.f32 [tilespmem:s30], [sflag:$0x6], $0x80, s28, s19, $0xb8;
	[tilespmem:$0x1D980] =	vst v63  }
0x68: {  	_ =	swait.ge [sflag:s26], $0x80  }
0x69: {  	[sflag:s26] =	ssyncset.done $0x0  }
0x6a: {  	[sflag:s26] =	ssyncadd.s32 $0xFFFFFF80  }
0x6b: {  	_ =	swait.ge [sflag:s26], $0x2800  }
0x6c: {  	[sflag:s26] =	ssyncset.done $0x0  }
0x6d: {  	[sflag:s26] =	ssyncadd.s32 $0xFFFFD800  }
0x6e: {  	_ =	swait.ge [sflag:s6], $0x2800  }
0x6f: {  	[sflag:s6] =	ssyncset.done $0x0  }
0x70: {  	s10 =	sadd.s32 $0xFFFFFFF0, s16;
	[sflag:s6] =	ssyncadd.s32 $0xFFFFD800  }
0x71: {  	[tilespmem:s28], [sflag:$0x3] =	stream.linear.gather [hbm4b:s10+s3], $0x80, $0x38;
	[tilespmem:$0x1D980] =	vst v63  }
0x72: {  	s11 =	simm.s32 $0x190  }
0x73: {  	[tilespmem:s30], [sflag:$0x3] =	stream.indirect.gather [hbm4b:s4+s19], $0x80, s11, s19, $0xb8;
	[tilespmem:$0x1D980] =	vst v63  }
0x74: {  	_ = 	snop  }
0x75: {  	[spmem:s2] =	stream.indirect.scatter.add.f32 [tilespmem:s20], [sflag:$0x4], $0x80, s18, s19, $0xb8;
	[tilespmem:$0x1D980] =	vst v63  }
0x76: {  	_ =	swait.ge [sflag:s31], $0x80  }
0x77: {  	[sflag:s31] =	ssyncset.done $0x0  }
0x78: {  	[sflag:s31] =	ssyncadd.s32 $0xFFFFFF80  }
0x79: {  	_ =	swait.ge [sflag:s31], $0x2800  }
0x7a: {  	[sflag:s31] =	ssyncset.done $0x0  }
0x7b: {  	[sflag:s31] =	ssyncadd.s32 $0xFFFFD800  }
0x7c: {  	_ =	swait.ge [sflag:s1], $0x2800  }
0x7d: {  	[sflag:s1] =	ssyncset.done $0x0  }
0x7e: {  	[sflag:s1] =	ssyncadd.s32 $0xFFFFD800  }
0x7f: {  	[tilespmem:s18], [sflag:$0x1] =	stream.linear.gather [hbm4b:s16+s3], $0x80, $0x38;
	[tilespmem:$0x1D980] =	vst v63  }
0x80: {  	s9 =	simm.s32 $0x3C0;
	s12 =	simm.s32 $0x1E0;
	s10 =	sadd.s32 $0x30, s16  }
0x81: {  	[tilespmem:s20], [sflag:$0x1] =	stream.indirect.gather [hbm4b:s4+s19], $0x80, s12, s19, $0xb8;
	[tilespmem:$0x1D980] =	vst v63  }
.LBB2_2:
0x82: {  	[spmem:s2] =	stream.indirect.scatter.add.f32 [tilespmem:s22], [sflag:$0x5], $0x80, s21, s19, $0xb8;
	[tilespmem:$0x1D980] =	vst v63  }
0x83: {  	s11 =	smov.u32 s9  }
0x84: {  	p2 =	sne.s32 s9, $0x9240;
	s9 =	sadd.s32 $0x3C0, s9;
	_ =	swait.ge [sflag:s29], $0x80  }
0x85: {  	[sflag:s29] =	ssyncset.done $0x0  }
0x86: {  	[sflag:s29] =	ssyncadd.s32 $0xFFFFFF80  }
0x87: {  	_ =	swait.ge [sflag:s29], $0x2800  }
0x88: {  	[sflag:s29] =	ssyncset.done $0x0  }
0x89: {  	[sflag:s29] =	ssyncadd.s32 $0xFFFFD800  }
0x8a: {  	_ =	swait.ge [sflag:s0], $0x2800  }
0x8b: {  	[sflag:s0] =	ssyncset.done $0x0  }
0x8c: {  	s12 =	sadd.s32 $0xFFFFFFE0, s10;
	s11 =	sshra.s32 s11, $0x2;
	[sflag:s0] =	ssyncadd.s32 $0xFFFFD800  }
0x8d: {  	[tilespmem:s21], [sflag:$0x2] =	stream.linear.gather [hbm4b:s12+s3], $0x80, $0x38;
	[tilespmem:$0x1D980] =	vst v63  }
0x8e: {  	s12 =	sadd.s32 $0x140, s11  }
0x8f: {  	[tilespmem:s22], [sflag:$0x2] =	stream.indirect.gather [hbm4b:s4+s19], $0x80, s12, s19, $0xb8;
	[tilespmem:$0x1D980] =	vst v63  }
0x90: {  	_ = 	snop  }
0x91: {  	[spmem:s2] =	stream.indirect.scatter.add.f32 [tilespmem:s30], [sflag:$0x6], $0x80, s28, s19, $0xb8;
	[tilespmem:$0x1D980] =	vst v63  }
0x92: {  	_ =	swait.ge [sflag:s26], $0x80  }
0x93: {  	[sflag:s26] =	ssyncset.done $0x0  }
0x94: {  	[sflag:s26] =	ssyncadd.s32 $0xFFFFFF80  }
0x95: {  	_ =	swait.ge [sflag:s26], $0x2800  }
0x96: {  	[sflag:s26] =	ssyncset.done $0x0  }
0x97: {  	[sflag:s26] =	ssyncadd.s32 $0xFFFFD800  }
0x98: {  	_ =	swait.ge [sflag:s6], $0x2800  }
0x99: {  	[sflag:s6] =	ssyncset.done $0x0  }
0x9a: {  	s12 =	sadd.s32 $0xFFFFFFF0, s10;
	[sflag:s6] =	ssyncadd.s32 $0xFFFFD800  }
0x9b: {  	[tilespmem:s28], [sflag:$0x3] =	stream.linear.gather [hbm4b:s12+s3], $0x80, $0x38;
	[tilespmem:$0x1D980] =	vst v63  }
0x9c: {  	s12 =	sadd.s32 $0x190, s11  }
0x9d: {  	[tilespmem:s30], [sflag:$0x3] =	stream.indirect.gather [hbm4b:s4+s19], $0x80, s12, s19, $0xb8;
	[tilespmem:$0x1D980] =	vst v63  }
0x9e: {  	_ = 	snop  }
0x9f: {  	[spmem:s2] =	stream.indirect.scatter.add.f32 [tilespmem:s20], [sflag:$0x4], $0x80, s18, s19, $0xb8;
	[tilespmem:$0x1D980] =	vst v63  }
0xa0: {  	_ =	swait.ge [sflag:s31], $0x80  }
0xa1: {  	[sflag:s31] =	ssyncset.done $0x0  }
0xa2: {  	[sflag:s31] =	ssyncadd.s32 $0xFFFFFF80  }
0xa3: {  	_ =	swait.ge [sflag:s31], $0x2800  }
0xa4: {  	[sflag:s31] =	ssyncset.done $0x0  }
0xa5: {  	[sflag:s31] =	ssyncadd.s32 $0xFFFFD800  }
0xa6: {  	_ =	swait.ge [sflag:s1], $0x2800  }
0xa7: {  	[sflag:s1] =	ssyncset.done $0x0  }
.Ltmp0:
0xa8: {  	[sflag:s1] =	ssyncadd.s32 $0xFFFFD800;
	(pc) =	sbr.rel @p2 .LBB2_2-.Ltmp0, $4  }
0xa9: {  	[tilespmem:s18], [sflag:$0x1] =	stream.linear.gather [hbm4b:s10+s3], $0x80, $0x38;
	[tilespmem:$0x1D980] =	vst v63  }
0xaa: {  	s11 =	sadd.s32 $0x1E0, s11  }
0xab: {  	[tilespmem:s20], [sflag:$0x1] =	stream.indirect.gather [hbm4b:s4+s19], $0x80, s11, s19, $0xb8;
	[tilespmem:$0x1D980] =	vst v63  }
0xac: {  	s10 =	sadd.s32 $0x30, s10  }
0xad: {  	[spmem:s2] =	stream.indirect.scatter.add.f32 [tilespmem:s22], [sflag:$0x5], $0x80, s21, s19, $0xb8;
	[tilespmem:$0x1D980] =	vst v63  }
0xae: {  	_ =	swait.ge [sflag:s29], $0x80  }
0xaf: {  	[sflag:s29] =	ssyncset.done $0x0  }
0xb0: {  	[sflag:s29] =	ssyncadd.s32 $0xFFFFFF80  }
0xb1: {  	_ =	swait.ge [sflag:s29], $0x2800  }
0xb2: {  	[sflag:s29] =	ssyncset.done $0x0  }
0xb3: {  	[sflag:s29] =	ssyncadd.s32 $0xFFFFD800  }
0xb4: {  	_ =	swait.ge [sflag:s0], $0x2800  }
0xb5: {  	[sflag:s0] =	ssyncset.done $0x0  }
0xb6: {  	s9 =	rddreg [dreg:$0x8];
	[sflag:s0] =	ssyncadd.s32 $0xFFFFD800  }
0xb7: {  	[tilespmem:s21], [sflag:$0x2] =	stream.linear.gather [hbm4b:s9+s3], $0x80, $0x38;
	[tilespmem:$0x1D980] =	vst v63  }
0xb8: {  	s12 =	simm.s32 $0x26C0  }
0xb9: {  	[tilespmem:s22], [sflag:$0x2] =	stream.indirect.gather [hbm4b:s4+s19], $0x80, s12, s19, $0xb8;
	[tilespmem:$0x1D980] =	vst v63  }
0xba: {  	_ = 	snop  }
0xbb: {  	[spmem:s2] =	stream.indirect.scatter.add.f32 [tilespmem:s30], [sflag:$0x6], $0x80, s28, s19, $0xb8;
	[tilespmem:$0x1D980] =	vst v63  }
0xbc: {  	_ =	swait.ge [sflag:s26], $0x80  }
0xbd: {  	[sflag:s26] =	ssyncset.done $0x0  }
0xbe: {  	[sflag:s26] =	ssyncadd.s32 $0xFFFFFF80  }
0xbf: {  	_ =	swait.ge [sflag:s26], $0x2800  }
0xc0: {  	[sflag:s26] =	ssyncset.done $0x0  }
0xc1: {  	[sflag:s26] =	ssyncadd.s32 $0xFFFFD800  }
0xc2: {  	_ =	swait.ge [sflag:s6], $0x2800  }
0xc3: {  	[sflag:s6] =	ssyncset.done $0x0  }
0xc4: {  	[sflag:s6] =	ssyncadd.s32 $0xFFFFD800  }
0xc5: {  	[spmem:s2] =	stream.indirect.scatter.add.f32 [tilespmem:s20], [sflag:$0x4], $0x80, s18, s19, $0xb8;
	[tilespmem:$0x1D980] =	vst v63  }
0xc6: {  	_ =	swait.ge [sflag:s31], $0x80  }
0xc7: {  	[sflag:s31] =	ssyncset.done $0x0  }
0xc8: {  	[sflag:s31] =	ssyncadd.s32 $0xFFFFFF80  }
0xc9: {  	_ =	swait.ge [sflag:s31], $0x2800  }
0xca: {  	[sflag:s31] =	ssyncset.done $0x0  }
0xcb: {  	[sflag:s31] =	ssyncadd.s32 $0xFFFFD800  }
0xcc: {  	_ =	swait.ge [sflag:s1], $0x2800  }
0xcd: {  	[sflag:s1] =	ssyncset.done $0x0  }
0xce: {  	[sflag:s1] =	ssyncadd.s32 $0xFFFFD800  }
0xcf: {  	[spmem:s2] =	stream.indirect.scatter.add.f32 [tilespmem:s22], [sflag:$0x5], $0x80, s21, s19, $0xb8;
	[tilespmem:$0x1D980] =	vst v63  }
0xd0: {  	_ =	swait.ge [sflag:s0], $0x2800  }
0xd1: {  	[sflag:s0] =	ssyncset.done $0x0  }
0xd2: {  	[sflag:s0] =	ssyncadd.s32 $0xFFFFD800  }
0xd3: {  	s10 =	simm.s32 @p1 $0x1FC8;
	s9 =	sshrl.u32 @p1 s8, $0x3;
	[bflag:$0x0] =	sbarrier.arrive $0xFFFF  }
0xd4: {  	[hbm:s14], [sflag:s10] =	dma.local @p1 [spmem:s9], $0x2800  }
0xd5: {  	s9 =	simm.s32 @p1 $0x8  }
0xd6: {  	s11 =	stileid.u32;
	s7 =	sadd.s32 $0x1, s7;
	_ =	swait.ge @p1 [sflag:s9], $0x2800  }
0xd7: {  	p2 =	sne.s32 s7, s15;
	s10 =	sshll.u32 @!p1 s11, $0x6;
	[sflag:s9] =	ssyncset.done @p1 $0x0  }
0xd8: {  	[sflag:s9] =	ssyncadd.s32 @p1 $0xFFFFD800;
	s9 =	sor.u32 @!p1 $0x1C08, s10;
	s10 =	sshrl.u32 @!p1 s8, $0x3  }
0xd9: {  	[hbm:s13], [sflag:s9] =	dma.local @!p1 [spmem:s10], $0x2700  }
.Ltmp1:
0xda: {  	_ = 	snop;
	(pc) =	sbr.rel @p2 .LBB2_1-.Ltmp1, $4  }
0xdb: {  	s9 =	simm.s32 @!p1 $0x8  }
0xdc: {  	_ =	swait.ge @!p1 [sflag:s9], $0x2700  }
0xdd: {  	[sflag:s9] =	ssyncset.done @!p1 $0x0  }
0xde: {  	[sflag:s9] =	ssyncadd.s32 @!p1 $0xFFFFD900  }
0xdf: {  	_ =	sfence.sel $0x180000  }
0xe0: {  	[bflag:$0x0] =	sbarrier.arrive $0xFFFF  }
0xe1: {  	_ =	strace $0x9000004D  }
0xe2: {  	[bflag:$0x2] =	sbarrier.arrive $0xFFFF  }
0xe3: {  	p0 =	sne.s32 s11, $0x0;
	s0 =	rddreg [dreg:$0x2]  }
0xe4: {  	s0 =	sadd.s32 @!p0 $0x100000, s0  }
0xe5: {  	[sflag:s0] =	ssyncadd.tile.s32 @!p0 $0x1;
	_ =	shalt  }
.Lfunc_end2:
_tile_overlayer_lowered:
.L_overlay_start_2:
0xe6: {  	(tag) =	ssettag $0x2  }
0xe7: {  	s0 =	rddreg [dreg:$0x0];
	s2 =	stileid.u32  }
0xe8: {  	s1 =	rddreg [dreg:$0x1];
	p0 =	sne.s32 s2, $0x0  }
0xe9: {  	s3 =	rddreg [dreg:$0x2];
	[bflag:$0x3] =	sbarrier.arrive $0xFFFF;
	s2 =	simm.s32 @!p0 $0x1C08  }
0xea: {  	[timem:s3], [sflag:s2] =	dma.local @!p0 [hbm:s0], s1  }
0xeb: {  	s0 =	simm.s32 @!p0 $0x8  }
0xec: {  	_ =	swait.ge @!p0 [sflag:s0], s1  }
0xed: {  	s1 =	ssub.s32 @!p0 $0x0, s1;
	[sflag:s0] =	ssyncset.done @!p0 $0x0  }
0xee: {  	[sflag:s0] =	ssyncadd.s32 @!p0 s1  }
0xef: {  	[bflag:$0x3] =	sbarrier.arrive $0xFFFF  }
0xf0: {  	_ =	shalt  }

// kernel: kernel.8.cloned.1.call-start
scs
__scs_entry_jumppad:
0x0: {  	(pc) =	sbr.rel $0x88, $3  }
0x1: {  	(tag) =	ssettag $0x0;
	lr =	simm.s32 $0x1  }
0x2: {  	[smem:$0x3F91] =	sst lr;
	_ =	strace $0xD0000000  }
0x3: {  	_ = 	snop  }
0x4: {  	_ = 	snop  }
0x5: {  	_ = 	snop  }
0x6: {  	_ = 	snop  }
0x7: {  	_ = 	snop  }
__scs_overlays_trampoline_lowered:
0x8: {  	[smem:$0x3FA0] =	sst s0  }
0x9: {  	[smem:$0x3FA1] =	sst s1  }
0xa: {  	[smem:$0x3FA2] =	sst s2  }
0xb: {  	[smem:$0x3FA3] =	sst s3  }
0xc: {  	[smem:$0x3FA4] =	sst s4  }
0xd: {  	[smem:$0x3FA5] =	sst s5  }
0xe: {  	[smem:$0x3FA6] =	sst s6  }
0xf: {  	[smem:$0x3FA7] =	sst s7  }
0x10: {  	[smem:$0x3FA8] =	sst s8  }
0x11: {  	[smem:$0x3FA9] =	sst s9;
	s0 =	simm.s32 @!p0 $0x0  }
0x12: {  	s1 =	sld [smem:$0x3F8F];
	s0 =	simm.s32 @p0 $0x1  }
0x13: {  	[smem:$0x3FAA] =	sst s0;
	s0 =	simm.s32 @!p1 $0x0  }
0x14: {  	s2 =	sld [smem:$0x3F8E];
	s0 =	simm.s32 @p1 $0x1  }
0x15: {  	[smem:$0x3FAB] =	sst s0;
	s0 =	simm.s32 @!p2 $0x0  }
0x16: {  	s3 =	sld [smem:$0x3FDB];
	s0 =	simm.s32 @p2 $0x1  }
0x17: {  	s4 =	simm.s32 $0x1BF5;
	[smem:$0x3FAD] =	sst s0  }
0x18: {  	s0 =	sld [smem:$0x3F90];
	_ =	swait.ge [sflag:s4], $0x0  }
0x19: {  	s7 =	sld [smem:$0x3F91]  }
0x1a: {  	s8 =	sadd.s32 $0xFFFFE003, lr  }
0x1b: {  	s9 =	sadd.s32 $0xFFFFFEF7, lr;
	s5 =	simm.s32 $0xFFFFFFFF;
	p2 =	slt.u32 s8, $0xFFFFF086  }
0x1c: {  	p1 =	slt.u32 s9, $0xF7A;
	s5 =	simm.s32 @!p2 $0x0  }
0x1d: {  	s5 =	simm.s32 @p1 $0x1;
	p0 =	seq.s32 s7, s2  }
0x1e: {  	s7 =	smul.u32 @!p0 $0xF7A, s2;
	p2 =	seq.s32 @!p0 s5, $0x0  }
0x1f: {  	s9 =	smul.u32 $0xF7A, s1;
	s8 =	simm.s32 @!p0 $0x1BF5;
	p2 =	por !p2, p0  }
0x20: {  	[sflag:s8] =	ssyncset.s32 @!p0 $0xFFFFF086;
	s6 =	sadd.s32 @!p0 s3, s7;
	s7 =	simm.s32 @!p0 $0x108  }
0x21: {  	s3 =	sadd.s32 s3, s9;
	s6 =	sadd.s32 @!p0 $0x88, s6;
	s7 =	simm.s32 @p2 $0x1082  }
0x22: {  	[simem:s7], [sflag:s8] =	dma.local @!p0 [hbm:s6], $0xF7A  }
0x23: {  	s9 =	sor.u32 $0xD0000000, s2;
	s6 =	simm.s32 $0x108;
	_ =	swait.ge @!p0 [sflag:s8], $0x0  }
0x24: {  	s3 =	sadd.s32 $0x88, s3;
	s6 =	simm.s32 @!p1 $0x1082;
	[sflag:s4] =	ssyncset.s32 $0xFFFFF086  }
0x25: {  	[simem:s6], [sflag:s4] =	dma.local [hbm:s3], $0xF7A  }
0x26: {  	[smem:$0x3F91] =	sst s1;
	(tag) =	ssettag s2;
	_ =	strace s9  }
0x27: {  	s1 =	sld [smem:$0x3FA1]  }
0x28: {  	s2 =	sld [smem:$0x3FA2]  }
0x29: {  	s4 =	sld [smem:$0x3FA4]  }
0x2a: {  	p0 =	seq.s32 s5, $0x0;
	s5 =	sld [smem:$0x3FA5]  }
0x2b: {  	s6 =	sld [smem:$0x3FA6]  }
0x2c: {  	s7 =	sld [smem:$0x3FA7]  }
0x2d: {  	s3 =	simm.s32 $0x108;
	s8 =	sld [smem:$0x3FA8]  }
0x2e: {  	s3 =	simm.s32 @!p0 $0x1082;
	s9 =	sld [smem:$0x3FA9]  }
0x2f: {  	lr =	sadd.s32 s0, s3;
	s0 =	sld [smem:$0x3FA0]  }
0x30: {  	s3 =	sld [smem:$0x3FA3]  }
0x31: {  	[smem:$0x3FAC] =	sst s10  }
0x32: {  	s10 =	sld [smem:$0x3FAA];
	_ =	sdelay $0x3  }
0x33: {  	p0 =	seq.s32 s10, $0x1;
	s10 =	sld [smem:$0x3FAC];
	_ =	sdelay $0x3  }
0x34: {  	[smem:$0x3FAC] =	sst s10  }
0x35: {  	s10 =	sld [smem:$0x3FAB];
	_ =	sdelay $0x3  }
0x36: {  	p1 =	seq.s32 s10, $0x1;
	s10 =	sld [smem:$0x3FAC];
	_ =	sdelay $0x3  }
0x37: {  	[smem:$0x3FAC] =	sst s10  }
0x38: {  	s10 =	sld [smem:$0x3FAD]  }
0x39: {  	_ = 	snop;
	(pc) =	sbr.ind lr, $3  }
0x3a: {  	_ = 	snop  }
0x3b: {  	_ = 	snop  }
0x3c: {  	p2 =	seq.s32 s10, $0x1;
	s10 =	sld [smem:$0x3FAC]  }
0x3d: {  	_ =	shalt  }
0x3e: {  	_ =	shalt  }
0x3f: {  	_ =	shalt  }
0x40: {  	_ =	shalt  }
0x41: {  	_ =	shalt  }
0x42: {  	_ =	shalt  }
0x43: {  	_ =	shalt  }
0x44: {  	_ =	shalt  }
0x45: {  	_ =	shalt  }
0x46: {  	_ =	shalt  }
0x47: {  	_ =	shalt  }
0x48: {  	_ =	shalt  }
0x49: {  	_ =	shalt  }
0x4a: {  	_ =	shalt  }
0x4b: {  	_ =	shalt  }
0x4c: {  	_ =	shalt  }
0x4d: {  	_ =	shalt  }
0x4e: {  	_ =	shalt  }
0x4f: {  	_ =	shalt  }
0x50: {  	_ =	shalt  }
0x51: {  	_ =	shalt  }
0x52: {  	_ =	shalt  }
0x53: {  	_ =	shalt  }
0x54: {  	_ =	shalt  }
0x55: {  	_ =	shalt  }
0x56: {  	_ =	shalt  }
0x57: {  	_ =	shalt  }
0x58: {  	_ =	shalt  }
0x59: {  	_ =	shalt  }
0x5a: {  	_ =	shalt  }
0x5b: {  	_ =	shalt  }
0x5c: {  	_ =	shalt  }
0x5d: {  	_ =	shalt  }
0x5e: {  	_ =	shalt  }
0x5f: {  	_ =	shalt  }
0x60: {  	_ =	shalt  }
0x61: {  	_ =	shalt  }
0x62: {  	_ =	shalt  }
0x63: {  	_ =	shalt  }
0x64: {  	_ =	shalt  }
0x65: {  	_ =	shalt  }
0x66: {  	_ =	shalt  }
0x67: {  	_ =	shalt  }
0x68: {  	_ =	shalt  }
0x69: {  	_ =	shalt  }
0x6a: {  	_ =	shalt  }
0x6b: {  	_ =	shalt  }
0x6c: {  	_ =	shalt  }
0x6d: {  	_ =	shalt  }
0x6e: {  	_ =	shalt  }
0x6f: {  	_ =	shalt  }
0x70: {  	_ =	shalt  }
0x71: {  	_ =	shalt  }
0x72: {  	_ =	shalt  }
0x73: {  	_ =	shalt  }
0x74: {  	_ =	shalt  }
0x75: {  	_ =	shalt  }
0x76: {  	_ =	shalt  }
0x77: {  	_ =	shalt  }
0x78: {  	_ =	shalt  }
0x79: {  	_ =	shalt  }
0x7a: {  	_ =	shalt  }
0x7b: {  	_ =	shalt  }
0x7c: {  	_ =	shalt  }
0x7d: {  	_ =	shalt  }
0x7e: {  	_ =	shalt  }
0x7f: {  	_ =	shalt  }
0x80: {  	_ =	shalt  }
0x81: {  	_ =	shalt  }
0x82: {  	_ =	shalt  }
0x83: {  	_ =	shalt  }
0x84: {  	_ =	shalt  }
0x85: {  	_ =	shalt  }
0x86: {  	_ =	shalt  }
0x87: {  	_ =	shalt  }
.Lfunc_end0:
.L_simem_size_0:
called_computation_lowered:
.L_overlay_start_0:
0x88: {  	s2 =	sld [smem:$0x3FD9]  }
0x89: {  	s3 =	sld [smem:$0x3FFE];
	_ =	sdelay $0x1  }
0x8a: {  	s1 =	srdreg.scid  }
0x8b: {  	s0 =	sand.u32 $0x1, s1  }
0x8c: {  	s17 =	sshll.u32 s0, $0xA;
	s2 =	sadd.s32 s3, s2  }
0x8d: {  	s2 =	sadd.s32 s2, s17  }
0x8e: {  	[smem:$0x3FB8] =	sst s2  }
0x8f: {  	_ = 	snop  }
0x90: {  	s2 =	sld [smem:$0x3FC9];
	(tm) =	ssettm $0x1  }
0x91: {  	s18 =	sld [smem:$0x3FFB];
	_ =	sdelay $0x3  }
0x92: {  	_ =	strace s18  }
0x93: {  	s3 =	sld [smem:$0x3FFC];
	_ =	sdelay $0x3  }
0x94: {  	_ =	strace s3  }
0x95: {  	s3 =	sld [smem:$0x3FFD];
	_ =	sdelay $0x3  }
0x96: {  	_ =	strace s3  }
0x97: {  	_ =	strace $0x8FFFFFFF  }
0x98: {  	s19 =	sld [smem:$0x3FDB];
	_ =	sdelay $0x1  }
0x99: {  	s4 =	simm.s32 $_scs_section_size  }
0x9a: {  	s5 =	simm.s32 $_size__tile_overlayer_lowered;
	s6 =	simm.s32 $_tile_overlayer_lowered  }
0x9b: {  	s22 =	simm.s32 $0x1BFF;
	s21 =	sshll.u32 s6, $0x1;
	s3 =	sadd.s32 s4, s19  }
0x9c: {  	s7 =	simm.s32 $0x0;
	s20 =	sshll.u32 s5, $0x1;
	s5 =	sadd.s32 s21, s3  }
0x9d: {  	[timem:s7], [sflag:s22] =	dma.local [hbm:s5], s20  }
0x9e: {  	_ =	swait.ge [sflag:s22], s20  }
0x9f: {  	s4 =	ssub.s32 $0x0, s20;
	[sflag:s22] =	ssyncset.done $0x0  }
0xa0: {  	[sflag:s22] =	ssyncadd.s32 s4;
	_ =	sdelay $0x1  }
0xa1: {  	s23 =	simm.s32 $0x1B8B  }
0xa2: {  	_ =	swait.ge [sflag:s23], $0x1  }
0xa3: {  	[sflag:s23] =	ssyncset.done $0x0  }
0xa4: {  	s25 =	simm.s32 $0x1B8E;
	s24 =	sld [smem:$0x3FFE];
	[sflag:s23] =	ssyncadd.s32 $0xFFFFFFFF  }
0xa5: {  	s26 =	simm.s32 $execute0_lowered;
	[smem:$0x3FD2] =	sst s25  }
0xa6: {  	s5 =	sshll.u32 s26, $0x1;
	_ =	strace $0x80000046;
	[dreg:$0x1] =	wrdreg $0xFFFFFFFF  }
0xa7: {  	s28 =	simm.s32 $_size_execute0_lowered;
	s3 =	sadd.s32 s3, s5;
	[dreg:$0x0] =	wrdreg $0x0  }
0xa8: {  	s5 =	sshll.u32 s28, $0x1;
	[dreg:$0x2] =	wrdreg s3  }
0xa9: {  	[dreg:$0x3] =	wrdreg s5  }
0xaa: {  	[dreg:$0x4] =	wrdreg $0xC0  }
0xab: {  	_ =	task [dreg:s7], $0x5FFFF  }
0xac: {  	[dreg:$0x1] =	wrdreg $0xFFFFFFFF  }
0xad: {  	[dreg:$0x0] =	wrdreg $0x60  }
0xae: {  	[dreg:$0x2] =	wrdreg s2  }
0xaf: {  	[dreg:$0x3] =	wrdreg s24  }
0xb0: {  	[dreg:$0x4] =	wrdreg $0xA1000  }
0xb1: {  	[dreg:$0x5] =	wrdreg $0x9  }
0xb2: {  	_ =	task.clear_ibuf [dreg:s7], $0x6FFFF;
	_ =	strace $0x90000046  }
0xb3: {  	s29 =	simm.s32 $0x9;
	_ =	strace $0x80000048  }
0xb4: {  	_ =	swait.ge [sflag:s29], $0x1  }
0xb5: {  	[sflag:s29] =	ssyncadd.s32 $0xFFFFFFFF  }
0xb6: {  	_ =	strace $0x90000048  }
0xb7: {  	_ =	sfence  }
0xb8: {  	s30 =	sld [smem:$0x0];
	_ =	sdelay $0x2  }
0xb9: {  	s31 =	sshll.u32 s1, $0xD;
	s1 =	sshrl.u32 s1, $0x2  }
0xba: {  	s3 =	sand.u32 $0x4000, s31;
	s1 =	sadd.s32 s1, s30  }
0xbb: {  	s0 =	sor.u32 s3, s0;
	s1 =	sshll.u32 s1, $0x11  }
0xbc: {  	s0 =	sor.u32 s1, s0  }
0xbd: {  	s0 =	sadd.s32 $0x8F2B, s0  }
0xbe: {  	[sflag:s0] =	ssyncadd.remote.s32 $0x1  }
0xbf: {  	_ =	sfence.sel $0xFFFF  }
0xc0: {  	[dreg:$0x0] =	wrdreg $0xFFFFFFFF;
	(pc) =	sbr.abs _section_cstart, $3  }
0xc1: {  	[dreg:$0x1] =	wrdreg $0xFFFFFFFF  }
0xc2: {  	_ =	task.clear_ibuf [dreg:s7], $0x2FFFF;
	_ =	strace $0x9FFFFFFF  }
0xc3: {  	(tm) =	ssettm $0x7FFFFFFF  }
tec
execute0_lowered:
.L_overlay_start_1:
0x0: {  	(tag) =	ssettag $0x1  }
0x1: {  	s0 =	srdreg.scid;
	s2 =	rddreg [dreg:$0x0]  }
0x2: {  	s11 =	stileid.u32;
	s6 =	rddreg [dreg:$0x1]  }
0x3: {  	s3 =	rddreg [dreg:$0x2];
	s17 =	simm.s32 $0x8;
	s18 =	simm.s32 $0x2780  }
0x4: {  	s28 =	simm.s32 $0x2880;
	s30 =	simm.s32 $0x7900;
	s4 =	smul.u32 $0x2710, s11  }
0x5: {  	s31 =	simm.s32 $0x2;
	s29 =	simm.s32 $0x3;
	s9 =	smul.u32 $0x4E000, s11  }
0x6: {  	s0 =	sand.u32 $0x1, s0;
	s22 =	smul.u32 $0x13800, s11;
	s25 =	sadd.s32 $0x138000, s3  }
0x7: {  	p0 =	sne.s32 s11, $0xF;
	p1 =	seq.s32 s11, $0xF;
	s1 =	smul.u32 $0x27100, s0  }
0x8: {  	s8 =	ssub.s32 $0x2, s0;
	s0 =	smul.u32 $0x138800, s0;
	s25 =	sshrl.u32 @!p0 s25, $0x3  }
0x9: {  	s10 =	sshrl.u32 s8, $0x1;
	s19 =	sshrl.u32 s9, $0x2;
	s1 =	sadd.s32 s4, s1  }
0xa: {  	s4 =	simm.s32 $0x0;
	s10 =	ssub.s32 s8, s10;
	s8 =	sadd.s32 s19, s3  }
0xb: {  	s9 =	sadd.s32 s22, s0;
	s0 =	sshrl.u32 s0, $0x3;
	s19 =	simm.s32 $0x50  }
0xc: {  	s22 =	simm.s32 $0x5100;
	s5 =	smulhi.u32 $0x3333334, s1;
	[smem:$0x7FF] =	sst s4  }
0xd: {  	s1 =	sshrl.u32 s1, $0x3;
	s24 =	sadd.s32 $0xD000, s8;
	s9 =	sshrl.u32 s9, $0x3  }
0xe: {  	s15 =	smax.u32 s10, $0x1;
	_ =	strace $0x80000047;
	s1 =	sadd.s32 s1, s6  }
0xf: {  	s24 =	sshrl.u32 s24, $0x3;
	s5 =	sshll.u32 s5, $0x4;
	s1 =	sadd.s32 $0x3600, s1  }
0x10: {  	s7 =	sadd.s32 s5, s6;
	s5 =	sadd.s32 $0x1CE00, s6;
	s6 =	sadd.s32 $0x1DC00, s6  }
0x11: {  	[dreg:$0x4] =	wrdreg s1;
	s1 =	sadd.s32 $0x6800, s8;
	s20 =	sadd.s32 $0xD400, s7  }
0x12: {  	s21 =	sadd.s32 $0xD410, s7;
	s12 =	sadd.s32 $0xD420, s7;
	[dreg:$0x5] =	wrdreg s20  }
0x13: {  	s23 =	sadd.s32 $0xD430, s7;
	s26 =	sadd.s32 $0xDBC0, s7;
	[dreg:$0x6] =	wrdreg s21  }
0x14: {  	s0 =	sadd.s32 s6, s0;
	s13 =	sadd.s32 s6, s9;
	[dreg:$0x7] =	wrdreg s12  }
0x15: {  	s16 =	sadd.s32 $0xD460, s7;
	s6 =	simm.s32 $0x6;
	[dreg:$0x8] =	wrdreg s23  }
0x16: {  	s7 =	simm.s32 $0x0;
	[dreg:$0x9] =	wrdreg s26;
	s14 =	sadd.s32 $0x24900, s0  }
0x17: {  	s20 =	simm.s32 $0x2900;
	s21 =	simm.s32 $0x2800;
	s23 =	sshrl.u32 s1, $0x3  }
0x18: {  	s26 =	simm.s32 $0x1;
	s1 =	simm.s32 $0x4;
	s0 =	simm.s32 $0x5  }
.LBB2_1:
0x19: {  	s9 =	rddreg [dreg:$0x4]  }
0x1a: {  	[tilespmem:s4], [sflag:$0x8] =	stream.linear.gather [hbm4b:s9+s4], $0x2710, $0x38;
	[tilespmem:$0x1D980] =	vst v63  }
0x1b: {  	_ =	swait.ge [sflag:s17], $0x2710  }
0x1c: {  	[sflag:s17] =	ssyncset.done $0x0  }
0x1d: {  	s12 =	rddreg [dreg:$0x5];
	[sflag:s17] =	ssyncadd.s32 $0xFFFFD8F0  }
0x1e: {  	[tilespmem:s18], [sflag:$0x1] =	stream.linear.gather [hbm4b:s12+s4], $0x80, $0x38;
	[tilespmem:$0x1D980] =	vst v63  }
0x1f: {  	_ = 	snop  }
0x20: {  	[tilespmem:s20], [sflag:$0x1] =	stream.indirect.gather [hbm4b:s2+s19], $0x80, s4, s19, $0xb8;
	[tilespmem:$0x1D980] =	vst v63  }
0x21: {  	s10 =	rddreg [dreg:$0x6];
	s12 =	sshll.u32 s11, $0x6  }
0x22: {  	[tilespmem:s21], [sflag:$0x2] =	stream.linear.gather [hbm4b:s10+s4], $0x80, $0x38;
	[tilespmem:$0x1D980] =	vst v63  }
0x23: {  	s9 =	sor.u32 $0x1C07, s12;
	s10 =	sshrl.u32 s8, $0x3  }
0x24: {  	[tilespmem:s22], [sflag:$0x2] =	stream.indirect.gather [hbm4b:s2+s19], $0x80, s19, s19, $0xb8;
	[tilespmem:$0x1D980] =	vst v63  }
0x25: {  	[spmem:s10], [sflag:s9] =	dma.local [hbm:s5], $0xD00  }
0x26: {  	s10 =	simm.s32 @p0 $0x7  }
0x27: {  	[spmem:s23], [sflag:s9] =	dma.local [hbm:s5], $0xD00  }
0x28: {  	[spmem:s24], [sflag:s9] =	dma.local [hbm:s5], $0xD00  }
0x29: {  	_ =	swait.ge @p0 [sflag:s10], $0xD00  }
0x2a: {  	[sflag:s10] =	ssyncset.done @p0 $0x0  }
0x2b: {  	[sflag:s10] =	ssyncadd.s32 @p0 $0xFFFFF300  }
0x2c: {  	_ =	swait.ge @p0 [sflag:s10], $0xD00  }
0x2d: {  	[sflag:s10] =	ssyncset.done @p0 $0x0  }
0x2e: {  	[sflag:s10] =	ssyncadd.s32 @p0 $0xFFFFF300  }
0x2f: {  	_ =	swait.ge @p0 [sflag:s10], $0xD00  }
0x30: {  	[sflag:s10] =	ssyncset.done @p0 $0x0  }
0x31: {  	[sflag:s10] =	ssyncadd.s32 @p0 $0xFFFFF300  }
0x32: {  	[spmem:s25], [sflag:s9] =	dma.local @!p0 [hbm:s5], $0x100  }
0x33: {  	s9 =	simm.s32 @!p0 $0x7  }
0x34: {  	_ =	swait.ge @!p0 [sflag:s9], $0xD00  }
0x35: {  	[sflag:s9] =	ssyncset.done @!p0 $0x0  }
0x36: {  	[sflag:s9] =	ssyncadd.s32 @!p0 $0xFFFFF300  }
0x37: {  	_ =	swait.ge @!p0 [sflag:s9], $0xD00  }
0x38: {  	[sflag:s9] =	ssyncset.done @!p0 $0x0  }
0x39: {  	[sflag:s9] =	ssyncadd.s32 @!p0 $0xFFFFF300  }
0x3a: {  	_ =	swait.ge @!p0 [sflag:s9], $0xD00  }
0x3b: {  	[sflag:s9] =	ssyncset.done @!p0 $0x0  }
0x3c: {  	[sflag:s9] =	ssyncadd.s32 @!p0 $0xFFFFF300  }
0x3d: {  	_ =	swait.ge @!p0 [sflag:s9], $0x100  }
0x3e: {  	[sflag:s9] =	ssyncset.done @!p0 $0x0  }
0x3f: {  	[sflag:s9] =	ssyncadd.s32 @!p0 $0xFFFFFF00  }
0x40: {  	[bflag:$0x0] =	sbarrier.arrive $0xFFFF  }
0x41: {  	_ =	swait.ge [sflag:s26], $0x80  }
0x42: {  	[sflag:s26] =	ssyncset.done $0x0  }
0x43: {  	[sflag:s26] =	ssyncadd.s32 $0xFFFFFF80  }
0x44: {  	_ =	swait.ge [sflag:s26], $0x2800  }
0x45: {  	[sflag:s26] =	ssyncset.done $0x0  }
0x46: {  	s10 =	rddreg [dreg:$0x7];
	[sflag:s26] =	ssyncadd.s32 $0xFFFFD800  }
0x47: {  	[tilespmem:s28], [sflag:$0x3] =	stream.linear.gather [hbm4b:s10+s4], $0x80, $0x38;
	[tilespmem:$0x1D980] =	vst v63  }
0x48: {  	s11 =	simm.s32 $0xA0  }
0x49: {  	[tilespmem:s30], [sflag:$0x3] =	stream.indirect.gather [hbm4b:s2+s19], $0x80, s11, s19, $0xb8;
	[tilespmem:$0x1D980] =	vst v63  }
0x4a: {  	_ = 	snop  }
0x4b: {  	[spmem:s3] =	stream.indirect.scatter.add.f32 [tilespmem:s20], [sflag:$0x4], $0x80, s18, s19, $0xb8;
	[tilespmem:$0x1D980] =	vst v63  }
0x4c: {  	_ =	swait.ge [sflag:s31], $0x80  }
0x4d: {  	[sflag:s31] =	ssyncset.done $0x0  }
0x4e: {  	[sflag:s31] =	ssyncadd.s32 $0xFFFFFF80  }
0x4f: {  	_ =	swait.ge [sflag:s31], $0x2800  }
0x50: {  	[sflag:s31] =	ssyncset.done $0x0  }
0x51: {  	[sflag:s31] =	ssyncadd.s32 $0xFFFFD800  }
0x52: {  	_ =	swait.ge [sflag:s1], $0x2800  }
0x53: {  	[sflag:s1] =	ssyncset.done $0x0  }
0x54: {  	s12 =	rddreg [dreg:$0x8];
	[sflag:s1] =	ssyncadd.s32 $0xFFFFD800  }
0x55: {  	[tilespmem:s18], [sflag:$0x1] =	stream.linear.gather [hbm4b:s12+s4], $0x80, $0x38;
	[tilespmem:$0x1D980] =	vst v63  }
0x56: {  	s10 =	simm.s32 $0xF0  }
0x57: {  	[tilespmem:s20], [sflag:$0x1] =	stream.indirect.gather [hbm4b:s2+s19], $0x80, s10, s19, $0xb8;
	[tilespmem:$0x1D980] =	vst v63  }
0x58: {  	_ = 	snop  }
0x59: {  	[spmem:s3] =	stream.indirect.scatter.add.f32 [tilespmem:s22], [sflag:$0x5], $0x80, s21, s19, $0xb8;
	[tilespmem:$0x1D980] =	vst v63  }
0x5a: {  	_ =	swait.ge [sflag:s29], $0x80  }
0x5b: {  	[sflag:s29] =	ssyncset.done $0x0  }
0x5c: {  	[sflag:s29] =	ssyncadd.s32 $0xFFFFFF80  }
0x5d: {  	_ =	swait.ge [sflag:s29], $0x2800  }
0x5e: {  	[sflag:s29] =	ssyncset.done $0x0  }
0x5f: {  	[sflag:s29] =	ssyncadd.s32 $0xFFFFD800  }
0x60: {  	_ =	swait.ge [sflag:s0], $0x2800  }
0x61: {  	[sflag:s0] =	ssyncset.done $0x0  }
0x62: {  	s11 =	sadd.s32 $0xFFFFFFE0, s16;
	[sflag:s0] =	ssyncadd.s32 $0xFFFFD800  }
0x63: {  	[tilespmem:s21], [sflag:$0x2] =	stream.linear.gather [hbm4b:s11+s4], $0x80, $0x38;
	[tilespmem:$0x1D980] =	vst v63  }
0x64: {  	s12 =	simm.s32 $0x140  }
0x65: {  	[tilespmem:s22], [sflag:$0x2] =	stream.indirect.gather [hbm4b:s2+s19], $0x80, s12, s19, $0xb8;
	[tilespmem:$0x1D980] =	vst v63  }
0x66: {  	_ = 	snop  }
0x67: {  	[spmem:s3] =	stream.indirect.scatter.add.f32 [tilespmem:s30], [sflag:$0x6], $0x80, s28, s19, $0xb8;
	[tilespmem:$0x1D980] =	vst v63  }
0x68: {  	_ =	swait.ge [sflag:s26], $0x80  }
0x69: {  	[sflag:s26] =	ssyncset.done $0x0  }
0x6a: {  	[sflag:s26] =	ssyncadd.s32 $0xFFFFFF80  }
0x6b: {  	_ =	swait.ge [sflag:s26], $0x2800  }
0x6c: {  	[sflag:s26] =	ssyncset.done $0x0  }
0x6d: {  	[sflag:s26] =	ssyncadd.s32 $0xFFFFD800  }
0x6e: {  	_ =	swait.ge [sflag:s6], $0x2800  }
0x6f: {  	[sflag:s6] =	ssyncset.done $0x0  }
0x70: {  	s10 =	sadd.s32 $0xFFFFFFF0, s16;
	[sflag:s6] =	ssyncadd.s32 $0xFFFFD800  }
0x71: {  	[tilespmem:s28], [sflag:$0x3] =	stream.linear.gather [hbm4b:s10+s4], $0x80, $0x38;
	[tilespmem:$0x1D980] =	vst v63  }
0x72: {  	s11 =	simm.s32 $0x190  }
0x73: {  	[tilespmem:s30], [sflag:$0x3] =	stream.indirect.gather [hbm4b:s2+s19], $0x80, s11, s19, $0xb8;
	[tilespmem:$0x1D980] =	vst v63  }
0x74: {  	_ = 	snop  }
0x75: {  	[spmem:s3] =	stream.indirect.scatter.add.f32 [tilespmem:s20], [sflag:$0x4], $0x80, s18, s19, $0xb8;
	[tilespmem:$0x1D980] =	vst v63  }
0x76: {  	_ =	swait.ge [sflag:s31], $0x80  }
0x77: {  	[sflag:s31] =	ssyncset.done $0x0  }
0x78: {  	[sflag:s31] =	ssyncadd.s32 $0xFFFFFF80  }
0x79: {  	_ =	swait.ge [sflag:s31], $0x2800  }
0x7a: {  	[sflag:s31] =	ssyncset.done $0x0  }
0x7b: {  	[sflag:s31] =	ssyncadd.s32 $0xFFFFD800  }
0x7c: {  	_ =	swait.ge [sflag:s1], $0x2800  }
0x7d: {  	[sflag:s1] =	ssyncset.done $0x0  }
0x7e: {  	[sflag:s1] =	ssyncadd.s32 $0xFFFFD800  }
0x7f: {  	[tilespmem:s18], [sflag:$0x1] =	stream.linear.gather [hbm4b:s16+s4], $0x80, $0x38;
	[tilespmem:$0x1D980] =	vst v63  }
0x80: {  	s9 =	simm.s32 $0x3C0;
	s12 =	simm.s32 $0x1E0;
	s10 =	sadd.s32 $0x30, s16  }
0x81: {  	[tilespmem:s20], [sflag:$0x1] =	stream.indirect.gather [hbm4b:s2+s19], $0x80, s12, s19, $0xb8;
	[tilespmem:$0x1D980] =	vst v63  }
.LBB2_2:
0x82: {  	[spmem:s3] =	stream.indirect.scatter.add.f32 [tilespmem:s22], [sflag:$0x5], $0x80, s21, s19, $0xb8;
	[tilespmem:$0x1D980] =	vst v63  }
0x83: {  	s11 =	smov.u32 s9  }
0x84: {  	p2 =	sne.s32 s9, $0x9240;
	s9 =	sadd.s32 $0x3C0, s9;
	_ =	swait.ge [sflag:s29], $0x80  }
0x85: {  	[sflag:s29] =	ssyncset.done $0x0  }
0x86: {  	[sflag:s29] =	ssyncadd.s32 $0xFFFFFF80  }
0x87: {  	_ =	swait.ge [sflag:s29], $0x2800  }
0x88: {  	[sflag:s29] =	ssyncset.done $0x0  }
0x89: {  	[sflag:s29] =	ssyncadd.s32 $0xFFFFD800  }
0x8a: {  	_ =	swait.ge [sflag:s0], $0x2800  }
0x8b: {  	[sflag:s0] =	ssyncset.done $0x0  }
0x8c: {  	s12 =	sadd.s32 $0xFFFFFFE0, s10;
	s11 =	sshra.s32 s11, $0x2;
	[sflag:s0] =	ssyncadd.s32 $0xFFFFD800  }
0x8d: {  	[tilespmem:s21], [sflag:$0x2] =	stream.linear.gather [hbm4b:s12+s4], $0x80, $0x38;
	[tilespmem:$0x1D980] =	vst v63  }
0x8e: {  	s12 =	sadd.s32 $0x140, s11  }
0x8f: {  	[tilespmem:s22], [sflag:$0x2] =	stream.indirect.gather [hbm4b:s2+s19], $0x80, s12, s19, $0xb8;
	[tilespmem:$0x1D980] =	vst v63  }
0x90: {  	_ = 	snop  }
0x91: {  	[spmem:s3] =	stream.indirect.scatter.add.f32 [tilespmem:s30], [sflag:$0x6], $0x80, s28, s19, $0xb8;
	[tilespmem:$0x1D980] =	vst v63  }
0x92: {  	_ =	swait.ge [sflag:s26], $0x80  }
0x93: {  	[sflag:s26] =	ssyncset.done $0x0  }
0x94: {  	[sflag:s26] =	ssyncadd.s32 $0xFFFFFF80  }
0x95: {  	_ =	swait.ge [sflag:s26], $0x2800  }
0x96: {  	[sflag:s26] =	ssyncset.done $0x0  }
0x97: {  	[sflag:s26] =	ssyncadd.s32 $0xFFFFD800  }
0x98: {  	_ =	swait.ge [sflag:s6], $0x2800  }
0x99: {  	[sflag:s6] =	ssyncset.done $0x0  }
0x9a: {  	s12 =	sadd.s32 $0xFFFFFFF0, s10;
	[sflag:s6] =	ssyncadd.s32 $0xFFFFD800  }
0x9b: {  	[tilespmem:s28], [sflag:$0x3] =	stream.linear.gather [hbm4b:s12+s4], $0x80, $0x38;
	[tilespmem:$0x1D980] =	vst v63  }
0x9c: {  	s12 =	sadd.s32 $0x190, s11  }
0x9d: {  	[tilespmem:s30], [sflag:$0x3] =	stream.indirect.gather [hbm4b:s2+s19], $0x80, s12, s19, $0xb8;
	[tilespmem:$0x1D980] =	vst v63  }
0x9e: {  	_ = 	snop  }
0x9f: {  	[spmem:s3] =	stream.indirect.scatter.add.f32 [tilespmem:s20], [sflag:$0x4], $0x80, s18, s19, $0xb8;
	[tilespmem:$0x1D980] =	vst v63  }
0xa0: {  	_ =	swait.ge [sflag:s31], $0x80  }
0xa1: {  	[sflag:s31] =	ssyncset.done $0x0  }
0xa2: {  	[sflag:s31] =	ssyncadd.s32 $0xFFFFFF80  }
0xa3: {  	_ =	swait.ge [sflag:s31], $0x2800  }
0xa4: {  	[sflag:s31] =	ssyncset.done $0x0  }
0xa5: {  	[sflag:s31] =	ssyncadd.s32 $0xFFFFD800  }
0xa6: {  	_ =	swait.ge [sflag:s1], $0x2800  }
0xa7: {  	[sflag:s1] =	ssyncset.done $0x0  }
.Ltmp0:
0xa8: {  	[sflag:s1] =	ssyncadd.s32 $0xFFFFD800;
	(pc) =	sbr.rel @p2 .LBB2_2-.Ltmp0, $4  }
0xa9: {  	[tilespmem:s18], [sflag:$0x1] =	stream.linear.gather [hbm4b:s10+s4], $0x80, $0x38;
	[tilespmem:$0x1D980] =	vst v63  }
0xaa: {  	s11 =	sadd.s32 $0x1E0, s11  }
0xab: {  	[tilespmem:s20], [sflag:$0x1] =	stream.indirect.gather [hbm4b:s2+s19], $0x80, s11, s19, $0xb8;
	[tilespmem:$0x1D980] =	vst v63  }
0xac: {  	s10 =	sadd.s32 $0x30, s10  }
0xad: {  	[spmem:s3] =	stream.indirect.scatter.add.f32 [tilespmem:s22], [sflag:$0x5], $0x80, s21, s19, $0xb8;
	[tilespmem:$0x1D980] =	vst v63  }
0xae: {  	_ =	swait.ge [sflag:s29], $0x80  }
0xaf: {  	[sflag:s29] =	ssyncset.done $0x0  }
0xb0: {  	[sflag:s29] =	ssyncadd.s32 $0xFFFFFF80  }
0xb1: {  	_ =	swait.ge [sflag:s29], $0x2800  }
0xb2: {  	[sflag:s29] =	ssyncset.done $0x0  }
0xb3: {  	[sflag:s29] =	ssyncadd.s32 $0xFFFFD800  }
0xb4: {  	_ =	swait.ge [sflag:s0], $0x2800  }
0xb5: {  	[sflag:s0] =	ssyncset.done $0x0  }
0xb6: {  	s9 =	rddreg [dreg:$0x9];
	[sflag:s0] =	ssyncadd.s32 $0xFFFFD800  }
0xb7: {  	[tilespmem:s21], [sflag:$0x2] =	stream.linear.gather [hbm4b:s9+s4], $0x80, $0x38;
	[tilespmem:$0x1D980] =	vst v63  }
0xb8: {  	s12 =	simm.s32 $0x26C0  }
0xb9: {  	[tilespmem:s22], [sflag:$0x2] =	stream.indirect.gather [hbm4b:s2+s19], $0x80, s12, s19, $0xb8;
	[tilespmem:$0x1D980] =	vst v63  }
0xba: {  	_ = 	snop  }
0xbb: {  	[spmem:s3] =	stream.indirect.scatter.add.f32 [tilespmem:s30], [sflag:$0x6], $0x80, s28, s19, $0xb8;
	[tilespmem:$0x1D980] =	vst v63  }
0xbc: {  	_ =	swait.ge [sflag:s26], $0x80  }
0xbd: {  	[sflag:s26] =	ssyncset.done $0x0  }
0xbe: {  	[sflag:s26] =	ssyncadd.s32 $0xFFFFFF80  }
0xbf: {  	_ =	swait.ge [sflag:s26], $0x2800  }
0xc0: {  	[sflag:s26] =	ssyncset.done $0x0  }
0xc1: {  	[sflag:s26] =	ssyncadd.s32 $0xFFFFD800  }
0xc2: {  	_ =	swait.ge [sflag:s6], $0x2800  }
0xc3: {  	[sflag:s6] =	ssyncset.done $0x0  }
0xc4: {  	[sflag:s6] =	ssyncadd.s32 $0xFFFFD800  }
0xc5: {  	[spmem:s3] =	stream.indirect.scatter.add.f32 [tilespmem:s20], [sflag:$0x4], $0x80, s18, s19, $0xb8;
	[tilespmem:$0x1D980] =	vst v63  }
0xc6: {  	_ =	swait.ge [sflag:s31], $0x80  }
0xc7: {  	[sflag:s31] =	ssyncset.done $0x0  }
0xc8: {  	[sflag:s31] =	ssyncadd.s32 $0xFFFFFF80  }
0xc9: {  	_ =	swait.ge [sflag:s31], $0x2800  }
0xca: {  	[sflag:s31] =	ssyncset.done $0x0  }
0xcb: {  	[sflag:s31] =	ssyncadd.s32 $0xFFFFD800  }
0xcc: {  	_ =	swait.ge [sflag:s1], $0x2800  }
0xcd: {  	[sflag:s1] =	ssyncset.done $0x0  }
0xce: {  	[sflag:s1] =	ssyncadd.s32 $0xFFFFD800  }
0xcf: {  	[spmem:s3] =	stream.indirect.scatter.add.f32 [tilespmem:s22], [sflag:$0x5], $0x80, s21, s19, $0xb8;
	[tilespmem:$0x1D980] =	vst v63  }
0xd0: {  	_ =	swait.ge [sflag:s0], $0x2800  }
0xd1: {  	[sflag:s0] =	ssyncset.done $0x0  }
0xd2: {  	[sflag:s0] =	ssyncadd.s32 $0xFFFFD800  }
0xd3: {  	s10 =	simm.s32 @p1 $0x1FC8;
	s9 =	sshrl.u32 @p1 s8, $0x3;
	[bflag:$0x0] =	sbarrier.arrive $0xFFFF  }
0xd4: {  	[hbm:s14], [sflag:s10] =	dma.local @p1 [spmem:s9], $0x2800  }
0xd5: {  	s9 =	simm.s32 @p1 $0x8  }
0xd6: {  	s11 =	stileid.u32;
	s7 =	sadd.s32 $0x1, s7;
	_ =	swait.ge @p1 [sflag:s9], $0x2800  }
0xd7: {  	p2 =	sne.s32 s7, s15;
	s10 =	sshll.u32 @!p1 s11, $0x6;
	[sflag:s9] =	ssyncset.done @p1 $0x0  }
0xd8: {  	[sflag:s9] =	ssyncadd.s32 @p1 $0xFFFFD800;
	s9 =	sor.u32 @!p1 $0x1C08, s10;
	s10 =	sshrl.u32 @!p1 s8, $0x3  }
0xd9: {  	[hbm:s13], [sflag:s9] =	dma.local @!p1 [spmem:s10], $0x2700  }
.Ltmp1:
0xda: {  	_ = 	snop;
	(pc) =	sbr.rel @p2 .LBB2_1-.Ltmp1, $4  }
0xdb: {  	s9 =	simm.s32 @!p1 $0x8  }
0xdc: {  	_ =	swait.ge @!p1 [sflag:s9], $0x2700  }
0xdd: {  	[sflag:s9] =	ssyncset.done @!p1 $0x0  }
0xde: {  	[sflag:s9] =	ssyncadd.s32 @!p1 $0xFFFFD900  }
0xdf: {  	_ =	sfence.sel $0x180000  }
0xe0: {  	[bflag:$0x0] =	sbarrier.arrive $0xFFFF  }
0xe1: {  	_ =	strace $0x90000047  }
0xe2: {  	[bflag:$0x2] =	sbarrier.arrive $0xFFFF  }
0xe3: {  	p0 =	sne.s32 s11, $0x0;
	s0 =	rddreg [dreg:$0x3]  }
0xe4: {  	s0 =	sadd.s32 @!p0 $0x100000, s0  }
0xe5: {  	[sflag:s0] =	ssyncadd.tile.s32 @!p0 $0x1;
	_ =	shalt  }
.Lfunc_end2:
_tile_overlayer_lowered:
.L_overlay_start_2:
0xe6: {  	(tag) =	ssettag $0x2  }
0xe7: {  	s0 =	rddreg [dreg:$0x0];
	s2 =	stileid.u32  }
0xe8: {  	s1 =	rddreg [dreg:$0x1];
	p0 =	sne.s32 s2, $0x0  }
0xe9: {  	s3 =	rddreg [dreg:$0x2];
	[bflag:$0x3] =	sbarrier.arrive $0xFFFF;
	s2 =	simm.s32 @!p0 $0x1C08  }
0xea: {  	[timem:s3], [sflag:s2] =	dma.local @!p0 [hbm:s0], s1  }
0xeb: {  	s0 =	simm.s32 @!p0 $0x8  }
0xec: {  	_ =	swait.ge @!p0 [sflag:s0], s1  }
0xed: {  	s1 =	ssub.s32 @!p0 $0x0, s1;
	[sflag:s0] =	ssyncset.done @!p0 $0x0  }
0xee: {  	[sflag:s0] =	ssyncadd.s32 @!p0 s1  }
0xef: {  	[bflag:$0x3] =	sbarrier.arrive $0xFFFF  }
0xf0: {  	_ =	shalt  }

</sc_bundles>
